<compile_context>
chip_gen: v7x
topology: tpu7x:2x2x1
jax: 0.10.2.dev20260603
libtpu: 0.0.44.dev20260713+nightly
codegen_flags: <defaults>
</compile_context>

<pallas_src>
import functools

import jax
import jax.numpy as jnp
from jax import lax
from jax.experimental import pallas as pl
from jax.experimental.pallas import tpu as pltpu
from jax.experimental.pallas import tpu_sc as plsc

_NC = 2
_NS = 16
_LANES = 16
_NW = _NC * _NS

_COLS = 16384
_SC_ROWS = 1024
_TC_BR = 64
_CH = 16384

_LN_C = (-5.64376258e-02, 2.22331108e-01, -4.70228830e-01,
         9.97467841e-01, 8.39552546e-06)
_LN2 = 0.6931471805599453


def _focal_neg_term(x, g):
    y = 1.0 / (1.0 + jnp.exp(x))
    y = jnp.minimum(jnp.maximum(y, 1e-4), 1.0 - 1e-4)
    s = 1.0 - y
    bits = lax.bitcast_convert_type(y, jnp.int32)
    ef = ((bits >> 23) - 127).astype(jnp.float32)
    m = lax.bitcast_convert_type(
        (bits & 0x007FFFFF) | 0x3F800000, jnp.float32)
    t = m - 1.0
    p = jnp.float32(_LN_C[0])
    for c in _LN_C[1:]:
        p = p * t + jnp.float32(c)
    log_y = ef * jnp.float32(_LN2) + p
    gt = 1.0 - g
    gt2 = gt * gt
    return log_y * (s * s) * (gt2 * gt2)


def _make_sc_kernel(B, C, HW, M, n_flat):
    n_items = B * M
    n = n_items // _NW
    assert n % _LANES == 0 and n % 8 == 0
    span = _SC_ROWS * _COLS // _NW
    nch = span // _CH
    assert span % _CH == 0 and nch % 2 == 0
    assert _SC_ROWS * _COLS <= n_flat

    @functools.partial(
        pl.kernel,
        mesh=plsc.VectorSubcoreMesh(core_axis_name="c", subcore_axis_name="s"),
        out_type=(
            jax.ShapeDtypeStruct((n_items,), jnp.float32),
            jax.ShapeDtypeStruct((n_items,), jnp.float32),
            jax.ShapeDtypeStruct((n_items,), jnp.float32),
            jax.ShapeDtypeStruct((n_items,), jnp.float32),
            jax.ShapeDtypeStruct((n_items,), jnp.float32),
            jax.ShapeDtypeStruct((_NW * _LANES,), jnp.float32),
        ),
        scratch_types=[
            pltpu.VMEM((n,), jnp.int32),
            pltpu.VMEM((n,), jnp.int32),
            pltpu.VMEM((n,), jnp.int32),
            pltpu.VMEM((n,), jnp.int32),
            pltpu.VMEM((n,), jnp.int32),
            pltpu.VMEM((n,), jnp.float32),
            pltpu.VMEM((n,), jnp.float32),
            pltpu.VMEM((n,), jnp.float32),
            pltpu.VMEM((n,), jnp.float32),
            pltpu.VMEM((n,), jnp.float32),
            pltpu.VMEM((_CH,), jnp.float32),
            pltpu.VMEM((_CH,), jnp.float32),
            pltpu.VMEM((_CH,), jnp.float32),
            pltpu.VMEM((_CH,), jnp.float32),
            pltpu.VMEM((_LANES,), jnp.float32),
            pltpu.SemaphoreType.DMA,
            pltpu.SemaphoreType.DMA,
            pltpu.SemaphoreType.DMA,
            pltpu.SemaphoreType.DMA,
            pltpu.SemaphoreType.DMA,
            pltpu.SemaphoreType.DMA,
            pltpu.SemaphoreType.DMA,
            pltpu.SemaphoreType.DMA,
            pltpu.SemaphoreType.DMA,
        ],
    )
    def sc_kernel(hm_hbm, gt_hbm, reg_hbm, wh_hbm, ind_hbm, cat_hbm,
                  pos_o, r0_o, r1_o, w0_o, w1_o, part_o,
                  ind_v, cat_v, pidx, c0idx, c1idx,
                  pval, r0val, r1val, w0val, w1val,
                  xb0, xb1, gb0, gb1, acc_v,
                  sp, sr0, sr1, sw0, sw1, sx0, sx1, sg0, sg1):
        wid = lax.axis_index("s") * _NC + lax.axis_index("c")
        base = wid * n
        b = base // M
        off0 = wid * span

        def issue(ch, xb, gb, sx, sg):
            sl = pl.ds(off0 + ch * _CH, _CH)
            pltpu.make_async_copy(hm_hbm.at[sl], xb, sx).start()
            pltpu.make_async_copy(gt_hbm.at[sl], gb, sg).start()

        def wait(ch, xb, gb, sx, sg):
            sl = pl.ds(off0 + ch * _CH, _CH)
            pltpu.make_async_copy(hm_hbm.at[sl], xb, sx).wait()
            pltpu.make_async_copy(gt_hbm.at[sl], gb, sg).wait()

        def chunk_sum(xb, gb, a0):
            def body(j, accs):
                a, b2, c2, d = accs
                o = j * (8 * _LANES)
                for u in range(2):
                    v0 = pl.ds(o + (4 * u) * _LANES, _LANES)
                    v1 = pl.ds(o + (4 * u + 1) * _LANES, _LANES)
                    v2 = pl.ds(o + (4 * u + 2) * _LANES, _LANES)
                    v3 = pl.ds(o + (4 * u + 3) * _LANES, _LANES)
                    a = a + _focal_neg_term(xb[v0], gb[v0])
                    b2 = b2 + _focal_neg_term(xb[v1], gb[v1])
                    c2 = c2 + _focal_neg_term(xb[v2], gb[v2])
                    d = d + _focal_neg_term(xb[v3], gb[v3])
                return (a, b2, c2, d)
            z = jnp.zeros((_LANES,), jnp.float32)
            a, b2, c2, d = lax.fori_loop(0, _CH // (8 * _LANES), body,
                                         (z, z, z, z))
            return a0 + (a + b2) + (c2 + d)

        issue(0, xb0, gb0, sx0, sg0)
        issue(1, xb1, gb1, sx1, sg1)

        pltpu.sync_copy(ind_hbm.at[pl.ds(base, n)], ind_v)
        pltpu.sync_copy(cat_hbm.at[pl.ds(base, n)], cat_v)
        for j in range(n // _LANES):
            sl = pl.ds(j * _LANES, _LANES)
            iv = ind_v[sl]
            pidx[sl] = (b * C + cat_v[sl]) * HW + iv
            c0idx[sl] = (b * 2) * HW + iv
            c1idx[sl] = (b * 2 + 1) * HW + iv
        h_p = pltpu.async_copy(hm_hbm.at[pidx], pval, sp)
        h_r0 = pltpu.async_copy(reg_hbm.at[c0idx], r0val, sr0)
        h_r1 = pltpu.async_copy(reg_hbm.at[c1idx], r1val, sr1)
        h_w0 = pltpu.async_copy(wh_hbm.at[c0idx], w0val, sw0)
        h_w1 = pltpu.async_copy(wh_hbm.at[c1idx], w1val, sw1)

        def outer(k, acc):
            c0 = 2 * k
            wait(c0, xb0, gb0, sx0, sg0)
            acc = chunk_sum(xb0, gb0, acc)

            @pl.when(c0 + 2 < nch)
            def _():
                issue(c0 + 2, xb0, gb0, sx0, sg0)

            wait(c0 + 1, xb1, gb1, sx1, sg1)
            acc = chunk_sum(xb1, gb1, acc)

            @pl.when(c0 + 3 < nch)
            def _():
                issue(c0 + 3, xb1, gb1, sx1, sg1)

            return acc

        acc = lax.fori_loop(0, nch // 2, outer,
                            jnp.zeros((_LANES,), jnp.float32))
        acc_v[...] = acc
        pltpu.sync_copy(acc_v, part_o.at[pl.ds(wid * _LANES, _LANES)])

        for h, val, o in ((h_p, pval, pos_o), (h_r0, r0val, r0_o),
                          (h_r1, r1val, r1_o), (h_w0, w0val, w0_o),
                          (h_w1, w1val, w1_o)):
            h.wait()
            pltpu.sync_copy(val, o.at[pl.ds(base, n)])

    return sc_kernel


def _tc_dense_body(x_ref, g_ref, out_ref, acc_ref):
    i = pl.program_id(0)
    part = jnp.sum(_focal_neg_term_tc(x_ref[...], g_ref[...]))

    @pl.when(i == 0)
    def _():
        acc_ref[0] = part

    @pl.when(i > 0)
    def _():
        acc_ref[0] = acc_ref[0] + part

    @pl.when(i == pl.num_programs(0) - 1)
    def _():
        out_ref[0] = acc_ref[0]


def _focal_neg_term_tc(x, g):
    s = jnp.clip(1.0 / (1.0 + jnp.exp(-x)), 1e-4, 1.0 - 1e-4)
    gt = 1.0 - g
    gt2 = gt * gt
    return jnp.log(1.0 - s) * (s * s) * (gt2 * gt2)


def _tc_final_body(negp_ref, part_ref, pos_ref, m_ref, rp_ref, rt_ref,
                   rm_ref, wp_ref, wt_ref, wm_ref, out_ref):
    neg_loss = negp_ref[0] + jnp.sum(part_ref[...])
    p = jnp.clip(1.0 / (1.0 + jnp.exp(-pos_ref[...])), 1e-4, 1.0 - 1e-4)
    mf = m_ref[...]
    num_pos = jnp.sum(mf)
    one_m_p = 1.0 - p
    pos_loss = jnp.sum(jnp.log(p) * (one_m_p * one_m_p) * mf)
    hm_loss = jnp.where(
        num_pos == 0.0,
        -neg_loss,
        -(pos_loss + neg_loss) / jnp.maximum(num_pos, 1.0),
    )

    rm = rm_ref[...]
    reg_loss = (jnp.sum(jnp.abs(rp_ref[...] * rm - rt_ref[...] * rm))
                / (jnp.sum(rm) + 1e-4))
    wm = wm_ref[...]
    wh_loss = (jnp.sum(jnp.abs(wp_ref[...] * wm - wt_ref[...] * wm))
               / (jnp.sum(wm) + 1e-4))

    out_ref[0] = 1.0 * hm_loss + 1.0 * reg_loss + 0.1 * wh_loss
    out_ref[1] = hm_loss
    out_ref[2] = reg_loss
    out_ref[3] = wh_loss


def kernel(hm_out, hm_gt, reg_out, reg_target, reg_mask,
           wh_out, wh_target, wh_mask, mask, ind, cat):
    B, C, H, W = hm_out.shape
    M = ind.shape[1]
    HW = H * W
    n_flat = B * C * H * W
    nrows = n_flat // _COLS

    hm_flat = hm_out.reshape(-1)
    gt_flat = hm_gt.reshape(-1)

    sc_kernel = _make_sc_kernel(B, C, HW, M, n_flat)
    pos, r0, r1, w0, w1, part = sc_kernel(
        hm_flat, gt_flat, reg_out.reshape(-1), wh_out.reshape(-1),
        ind.reshape(-1), cat.reshape(-1))

    x2d = hm_flat.reshape(nrows, _COLS)
    g2d = gt_flat.reshape(nrows, _COLS)
    row0 = _SC_ROWS // _TC_BR
    grid = (nrows - _SC_ROWS) // _TC_BR
    negp = pl.pallas_call(
        _tc_dense_body,
        grid=(grid,),
        in_specs=[
            pl.BlockSpec((_TC_BR, _COLS), lambda i: (i + row0, 0)),
            pl.BlockSpec((_TC_BR, _COLS), lambda i: (i + row0, 0)),
        ],
        out_specs=pl.BlockSpec(memory_space=pltpu.SMEM),
        out_shape=jax.ShapeDtypeStruct((1,), jnp.float32),
        scratch_shapes=[pltpu.SMEM((1,), jnp.float32)],
    )(x2d, g2d)

    pos2 = pos.reshape(B, M)
    rp = jnp.stack([r0.reshape(B, M), r1.reshape(B, M)])
    wp = jnp.stack([w0.reshape(B, M), w1.reshape(B, M)])
    rt = jnp.moveaxis(reg_target, 2, 0)
    rm = jnp.moveaxis(reg_mask, 2, 0)
    wt = jnp.moveaxis(wh_target, 2, 0)
    wm = jnp.moveaxis(wh_mask, 2, 0)
    part2 = part.reshape(4, 128)

    smem = pl.BlockSpec(memory_space=pltpu.SMEM)
    out = pl.pallas_call(
        _tc_final_body,
        in_specs=[smem] + [pl.BlockSpec(None)] * 9,
        out_specs=smem,
        out_shape=jax.ShapeDtypeStruct((4,), jnp.float32),
    )(negp, part2, pos2, mask, rp, rt, rm, wp, wt, wm)

    return (out[0].reshape(()), out[1].reshape(()),
            out[2].reshape(()), out[3].reshape(()))

# --- scband reference (transcript-rebuilt; emitter-appended) ---
"""Pipeline reference for scband-loss-with-strategy-17884243820884 (READ-ONLY COPY).

The authoritative reference and input builder live on the scoring server;
editing this copy changes nothing except your own understanding.
"""

import jax, jax.numpy as jnp
import numpy as np


def _sigmoid(x):
    return jnp.clip(jax.nn.sigmoid(x), 1e-4, 1.0 - 1e-4)


def _transpose_and_gather(feat, ind):
    # feat: B x C x H x W ; ind: B x M -> B x M x C
    B, C, H, W = feat.shape
    f = jnp.transpose(feat, (0, 2, 3, 1)).reshape(B, H * W, C)
    idx = jnp.broadcast_to(ind[:, :, None], (B, ind.shape[1], C))
    return jnp.take_along_axis(f, idx, axis=1)


def _fast_focal(out, target, ind, mask, cat):
    # out, target: B x C x H x W ; ind, mask, cat: B x M
    maskf = mask.astype(jnp.float32)
    gt = jnp.power(1.0 - target, 4)
    neg_loss = jnp.sum(jnp.log(1.0 - out) * jnp.power(out, 2) * gt)
    pos_pred_pix = _transpose_and_gather(out, ind)  # B x M x C
    pos_pred = jnp.take_along_axis(pos_pred_pix, cat[:, :, None], axis=2)  # B x M x 1
    num_pos = jnp.sum(maskf)
    pos_loss = jnp.sum(jnp.log(pos_pred) * jnp.power(1.0 - pos_pred, 2) * maskf[:, :, None])
    return jnp.where(num_pos == 0, -neg_loss, -(pos_loss + neg_loss) / jnp.maximum(num_pos, 1.0))


def _reg_weighted_l1(output, mask, ind, target):
    pred = _transpose_and_gather(output, ind)  # B x M x C
    loss = jnp.sum(jnp.abs(pred * mask - target * mask))
    return loss / (jnp.sum(mask) + 1e-4)


def setup_inputs(seed: int = 0):
    key = jax.random.key(seed)
    ks = jax.random.split(key, 8)
    B, C, H, W, M = 16, 80, 128, 128, 128
    return {
        "hm_out": jax.random.normal(ks[0], (B, C, H, W), dtype=jnp.float32),
        "hm_gt": jax.random.uniform(ks[1], (B, C, H, W), dtype=jnp.float32),
        "reg_out": jax.random.normal(ks[2], (B, 2, H, W), dtype=jnp.float32),
        "reg_target": jax.random.uniform(ks[3], (B, M, 2), dtype=jnp.float32),
        "reg_mask": jnp.ones((B, M, 2), dtype=jnp.float32),
        "wh_out": jax.random.normal(ks[4], (B, 2, H, W), dtype=jnp.float32),
        "wh_target": jax.random.uniform(ks[5], (B, M, 2), dtype=jnp.float32),
        "wh_mask": jnp.ones((B, M, 2), dtype=jnp.float32),
        "mask": jnp.ones((B, M), dtype=jnp.float32),
        "ind": jax.random.randint(ks[6], (B, M), 0, H * W, dtype=jnp.int32),
        "cat": jax.random.randint(ks[7], (B, M), 0, C, dtype=jnp.int32),
    }


def reference(hm_out, hm_gt, reg_out, reg_target, reg_mask, wh_out, wh_target, wh_mask, mask, ind, cat):
    # num_stacks = 1; heads = {hm, reg, wh}; weight_strategy = '' -> static weights
    hm = _sigmoid(hm_out)
    hm_loss = _fast_focal(hm, hm_gt, ind, mask, cat)
    reg_loss = _reg_weighted_l1(reg_out, reg_mask, ind, reg_target)
    wh_loss = _reg_weighted_l1(wh_out, wh_mask, ind, wh_target)
    tot = 1.0 * hm_loss + 1.0 * reg_loss + 0.1 * wh_loss
    return (tot, hm_loss, reg_loss, wh_loss)

if __name__ == "__main__":
    import jax
    _d = setup_inputs()
    print(jax.jit(kernel)(*tuple(_d.values())))

</pallas_src>

<mosaic_0001>
#map = affine_map<(d0, d1) -> (0)>
module attributes {stable_mosaic.version = 14 : i64} {
  func.func @sc_kernel(%arg0: i32, %arg1: i32, %arg2: memref<20971520xf32, #tpu.memory_space<hbm>>, %arg3: memref<20971520xf32, #tpu.memory_space<hbm>>, %arg4: memref<524288xf32, #tpu.memory_space<hbm>>, %arg5: memref<524288xf32, #tpu.memory_space<hbm>>, %arg6: memref<2048xi32, #tpu.memory_space<hbm>>, %arg7: memref<2048xi32, #tpu.memory_space<hbm>>, %arg8: memref<2048xf32, #tpu.memory_space<hbm>>, %arg9: memref<2048xf32, #tpu.memory_space<hbm>>, %arg10: memref<2048xf32, #tpu.memory_space<hbm>>, %arg11: memref<2048xf32, #tpu.memory_space<hbm>>, %arg12: memref<2048xf32, #tpu.memory_space<hbm>>, %arg13: memref<512xf32, #tpu.memory_space<hbm>>, %arg14: memref<64xi32, #tpu.memory_space<vmem>>, %arg15: memref<64xi32, #tpu.memory_space<vmem>>, %arg16: memref<64xi32, #tpu.memory_space<vmem>>, %arg17: memref<64xi32, #tpu.memory_space<vmem>>, %arg18: memref<64xi32, #tpu.memory_space<vmem>>, %arg19: memref<64xf32, #tpu.memory_space<vmem>>, %arg20: memref<64xf32, #tpu.memory_space<vmem>>, %arg21: memref<64xf32, #tpu.memory_space<vmem>>, %arg22: memref<64xf32, #tpu.memory_space<vmem>>, %arg23: memref<64xf32, #tpu.memory_space<vmem>>, %arg24: memref<16384xf32, #tpu.memory_space<vmem>>, %arg25: memref<16384xf32, #tpu.memory_space<vmem>>, %arg26: memref<16384xf32, #tpu.memory_space<vmem>>, %arg27: memref<16384xf32, #tpu.memory_space<vmem>>, %arg28: memref<16xf32, #tpu.memory_space<vmem>>, %arg29: memref<!tpu.dma_semaphore, #tpu.memory_space<semaphore_mem>>, %arg30: memref<!tpu.dma_semaphore, #tpu.memory_space<semaphore_mem>>, %arg31: memref<!tpu.dma_semaphore, #tpu.memory_space<semaphore_mem>>, %arg32: memref<!tpu.dma_semaphore, #tpu.memory_space<semaphore_mem>>, %arg33: memref<!tpu.dma_semaphore, #tpu.memory_space<semaphore_mem>>, %arg34: memref<!tpu.dma_semaphore, #tpu.memory_space<semaphore_mem>>, %arg35: memref<!tpu.dma_semaphore, #tpu.memory_space<semaphore_mem>>, %arg36: memref<!tpu.dma_semaphore, #tpu.memory_space<semaphore_mem>>, %arg37: memref<!tpu.dma_semaphore, #tpu.memory_space<semaphore_mem>>) attributes {dimension_semantics = [#tpu.dimension_semantics<core_parallel>, #tpu.dimension_semantics<subcore_parallel>], iteration_bounds = array<i64: 2, 16>, scalar_prefetch = 0 : i64, scratch_operands = 24 : i64, tpu.core_type = #tpu.core_type<sc_vector_subcore>, window_params = [{transform_indices = #map}, {transform_indices = #map}, {transform_indices = #map}, {transform_indices = #map}, {transform_indices = #map}, {transform_indices = #map}, {transform_indices = #map}, {transform_indices = #map}, {transform_indices = #map}, {transform_indices = #map}, {transform_indices = #map}, {transform_indices = #map}]} {
    %mul3A = arith.constant 2 : i32
    %mul3A_0 = arith.muli %arg1, %mul3A : i32
    %add3A = arith.addi %mul3A_0, %arg0 : i32
    %mul3A_1 = arith.constant 64 : i32
    %mul3A_2 = arith.muli %add3A, %mul3A_1 : i32
    %jit3A = arith.constant 128 : i32
    %div3A = arith.divsi %mul3A_2, %jit3A : i32
    %sign3A = arith.constant 0 : i32
    %sign3A_3 = arith.cmpi sgt, %mul3A_2, %sign3A : i32
    %sign3A_4 = arith.extui %sign3A_3 : i1 to i32
    %sign3A_5 = arith.constant 0 : i32
    %sign3A_6 = arith.cmpi slt, %mul3A_2, %sign3A_5 : i32
    %sign3A_7 = arith.extui %sign3A_6 : i1 to i32
    %sign3A_8 = arith.subi %sign3A_4, %sign3A_7 : i32
    %sign3A_9 = arith.constant 0 : i32
    %sign3A_10 = arith.cmpi sgt, %jit3A, %sign3A_9 : i32
    %sign3A_11 = arith.extui %sign3A_10 : i1 to i32
    %sign3A_12 = arith.constant 0 : i32
    %sign3A_13 = arith.cmpi slt, %jit3A, %sign3A_12 : i32
    %sign3A_14 = arith.extui %sign3A_13 : i1 to i32
    %sign3A_15 = arith.subi %sign3A_11, %sign3A_14 : i32
    %ne3A = arith.cmpi ne, %sign3A_8, %sign3A_15 : i32
    %rem3A = arith.remsi %mul3A_2, %jit3A : i32
    %ne3A_16 = arith.constant 0 : i32
    %ne3A_17 = arith.cmpi ne, %rem3A, %ne3A_16 : i32
    %and3A = arith.andi %ne3A, %ne3A_17 : i1
    %sub3A = arith.constant 1 : i32
    %sub3A_18 = arith.subi %div3A, %sub3A : i32
    %select_n3A = arith.select %and3A, %sub3A_18, %div3A : i32
    %mul3A_19 = arith.constant 524288 : i32
    %mul3A_20 = arith.muli %add3A, %mul3A_19 : i32
    %add3A_21 = arith.constant 0 : i32
    %add3A_22 = arith.addi %mul3A_20, %add3A_21 : i32
    %dma_start3A = tpu.memref_slice %arg2[%add3A_22] : memref<20971520xf32, #tpu.memory_space<hbm>> -> memref<16384xf32, #tpu.memory_space<hbm>>
    %dma_start3A_23 = tpu.memref_slice %arg2[%add3A_22] : memref<20971520xf32, #tpu.memory_space<hbm>> -> memref<16384xf32, #tpu.memory_space<hbm>>
    tpu.enqueue_dma source(%dma_start3A_23 : memref<16384xf32, #tpu.memory_space<hbm>>) target(%arg24 : memref<16384xf32, #tpu.memory_space<vmem>>) target_semaphore(%arg34 : memref<!tpu.dma_semaphore, #tpu.memory_space<semaphore_mem>>)
    %dma_start3A_24 = tpu.memref_slice %arg3[%add3A_22] : memref<20971520xf32, #tpu.memory_space<hbm>> -> memref<16384xf32, #tpu.memory_space<hbm>>
    %dma_start3A_25 = tpu.memref_slice %arg3[%add3A_22] : memref<20971520xf32, #tpu.memory_space<hbm>> -> memref<16384xf32, #tpu.memory_space<hbm>>
    tpu.enqueue_dma source(%dma_start3A_25 : memref<16384xf32, #tpu.memory_space<hbm>>) target(%arg26 : memref<16384xf32, #tpu.memory_space<vmem>>) target_semaphore(%arg36 : memref<!tpu.dma_semaphore, #tpu.memory_space<semaphore_mem>>)
    %add3A_26 = arith.constant 16384 : i32
    %add3A_27 = arith.addi %mul3A_20, %add3A_26 : i32
    %dma_start3A_28 = tpu.memref_slice %arg2[%add3A_27] : memref<20971520xf32, #tpu.memory_space<hbm>> -> memref<16384xf32, #tpu.memory_space<hbm>>
    %dma_start3A_29 = tpu.memref_slice %arg2[%add3A_27] : memref<20971520xf32, #tpu.memory_space<hbm>> -> memref<16384xf32, #tpu.memory_space<hbm>>
    tpu.enqueue_dma source(%dma_start3A_29 : memref<16384xf32, #tpu.memory_space<hbm>>) target(%arg25 : memref<16384xf32, #tpu.memory_space<vmem>>) target_semaphore(%arg35 : memref<!tpu.dma_semaphore, #tpu.memory_space<semaphore_mem>>)
    %dma_start3A_30 = tpu.memref_slice %arg3[%add3A_27] : memref<20971520xf32, #tpu.memory_space<hbm>> -> memref<16384xf32, #tpu.memory_space<hbm>>
    %dma_start3A_31 = tpu.memref_slice %arg3[%add3A_27] : memref<20971520xf32, #tpu.memory_space<hbm>> -> memref<16384xf32, #tpu.memory_space<hbm>>
    tpu.enqueue_dma source(%dma_start3A_31 : memref<16384xf32, #tpu.memory_space<hbm>>) target(%arg27 : memref<16384xf32, #tpu.memory_space<vmem>>) target_semaphore(%arg37 : memref<!tpu.dma_semaphore, #tpu.memory_space<semaphore_mem>>)
    "tpu.region"() ({
      %run_scoped3A = tpu.sem_alloc : memref<!tpu.dma_semaphore, #tpu.memory_space<semaphore_mem>>
      %dma_start3A_221 = tpu.memref_slice %arg6[%mul3A_2] : memref<2048xi32, #tpu.memory_space<hbm>> -> memref<64xi32, #tpu.memory_space<hbm>>
      %dma_start3A_222 = tpu.memref_slice %arg6[%mul3A_2] : memref<2048xi32, #tpu.memory_space<hbm>> -> memref<64xi32, #tpu.memory_space<hbm>>
      tpu.enqueue_dma source(%dma_start3A_222 : memref<64xi32, #tpu.memory_space<hbm>>) target(%arg14 : memref<64xi32, #tpu.memory_space<vmem>>) target_semaphore(%run_scoped3A : memref<!tpu.dma_semaphore, #tpu.memory_space<semaphore_mem>>)
      %dma_wait3A_223 = tpu.memref_slice %arg6[%mul3A_2] : memref<2048xi32, #tpu.memory_space<hbm>> -> memref<64xi32, #tpu.memory_space<hbm>>
      %dma_wait3A_224 = tpu.memref_slice %arg6[%mul3A_2] : memref<2048xi32, #tpu.memory_space<hbm>> -> memref<64xi32, #tpu.memory_space<hbm>>
      tpu.wait_dma2 semaphore(%run_scoped3A : memref<!tpu.dma_semaphore, #tpu.memory_space<semaphore_mem>>) src(%dma_wait3A_224 : memref<64xi32, #tpu.memory_space<hbm>>) dst(%arg14 : memref<64xi32, #tpu.memory_space<vmem>>)
      tpu.yield
    }) : () -> ()
    "tpu.region"() ({
      %run_scoped3A = tpu.sem_alloc : memref<!tpu.dma_semaphore, #tpu.memory_space<semaphore_mem>>
      %dma_start3A_221 = tpu.memref_slice %arg7[%mul3A_2] : memref<2048xi32, #tpu.memory_space<hbm>> -> memref<64xi32, #tpu.memory_space<hbm>>
      %dma_start3A_222 = tpu.memref_slice %arg7[%mul3A_2] : memref<2048xi32, #tpu.memory_space<hbm>> -> memref<64xi32, #tpu.memory_space<hbm>>
      tpu.enqueue_dma source(%dma_start3A_222 : memref<64xi32, #tpu.memory_space<hbm>>) target(%arg15 : memref<64xi32, #tpu.memory_space<vmem>>) target_semaphore(%run_scoped3A : memref<!tpu.dma_semaphore, #tpu.memory_space<semaphore_mem>>)
      %dma_wait3A_223 = tpu.memref_slice %arg7[%mul3A_2] : memref<2048xi32, #tpu.memory_space<hbm>> -> memref<64xi32, #tpu.memory_space<hbm>>
      %dma_wait3A_224 = tpu.memref_slice %arg7[%mul3A_2] : memref<2048xi32, #tpu.memory_space<hbm>> -> memref<64xi32, #tpu.memory_space<hbm>>
      tpu.wait_dma2 semaphore(%run_scoped3A : memref<!tpu.dma_semaphore, #tpu.memory_space<semaphore_mem>>) src(%dma_wait3A_224 : memref<64xi32, #tpu.memory_space<hbm>>) dst(%arg15 : memref<64xi32, #tpu.memory_space<vmem>>)
      tpu.yield
    }) : () -> ()
    %get3A = arith.constant 0 : index
    %get3A_32 = tpu.vector_load %arg14[%get3A] {strides = array<i32>} : memref<64xi32, #tpu.memory_space<vmem>>, vector<16xi32>,
    %get3A_33 = vector.shape_cast %get3A_32 : vector<16xi32> to vector<16xi32>
    %mul3A_34 = arith.constant 80 : i32
    %mul3A_35 = arith.muli %select_n3A, %mul3A_34 : i32
    %get3A_36 = arith.constant 0 : index
    %get3A_37 = tpu.vector_load %arg15[%get3A_36] {strides = array<i32>} : memref<64xi32, #tpu.memory_space<vmem>>, vector<16xi32>,
    %get3A_38 = vector.shape_cast %get3A_37 : vector<16xi32> to vector<16xi32>
    %add3A_39 = vector.broadcast %mul3A_35 : i32 to vector<16xi32>
    %add3A_40 = arith.addi %add3A_39, %get3A_38 : vector<16xi32>
    %mul3A_41 = arith.constant 16384 : i32
    %mul3A_42 = vector.broadcast %mul3A_41 : i32 to vector<16xi32>
    %mul3A_43 = arith.muli %add3A_40, %mul3A_42 : vector<16xi32>
    %add3A_44 = arith.addi %mul3A_43, %get3A_33 : vector<16xi32>
    %swap3A = arith.constant 0 : index
    %swap3A_45 = tpu.vector_load %arg16[%swap3A] {strides = array<i32>} : memref<64xi32, #tpu.memory_space<vmem>>, vector<16xi32>,
    %swap3A_46 = vector.shape_cast %swap3A_45 : vector<16xi32> to vector<16xi32>
    %swap3A_47 = vector.shape_cast %add3A_44 : vector<16xi32> to vector<16xi32>
    tpu.vector_store %arg16[%swap3A], %swap3A_47 {strides = array<i32>} : memref<64xi32, #tpu.memory_space<vmem>>, vector<16xi32>,
    %mul3A_48 = arith.constant 2 : i32
    %mul3A_49 = arith.muli %select_n3A, %mul3A_48 : i32
    %mul3A_50 = arith.constant 16384 : i32
    %mul3A_51 = arith.muli %mul3A_49, %mul3A_50 : i32
    %add3A_52 = vector.broadcast %mul3A_51 : i32 to vector<16xi32>
    %add3A_53 = arith.addi %add3A_52, %get3A_33 : vector<16xi32>
    %swap3A_54 = arith.constant 0 : index
    %swap3A_55 = tpu.vector_load %arg17[%swap3A_54] {strides = array<i32>} : memref<64xi32, #tpu.memory_space<vmem>>, vector<16xi32>,
    %swap3A_56 = vector.shape_cast %swap3A_55 : vector<16xi32> to vector<16xi32>
    %swap3A_57 = vector.shape_cast %add3A_53 : vector<16xi32> to vector<16xi32>
    tpu.vector_store %arg17[%swap3A_54], %swap3A_57 {strides = array<i32>} : memref<64xi32, #tpu.memory_space<vmem>>, vector<16xi32>,
    %mul3A_58 = arith.constant 2 : i32
    %mul3A_59 = arith.muli %select_n3A, %mul3A_58 : i32
    %add3A_60 = arith.constant 1 : i32
    %add3A_61 = arith.addi %mul3A_59, %add3A_60 : i32
    %mul3A_62 = arith.constant 16384 : i32
    %mul3A_63 = arith.muli %add3A_61, %mul3A_62 : i32
    %add3A_64 = vector.broadcast %mul3A_63 : i32 to vector<16xi32>
    %add3A_65 = arith.addi %add3A_64, %get3A_33 : vector<16xi32>
    %swap3A_66 = arith.constant 0 : index
    %swap3A_67 = tpu.vector_load %arg18[%swap3A_66] {strides = array<i32>} : memref<64xi32, #tpu.memory_space<vmem>>, vector<16xi32>,
    %swap3A_68 = vector.shape_cast %swap3A_67 : vector<16xi32> to vector<16xi32>
    %swap3A_69 = vector.shape_cast %add3A_65 : vector<16xi32> to vector<16xi32>
    tpu.vector_store %arg18[%swap3A_66], %swap3A_69 {strides = array<i32>} : memref<64xi32, #tpu.memory_space<vmem>>, vector<16xi32>,
    %get3A_70 = arith.constant 16 : index
    %get3A_71 = tpu.vector_load %arg14[%get3A_70] {strides = array<i32>} : memref<64xi32, #tpu.memory_space<vmem>>, vector<16xi32>,
    %get3A_72 = vector.shape_cast %get3A_71 : vector<16xi32> to vector<16xi32>
    %mul3A_73 = arith.constant 80 : i32
    %mul3A_74 = arith.muli %select_n3A, %mul3A_73 : i32
    %get3A_75 = arith.constant 16 : index
    %get3A_76 = tpu.vector_load %arg15[%get3A_75] {strides = array<i32>} : memref<64xi32, #tpu.memory_space<vmem>>, vector<16xi32>,
    %get3A_77 = vector.shape_cast %get3A_76 : vector<16xi32> to vector<16xi32>
    %add3A_78 = vector.broadcast %mul3A_74 : i32 to vector<16xi32>
    %add3A_79 = arith.addi %add3A_78, %get3A_77 : vector<16xi32>
    %mul3A_80 = arith.constant 16384 : i32
    %mul3A_81 = vector.broadcast %mul3A_80 : i32 to vector<16xi32>
    %mul3A_82 = arith.muli %add3A_79, %mul3A_81 : vector<16xi32>
    %add3A_83 = arith.addi %mul3A_82, %get3A_72 : vector<16xi32>
    %swap3A_84 = arith.constant 16 : index
    %swap3A_85 = tpu.vector_load %arg16[%swap3A_84] {strides = array<i32>} : memref<64xi32, #tpu.memory_space<vmem>>, vector<16xi32>,
    %swap3A_86 = vector.shape_cast %swap3A_85 : vector<16xi32> to vector<16xi32>
    %swap3A_87 = vector.shape_cast %add3A_83 : vector<16xi32> to vector<16xi32>
    tpu.vector_store %arg16[%swap3A_84], %swap3A_87 {strides = array<i32>} : memref<64xi32, #tpu.memory_space<vmem>>, vector<16xi32>,
    %mul3A_88 = arith.constant 2 : i32
    %mul3A_89 = arith.muli %select_n3A, %mul3A_88 : i32
    %mul3A_90 = arith.constant 16384 : i32
    %mul3A_91 = arith.muli %mul3A_89, %mul3A_90 : i32
    %add3A_92 = vector.broadcast %mul3A_91 : i32 to vector<16xi32>
    %add3A_93 = arith.addi %add3A_92, %get3A_72 : vector<16xi32>
    %swap3A_94 = arith.constant 16 : index
    %swap3A_95 = tpu.vector_load %arg17[%swap3A_94] {strides = array<i32>} : memref<64xi32, #tpu.memory_space<vmem>>, vector<16xi32>,
    %swap3A_96 = vector.shape_cast %swap3A_95 : vector<16xi32> to vector<16xi32>
    %swap3A_97 = vector.shape_cast %add3A_93 : vector<16xi32> to vector<16xi32>
    tpu.vector_store %arg17[%swap3A_94], %swap3A_97 {strides = array<i32>} : memref<64xi32, #tpu.memory_space<vmem>>, vector<16xi32>,
    %mul3A_98 = arith.constant 2 : i32
    %mul3A_99 = arith.muli %select_n3A, %mul3A_98 : i32
    %add3A_100 = arith.constant 1 : i32
    %add3A_101 = arith.addi %mul3A_99, %add3A_100 : i32
    %mul3A_102 = arith.constant 16384 : i32
    %mul3A_103 = arith.muli %add3A_101, %mul3A_102 : i32
    %add3A_104 = vector.broadcast %mul3A_103 : i32 to vector<16xi32>
    %add3A_105 = arith.addi %add3A_104, %get3A_72 : vector<16xi32>
    %swap3A_106 = arith.constant 16 : index
    %swap3A_107 = tpu.vector_load %arg18[%swap3A_106] {strides = array<i32>} : memref<64xi32, #tpu.memory_space<vmem>>, vector<16xi32>,
    %swap3A_108 = vector.shape_cast %swap3A_107 : vector<16xi32> to vector<16xi32>
    %swap3A_109 = vector.shape_cast %add3A_105 : vector<16xi32> to vector<16xi32>
    tpu.vector_store %arg18[%swap3A_106], %swap3A_109 {strides = array<i32>} : memref<64xi32, #tpu.memory_space<vmem>>, vector<16xi32>,
    %get3A_110 = arith.constant 32 : index
    %get3A_111 = tpu.vector_load %arg14[%get3A_110] {strides = array<i32>} : memref<64xi32, #tpu.memory_space<vmem>>, vector<16xi32>,
    %get3A_112 = vector.shape_cast %get3A_111 : vector<16xi32> to vector<16xi32>
    %mul3A_113 = arith.constant 80 : i32
    %mul3A_114 = arith.muli %select_n3A, %mul3A_113 : i32
    %get3A_115 = arith.constant 32 : index
    %get3A_116 = tpu.vector_load %arg15[%get3A_115] {strides = array<i32>} : memref<64xi32, #tpu.memory_space<vmem>>, vector<16xi32>,
    %get3A_117 = vector.shape_cast %get3A_116 : vector<16xi32> to vector<16xi32>
    %add3A_118 = vector.broadcast %mul3A_114 : i32 to vector<16xi32>
    %add3A_119 = arith.addi %add3A_118, %get3A_117 : vector<16xi32>
    %mul3A_120 = arith.constant 16384 : i32
    %mul3A_121 = vector.broadcast %mul3A_120 : i32 to vector<16xi32>
    %mul3A_122 = arith.muli %add3A_119, %mul3A_121 : vector<16xi32>
    %add3A_123 = arith.addi %mul3A_122, %get3A_112 : vector<16xi32>
    %swap3A_124 = arith.constant 32 : index
    %swap3A_125 = tpu.vector_load %arg16[%swap3A_124] {strides = array<i32>} : memref<64xi32, #tpu.memory_space<vmem>>, vector<16xi32>,
    %swap3A_126 = vector.shape_cast %swap3A_125 : vector<16xi32> to vector<16xi32>
    %swap3A_127 = vector.shape_cast %add3A_123 : vector<16xi32> to vector<16xi32>
    tpu.vector_store %arg16[%swap3A_124], %swap3A_127 {strides = array<i32>} : memref<64xi32, #tpu.memory_space<vmem>>, vector<16xi32>,
    %mul3A_128 = arith.constant 2 : i32
    %mul3A_129 = arith.muli %select_n3A, %mul3A_128 : i32
    %mul3A_130 = arith.constant 16384 : i32
    %mul3A_131 = arith.muli %mul3A_129, %mul3A_130 : i32
    %add3A_132 = vector.broadcast %mul3A_131 : i32 to vector<16xi32>
    %add3A_133 = arith.addi %add3A_132, %get3A_112 : vector<16xi32>
    %swap3A_134 = arith.constant 32 : index
    %swap3A_135 = tpu.vector_load %arg17[%swap3A_134] {strides = array<i32>} : memref<64xi32, #tpu.memory_space<vmem>>, vector<16xi32>,
    %swap3A_136 = vector.shape_cast %swap3A_135 : vector<16xi32> to vector<16xi32>
    %swap3A_137 = vector.shape_cast %add3A_133 : vector<16xi32> to vector<16xi32>
    tpu.vector_store %arg17[%swap3A_134], %swap3A_137 {strides = array<i32>} : memref<64xi32, #tpu.memory_space<vmem>>, vector<16xi32>,
    %mul3A_138 = arith.constant 2 : i32
    %mul3A_139 = arith.muli %select_n3A, %mul3A_138 : i32
    %add3A_140 = arith.constant 1 : i32
    %add3A_141 = arith.addi %mul3A_139, %add3A_140 : i32
    %mul3A_142 = arith.constant 16384 : i32
    %mul3A_143 = arith.muli %add3A_141, %mul3A_142 : i32
    %add3A_144 = vector.broadcast %mul3A_143 : i32 to vector<16xi32>
    %add3A_145 = arith.addi %add3A_144, %get3A_112 : vector<16xi32>
    %swap3A_146 = arith.constant 32 : index
    %swap3A_147 = tpu.vector_load %arg18[%swap3A_146] {strides = array<i32>} : memref<64xi32, #tpu.memory_space<vmem>>, vector<16xi32>,
    %swap3A_148 = vector.shape_cast %swap3A_147 : vector<16xi32> to vector<16xi32>
    %swap3A_149 = vector.shape_cast %add3A_145 : vector<16xi32> to vector<16xi32>
    tpu.vector_store %arg18[%swap3A_146], %swap3A_149 {strides = array<i32>} : memref<64xi32, #tpu.memory_space<vmem>>, vector<16xi32>,
    %get3A_150 = arith.constant 48 : index
    %get3A_151 = tpu.vector_load %arg14[%get3A_150] {strides = array<i32>} : memref<64xi32, #tpu.memory_space<vmem>>, vector<16xi32>,
    %get3A_152 = vector.shape_cast %get3A_151 : vector<16xi32> to vector<16xi32>
    %mul3A_153 = arith.constant 80 : i32
    %mul3A_154 = arith.muli %select_n3A, %mul3A_153 : i32
    %get3A_155 = arith.constant 48 : index
    %get3A_156 = tpu.vector_load %arg15[%get3A_155] {strides = array<i32>} : memref<64xi32, #tpu.memory_space<vmem>>, vector<16xi32>,
    %get3A_157 = vector.shape_cast %get3A_156 : vector<16xi32> to vector<16xi32>
    %add3A_158 = vector.broadcast %mul3A_154 : i32 to vector<16xi32>
    %add3A_159 = arith.addi %add3A_158, %get3A_157 : vector<16xi32>
    %mul3A_160 = arith.constant 16384 : i32
    %mul3A_161 = vector.broadcast %mul3A_160 : i32 to vector<16xi32>
    %mul3A_162 = arith.muli %add3A_159, %mul3A_161 : vector<16xi32>
    %add3A_163 = arith.addi %mul3A_162, %get3A_152 : vector<16xi32>
    %swap3A_164 = arith.constant 48 : index
    %swap3A_165 = tpu.vector_load %arg16[%swap3A_164] {strides = array<i32>} : memref<64xi32, #tpu.memory_space<vmem>>, vector<16xi32>,
    %swap3A_166 = vector.shape_cast %swap3A_165 : vector<16xi32> to vector<16xi32>
    %swap3A_167 = vector.shape_cast %add3A_163 : vector<16xi32> to vector<16xi32>
    tpu.vector_store %arg16[%swap3A_164], %swap3A_167 {strides = array<i32>} : memref<64xi32, #tpu.memory_space<vmem>>, vector<16xi32>,
    %mul3A_168 = arith.constant 2 : i32
    %mul3A_169 = arith.muli %select_n3A, %mul3A_168 : i32
    %mul3A_170 = arith.constant 16384 : i32
    %mul3A_171 = arith.muli %mul3A_169, %mul3A_170 : i32
    %add3A_172 = vector.broadcast %mul3A_171 : i32 to vector<16xi32>
    %add3A_173 = arith.addi %add3A_172, %get3A_152 : vector<16xi32>
    %swap3A_174 = arith.constant 48 : index
    %swap3A_175 = tpu.vector_load %arg17[%swap3A_174] {strides = array<i32>} : memref<64xi32, #tpu.memory_space<vmem>>, vector<16xi32>,
    %swap3A_176 = vector.shape_cast %swap3A_175 : vector<16xi32> to vector<16xi32>
    %swap3A_177 = vector.shape_cast %add3A_173 : vector<16xi32> to vector<16xi32>
    tpu.vector_store %arg17[%swap3A_174], %swap3A_177 {strides = array<i32>} : memref<64xi32, #tpu.memory_space<vmem>>, vector<16xi32>,
    %mul3A_178 = arith.constant 2 : i32
    %mul3A_179 = arith.muli %select_n3A, %mul3A_178 : i32
    %add3A_180 = arith.constant 1 : i32
    %add3A_181 = arith.addi %mul3A_179, %add3A_180 : i32
    %mul3A_182 = arith.constant 16384 : i32
    %mul3A_183 = arith.muli %add3A_181, %mul3A_182 : i32
    %add3A_184 = vector.broadcast %mul3A_183 : i32 to vector<16xi32>
    %add3A_185 = arith.addi %add3A_184, %get3A_152 : vector<16xi32>
    %swap3A_186 = arith.constant 48 : index
    %swap3A_187 = tpu.vector_load %arg18[%swap3A_186] {strides = array<i32>} : memref<64xi32, #tpu.memory_space<vmem>>, vector<16xi32>,
    %swap3A_188 = vector.shape_cast %swap3A_187 : vector<16xi32> to vector<16xi32>
    %swap3A_189 = vector.shape_cast %add3A_185 : vector<16xi32> to vector<16xi32>
    tpu.vector_store %arg18[%swap3A_186], %swap3A_189 {strides = array<i32>} : memref<64xi32, #tpu.memory_space<vmem>>, vector<16xi32>,
    %dma_start3A_190 = arith.constant 0 : i32
    %dma_start3A_191 = tpu.memref_slice %arg2[%dma_start3A_190] : memref<20971520xf32, #tpu.memory_space<hbm>> -> memref<20971520xf32, #tpu.memory_space<hbm>>
    tpu.enqueue_indirect_dma source(%dma_start3A_191 : memref<20971520xf32, #tpu.memory_space<hbm>>) target(%arg19 : memref<64xf32, #tpu.memory_space<vmem>>) offsets(%arg16 : memref<64xi32, #tpu.memory_space<vmem>>) semaphore(%arg29 : memref<!tpu.dma_semaphore, #tpu.memory_space<semaphore_mem>>)
    %dma_start3A_192 = arith.constant 0 : i32
    %dma_start3A_193 = tpu.memref_slice %arg4[%dma_start3A_192] : memref<524288xf32, #tpu.memory_space<hbm>> -> memref<524288xf32, #tpu.memory_space<hbm>>
    tpu.enqueue_indirect_dma source(%dma_start3A_193 : memref<524288xf32, #tpu.memory_space<hbm>>) target(%arg20 : memref<64xf32, #tpu.memory_space<vmem>>) offsets(%arg17 : memref<64xi32, #tpu.memory_space<vmem>>) semaphore(%arg30 : memref<!tpu.dma_semaphore, #tpu.memory_space<semaphore_mem>>)
    %dma_start3A_194 = arith.constant 0 : i32
    %dma_start3A_195 = tpu.memref_slice %arg4[%dma_start3A_194] : memref<524288xf32, #tpu.memory_space<hbm>> -> memref<524288xf32, #tpu.memory_space<hbm>>
    tpu.enqueue_indirect_dma source(%dma_start3A_195 : memref<524288xf32, #tpu.memory_space<hbm>>) target(%arg21 : memref<64xf32, #tpu.memory_space<vmem>>) offsets(%arg18 : memref<64xi32, #tpu.memory_space<vmem>>) semaphore(%arg31 : memref<!tpu.dma_semaphore, #tpu.memory_space<semaphore_mem>>)
    %dma_start3A_196 = arith.constant 0 : i32
    %dma_start3A_197 = tpu.memref_slice %arg5[%dma_start3A_196] : memref<524288xf32, #tpu.memory_space<hbm>> -> memref<524288xf32, #tpu.memory_space<hbm>>
    tpu.enqueue_indirect_dma source(%dma_start3A_197 : memref<524288xf32, #tpu.memory_space<hbm>>) target(%arg22 : memref<64xf32, #tpu.memory_space<vmem>>) offsets(%arg17 : memref<64xi32, #tpu.memory_space<vmem>>) semaphore(%arg32 : memref<!tpu.dma_semaphore, #tpu.memory_space<semaphore_mem>>)
    %dma_start3A_198 = arith.constant 0 : i32
    %dma_start3A_199 = tpu.memref_slice %arg5[%dma_start3A_198] : memref<524288xf32, #tpu.memory_space<hbm>> -> memref<524288xf32, #tpu.memory_space<hbm>>
    tpu.enqueue_indirect_dma source(%dma_start3A_199 : memref<524288xf32, #tpu.memory_space<hbm>>) target(%arg23 : memref<64xf32, #tpu.memory_space<vmem>>) offsets(%arg18 : memref<64xi32, #tpu.memory_space<vmem>>) semaphore(%arg33 : memref<!tpu.dma_semaphore, #tpu.memory_space<semaphore_mem>>)
    %broadcast_in_dim3A = arith.constant 0.000000e+00 : f32
    %broadcast_in_dim3A_200 = vector.broadcast %broadcast_in_dim3A : f32 to vector<16xf32>
    %scan3A = arith.constant 0 : i32
    %scan3A_201 = arith.constant 16 : i32
    %scan3A_202 = arith.addi %scan3A, %scan3A_201 : i32
    %scan3A_203 = arith.constant 1 : i32
    %scan3A_204 = scf.for %scan3A_221 = %scan3A to %scan3A_202 step %scan3A_203 iter_args(%scan3A_222 = %broadcast_in_dim3A_200) -> (vector<16xf32>)  : i32 {
      %mul3A_223 = arith.constant 2 : i32
      %mul3A_224 = arith.muli %mul3A_223, %scan3A_221 : i32
      %mul3A_225 = arith.constant 16384 : i32
      %mul3A_226 = arith.muli %mul3A_224, %mul3A_225 : i32
      %add3A_227 = arith.addi %mul3A_20, %mul3A_226 : i32
      %dma_wait3A_228 = tpu.memref_slice %arg2[%add3A_227] : memref<20971520xf32, #tpu.memory_space<hbm>> -> memref<16384xf32, #tpu.memory_space<hbm>>
      %dma_wait3A_229 = tpu.memref_slice %arg2[%add3A_227] : memref<20971520xf32, #tpu.memory_space<hbm>> -> memref<16384xf32, #tpu.memory_space<hbm>>
      tpu.wait_dma2 semaphore(%arg34 : memref<!tpu.dma_semaphore, #tpu.memory_space<semaphore_mem>>) src(%dma_wait3A_229 : memref<16384xf32, #tpu.memory_space<hbm>>) dst(%arg24 : memref<16384xf32, #tpu.memory_space<vmem>>)
      %dma_wait3A_230 = tpu.memref_slice %arg3[%add3A_227] : memref<20971520xf32, #tpu.memory_space<hbm>> -> memref<16384xf32, #tpu.memory_space<hbm>>
      %dma_wait3A_231 = tpu.memref_slice %arg3[%add3A_227] : memref<20971520xf32, #tpu.memory_space<hbm>> -> memref<16384xf32, #tpu.memory_space<hbm>>
      tpu.wait_dma2 semaphore(%arg36 : memref<!tpu.dma_semaphore, #tpu.memory_space<semaphore_mem>>) src(%dma_wait3A_231 : memref<16384xf32, #tpu.memory_space<hbm>>) dst(%arg26 : memref<16384xf32, #tpu.memory_space<vmem>>)
      %broadcast_in_dim3A_232 = arith.constant 0.000000e+00 : f32
      %broadcast_in_dim3A_233 = vector.broadcast %broadcast_in_dim3A_232 : f32 to vector<16xf32>
      %scan3A_234 = arith.constant 0 : i32
      %scan3A_235 = arith.constant 128 : i32
      %scan3A_236 = arith.addi %scan3A_234, %scan3A_235 : i32
      %scan3A_237 = arith.constant 1 : i32
      %scan3A_238:4 = scf.for %scan3A_276 = %scan3A_234 to %scan3A_236 step %scan3A_237 iter_args(%scan3A_277 = %broadcast_in_dim3A_233, %scan3A_278 = %broadcast_in_dim3A_233, %scan3A_279 = %broadcast_in_dim3A_233, %scan3A_280 = %broadcast_in_dim3A_233) -> (vector<16xf32>, vector<16xf32>, vector<16xf32>, vector<16xf32>)  : i32 {
        %mul3A_281 = arith.constant 128 : i32
        %mul3A_282 = arith.muli %scan3A_276, %mul3A_281 : i32
        %add3A_283 = arith.constant 0 : i32
        %add3A_284 = arith.addi %mul3A_282, %add3A_283 : i32
        %add3A_285 = arith.constant 16 : i32
        %add3A_286 = arith.addi %mul3A_282, %add3A_285 : i32
        %add3A_287 = arith.constant 32 : i32
        %add3A_288 = arith.addi %mul3A_282, %add3A_287 : i32
        %add3A_289 = arith.constant 48 : i32
        %add3A_290 = arith.addi %mul3A_282, %add3A_289 : i32
        %get3A_291 = arith.index_cast %add3A_284 : i32 to index
        %get3A_292 = tpu.vector_load %arg24[%get3A_291] {strides = array<i32>} : memref<16384xf32, #tpu.memory_space<vmem>>, vector<16xf32>,
        %get3A_293 = vector.shape_cast %get3A_292 : vector<16xf32> to vector<16xf32>
        %get3A_294 = arith.index_cast %add3A_284 : i32 to index
        %get3A_295 = tpu.vector_load %arg26[%get3A_294] {strides = array<i32>} : memref<16384xf32, #tpu.memory_space<vmem>>, vector<16xf32>,
        %get3A_296 = vector.shape_cast %get3A_295 : vector<16xf32> to vector<16xf32>
        %exp3A = math.exp %get3A_293 : vector<16xf32>
        %add3A_297 = arith.constant 1.000000e+00 : f32
        %add3A_298 = vector.broadcast %add3A_297 : f32 to vector<16xf32>
        %add3A_299 = arith.addf %add3A_298, %exp3A : vector<16xf32>
        %div3A_300 = arith.constant 1.000000e+00 : f32
        %div3A_301 = vector.broadcast %div3A_300 : f32 to vector<16xf32>
        %div3A_302 = arith.divf %div3A_301, %add3A_299 : vector<16xf32>
        %max3A = arith.constant 9.99999974E-5 : f32
        %max3A_303 = vector.broadcast %max3A : f32 to vector<16xf32>
        %max3A_304 = arith.maximumf %div3A_302, %max3A_303 : vector<16xf32>
        %min3A = arith.constant 0.999899983 : f32
        %min3A_305 = vector.broadcast %min3A : f32 to vector<16xf32>
        %min3A_306 = arith.minimumf %max3A_304, %min3A_305 : vector<16xf32>
        %sub3A_307 = arith.constant 1.000000e+00 : f32
        %sub3A_308 = vector.broadcast %sub3A_307 : f32 to vector<16xf32>
        %sub3A_309 = arith.subf %sub3A_308, %min3A_306 : vector<16xf32>
        %bitcast_convert_type3A = tpu.bitcast %min3A_306 : vector<16xf32> -> vector<16xi32>
        %shift_right_arithmetic3A = arith.constant 23 : i32
        %shift_right_arithmetic3A_310 = vector.broadcast %shift_right_arithmetic3A : i32 to vector<16xi32>
        %shift_right_arithmetic3A_311 = arith.shrsi %bitcast_convert_type3A, %shift_right_arithmetic3A_310 : vector<16xi32>
        %sub3A_312 = arith.constant 127 : i32
        %sub3A_313 = vector.broadcast %sub3A_312 : i32 to vector<16xi32>
        %sub3A_314 = arith.subi %shift_right_arithmetic3A_311, %sub3A_313 : vector<16xi32>
        %convert_element_type3A_315 = arith.sitofp %sub3A_314 : vector<16xi32> to vector<16xf32>
        %and3A_316 = arith.constant 8388607 : i32
        %and3A_317 = vector.broadcast %and3A_316 : i32 to vector<16xi32>
        %and3A_318 = arith.andi %bitcast_convert_type3A, %and3A_317 : vector<16xi32>
        %or3A = arith.constant 1065353216 : i32
        %or3A_319 = vector.broadcast %or3A : i32 to vector<16xi32>
        %or3A_320 = arith.ori %and3A_318, %or3A_319 : vector<16xi32>
        %bitcast_convert_type3A_321 = tpu.bitcast %or3A_320 : vector<16xi32> -> vector<16xf32>
        %sub3A_322 = arith.constant 1.000000e+00 : f32
        %sub3A_323 = vector.broadcast %sub3A_322 : f32 to vector<16xf32>
        %sub3A_324 = arith.subf %bitcast_convert_type3A_321, %sub3A_323 : vector<16xf32>
        %mul3A_325 = arith.constant -0.0564376265 : f32
        %mul3A_326 = vector.broadcast %mul3A_325 : f32 to vector<16xf32>
        %mul3A_327 = arith.mulf %mul3A_326, %sub3A_324 : vector<16xf32>
        %add3A_328 = arith.constant 0.222331107 : f32
        %add3A_329 = vector.broadcast %add3A_328 : f32 to vector<16xf32>
        %add3A_330 = arith.addf %mul3A_327, %add3A_329 : vector<16xf32>
        %mul3A_331 = arith.mulf %add3A_330, %sub3A_324 : vector<16xf32>
        %add3A_332 = arith.constant -0.470228821 : f32
        %add3A_333 = vector.broadcast %add3A_332 : f32 to vector<16xf32>
        %add3A_334 = arith.addf %mul3A_331, %add3A_333 : vector<16xf32>
        %mul3A_335 = arith.mulf %add3A_334, %sub3A_324 : vector<16xf32>
        %add3A_336 = arith.constant 0.997467815 : f32
        %add3A_337 = vector.broadcast %add3A_336 : f32 to vector<16xf32>
        %add3A_338 = arith.addf %mul3A_335, %add3A_337 : vector<16xf32>
        %mul3A_339 = arith.mulf %add3A_338, %sub3A_324 : vector<16xf32>
        %add3A_340 = arith.constant 8.39552558E-6 : f32
        %add3A_341 = vector.broadcast %add3A_340 : f32 to vector<16xf32>
        %add3A_342 = arith.addf %mul3A_339, %add3A_341 : vector<16xf32>
        %mul3A_343 = arith.constant 0.693147182 : f32
        %mul3A_344 = vector.broadcast %mul3A_343 : f32 to vector<16xf32>
        %mul3A_345 = arith.mulf %convert_element_type3A_315, %mul3A_344 : vector<16xf32>
        %add3A_346 = arith.addf %mul3A_345, %add3A_342 : vector<16xf32>
        %sub3A_347 = arith.constant 1.000000e+00 : f32
        %sub3A_348 = vector.broadcast %sub3A_347 : f32 to vector<16xf32>
        %sub3A_349 = arith.subf %sub3A_348, %get3A_296 : vector<16xf32>
        %mul3A_350 = arith.mulf %sub3A_349, %sub3A_349 : vector<16xf32>
        %mul3A_351 = arith.mulf %sub3A_309, %sub3A_309 : vector<16xf32>
        %mul3A_352 = arith.mulf %add3A_346, %mul3A_351 : vector<16xf32>
        %mul3A_353 = arith.mulf %mul3A_350, %mul3A_350 : vector<16xf32>
        %mul3A_354 = arith.mulf %mul3A_352, %mul3A_353 : vector<16xf32>
        %add3A_355 = arith.addf %scan3A_277, %mul3A_354 : vector<16xf32>
        %get3A_356 = arith.index_cast %add3A_286 : i32 to index
        %get3A_357 = tpu.vector_load %arg24[%get3A_356] {strides = array<i32>} : memref<16384xf32, #tpu.memory_space<vmem>>, vector<16xf32>,
        %get3A_358 = vector.shape_cast %get3A_357 : vector<16xf32> to vector<16xf32>
        %get3A_359 = arith.index_cast %add3A_286 : i32 to index
        %get3A_360 = tpu.vector_load %arg26[%get3A_359] {strides = array<i32>} : memref<16384xf32, #tpu.memory_space<vmem>>, vector<16xf32>,
        %get3A_361 = vector.shape_cast %get3A_360 : vector<16xf32> to vector<16xf32>
        %exp3A_362 = math.exp %get3A_358 : vector<16xf32>
        %add3A_363 = arith.constant 1.000000e+00 : f32
        %add3A_364 = vector.broadcast %add3A_363 : f32 to vector<16xf32>
        %add3A_365 = arith.addf %add3A_364, %exp3A_362 : vector<16xf32>
        %div3A_366 = arith.constant 1.000000e+00 : f32
        %div3A_367 = vector.broadcast %div3A_366 : f32 to vector<16xf32>
        %div3A_368 = arith.divf %div3A_367, %add3A_365 : vector<16xf32>
        %max3A_369 = arith.constant 9.99999974E-5 : f32
        %max3A_370 = vector.broadcast %max3A_369 : f32 to vector<16xf32>
        %max3A_371 = arith.maximumf %div3A_368, %max3A_370 : vector<16xf32>
        %min3A_372 = arith.constant 0.999899983 : f32
        %min3A_373 = vector.broadcast %min3A_372 : f32 to vector<16xf32>
        %min3A_374 = arith.minimumf %max3A_371, %min3A_373 : vector<16xf32>
        %sub3A_375 = arith.constant 1.000000e+00 : f32
        %sub3A_376 = vector.broadcast %sub3A_375 : f32 to vector<16xf32>
        %sub3A_377 = arith.subf %sub3A_376, %min3A_374 : vector<16xf32>
        %bitcast_convert_type3A_378 = tpu.bitcast %min3A_374 : vector<16xf32> -> vector<16xi32>
        %shift_right_arithmetic3A_379 = arith.constant 23 : i32
        %shift_right_arithmetic3A_380 = vector.broadcast %shift_right_arithmetic3A_379 : i32 to vector<16xi32>
        %shift_right_arithmetic3A_381 = arith.shrsi %bitcast_convert_type3A_378, %shift_right_arithmetic3A_380 : vector<16xi32>
        %sub3A_382 = arith.constant 127 : i32
        %sub3A_383 = vector.broadcast %sub3A_382 : i32 to vector<16xi32>
        %sub3A_384 = arith.subi %shift_right_arithmetic3A_381, %sub3A_383 : vector<16xi32>
        %convert_element_type3A_385 = arith.sitofp %sub3A_384 : vector<16xi32> to vector<16xf32>
        %and3A_386 = arith.constant 8388607 : i32
        %and3A_387 = vector.broadcast %and3A_386 : i32 to vector<16xi32>
        %and3A_388 = arith.andi %bitcast_convert_type3A_378, %and3A_387 : vector<16xi32>
        %or3A_389 = arith.constant 1065353216 : i32
        %or3A_390 = vector.broadcast %or3A_389 : i32 to vector<16xi32>
        %or3A_391 = arith.ori %and3A_388, %or3A_390 : vector<16xi32>
        %bitcast_convert_type3A_392 = tpu.bitcast %or3A_391 : vector<16xi32> -> vector<16xf32>
        %sub3A_393 = arith.constant 1.000000e+00 : f32
        %sub3A_394 = vector.broadcast %sub3A_393 : f32 to vector<16xf32>
        %sub3A_395 = arith.subf %bitcast_convert_type3A_392, %sub3A_394 : vector<16xf32>
        %mul3A_396 = arith.constant -0.0564376265 : f32
        %mul3A_397 = vector.broadcast %mul3A_396 : f32 to vector<16xf32>
        %mul3A_398 = arith.mulf %mul3A_397, %sub3A_395 : vector<16xf32>
        %add3A_399 = arith.constant 0.222331107 : f32
        %add3A_400 = vector.broadcast %add3A_399 : f32 to vector<16xf32>
        %add3A_401 = arith.addf %mul3A_398, %add3A_400 : vector<16xf32>
        %mul3A_402 = arith.mulf %add3A_401, %sub3A_395 : vector<16xf32>
        %add3A_403 = arith.constant -0.470228821 : f32
        %add3A_404 = vector.broadcast %add3A_403 : f32 to vector<16xf32>
        %add3A_405 = arith.addf %mul3A_402, %add3A_404 : vector<16xf32>
        %mul3A_406 = arith.mulf %add3A_405, %sub3A_395 : vector<16xf32>
        %add3A_407 = arith.constant 0.997467815 : f32
        %add3A_408 = vector.broadcast %add3A_407 : f32 to vector<16xf32>
        %add3A_409 = arith.addf %mul3A_406, %add3A_408 : vector<16xf32>
        %mul3A_410 = arith.mulf %add3A_409, %sub3A_395 : vector<16xf32>
        %add3A_411 = arith.constant 8.39552558E-6 : f32
        %add3A_412 = vector.broadcast %add3A_411 : f32 to vector<16xf32>
        %add3A_413 = arith.addf %mul3A_410, %add3A_412 : vector<16xf32>
        %mul3A_414 = arith.constant 0.693147182 : f32
        %mul3A_415 = vector.broadcast %mul3A_414 : f32 to vector<16xf32>
        %mul3A_416 = arith.mulf %convert_element_type3A_385, %mul3A_415 : vector<16xf32>
        %add3A_417 = arith.addf %mul3A_416, %add3A_413 : vector<16xf32>
        %sub3A_418 = arith.constant 1.000000e+00 : f32
        %sub3A_419 = vector.broadcast %sub3A_418 : f32 to vector<16xf32>
        %sub3A_420 = arith.subf %sub3A_419, %get3A_361 : vector<16xf32>
        %mul3A_421 = arith.mulf %sub3A_420, %sub3A_420 : vector<16xf32>
        %mul3A_422 = arith.mulf %sub3A_377, %sub3A_377 : vector<16xf32>
        %mul3A_423 = arith.mulf %add3A_417, %mul3A_422 : vector<16xf32>
        %mul3A_424 = arith.mulf %mul3A_421, %mul3A_421 : vector<16xf32>
        %mul3A_425 = arith.mulf %mul3A_423, %mul3A_424 : vector<16xf32>
        %add3A_426 = arith.addf %scan3A_278, %mul3A_425 : vector<16xf32>
        %get3A_427 = arith.index_cast %add3A_288 : i32 to index
        %get3A_428 = tpu.vector_load %arg24[%get3A_427] {strides = array<i32>} : memref<16384xf32, #tpu.memory_space<vmem>>, vector<16xf32>,
        %get3A_429 = vector.shape_cast %get3A_428 : vector<16xf32> to vector<16xf32>
        %get3A_430 = arith.index_cast %add3A_288 : i32 to index
        %get3A_431 = tpu.vector_load %arg26[%get3A_430] {strides = array<i32>} : memref<16384xf32, #tpu.memory_space<vmem>>, vector<16xf32>,
        %get3A_432 = vector.shape_cast %get3A_431 : vector<16xf32> to vector<16xf32>
        %exp3A_433 = math.exp %get3A_429 : vector<16xf32>
        %add3A_434 = arith.constant 1.000000e+00 : f32
        %add3A_435 = vector.broadcast %add3A_434 : f32 to vector<16xf32>
        %add3A_436 = arith.addf %add3A_435, %exp3A_433 : vector<16xf32>
        %div3A_437 = arith.constant 1.000000e+00 : f32
        %div3A_438 = vector.broadcast %div3A_437 : f32 to vector<16xf32>
        %div3A_439 = arith.divf %div3A_438, %add3A_436 : vector<16xf32>
        %max3A_440 = arith.constant 9.99999974E-5 : f32
        %max3A_441 = vector.broadcast %max3A_440 : f32 to vector<16xf32>
        %max3A_442 = arith.maximumf %div3A_439, %max3A_441 : vector<16xf32>
        %min3A_443 = arith.constant 0.999899983 : f32
        %min3A_444 = vector.broadcast %min3A_443 : f32 to vector<16xf32>
        %min3A_445 = arith.minimumf %max3A_442, %min3A_444 : vector<16xf32>
        %sub3A_446 = arith.constant 1.000000e+00 : f32
        %sub3A_447 = vector.broadcast %sub3A_446 : f32 to vector<16xf32>
        %sub3A_448 = arith.subf %sub3A_447, %min3A_445 : vector<16xf32>
        %bitcast_convert_type3A_449 = tpu.bitcast %min3A_445 : vector<16xf32> -> vector<16xi32>
        %shift_right_arithmetic3A_450 = arith.constant 23 : i32
        %shift_right_arithmetic3A_451 = vector.broadcast %shift_right_arithmetic3A_450 : i32 to vector<16xi32>
        %shift_right_arithmetic3A_452 = arith.shrsi %bitcast_convert_type3A_449, %shift_right_arithmetic3A_451 : vector<16xi32>
        %sub3A_453 = arith.constant 127 : i32
        %sub3A_454 = vector.broadcast %sub3A_453 : i32 to vector<16xi32>
        %sub3A_455 = arith.subi %shift_right_arithmetic3A_452, %sub3A_454 : vector<16xi32>
        %convert_element_type3A_456 = arith.sitofp %sub3A_455 : vector<16xi32> to vector<16xf32>
        %and3A_457 = arith.constant 8388607 : i32
        %and3A_458 = vector.broadcast %and3A_457 : i32 to vector<16xi32>
        %and3A_459 = arith.andi %bitcast_convert_type3A_449, %and3A_458 : vector<16xi32>
        %or3A_460 = arith.constant 1065353216 : i32
        %or3A_461 = vector.broadcast %or3A_460 : i32 to vector<16xi32>
        %or3A_462 = arith.ori %and3A_459, %or3A_461 : vector<16xi32>
        %bitcast_convert_type3A_463 = tpu.bitcast %or3A_462 : vector<16xi32> -> vector<16xf32>
        %sub3A_464 = arith.constant 1.000000e+00 : f32
        %sub3A_465 = vector.broadcast %sub3A_464 : f32 to vector<16xf32>
        %sub3A_466 = arith.subf %bitcast_convert_type3A_463, %sub3A_465 : vector<16xf32>
        %mul3A_467 = arith.constant -0.0564376265 : f32
        %mul3A_468 = vector.broadcast %mul3A_467 : f32 to vector<16xf32>
        %mul3A_469 = arith.mulf %mul3A_468, %sub3A_466 : vector<16xf32>
        %add3A_470 = arith.constant 0.222331107 : f32
        %add3A_471 = vector.broadcast %add3A_470 : f32 to vector<16xf32>
        %add3A_472 = arith.addf %mul3A_469, %add3A_471 : vector<16xf32>
        %mul3A_473 = arith.mulf %add3A_472, %sub3A_466 : vector<16xf32>
        %add3A_474 = arith.constant -0.470228821 : f32
        %add3A_475 = vector.broadcast %add3A_474 : f32 to vector<16xf32>
        %add3A_476 = arith.addf %mul3A_473, %add3A_475 : vector<16xf32>
        %mul3A_477 = arith.mulf %add3A_476, %sub3A_466 : vector<16xf32>
        %add3A_478 = arith.constant 0.997467815 : f32
        %add3A_479 = vector.broadcast %add3A_478 : f32 to vector<16xf32>
        %add3A_480 = arith.addf %mul3A_477, %add3A_479 : vector<16xf32>
        %mul3A_481 = arith.mulf %add3A_480, %sub3A_466 : vector<16xf32>
        %add3A_482 = arith.constant 8.39552558E-6 : f32
        %add3A_483 = vector.broadcast %add3A_482 : f32 to vector<16xf32>
        %add3A_484 = arith.addf %mul3A_481, %add3A_483 : vector<16xf32>
        %mul3A_485 = arith.constant 0.693147182 : f32
        %mul3A_486 = vector.broadcast %mul3A_485 : f32 to vector<16xf32>
        %mul3A_487 = arith.mulf %convert_element_type3A_456, %mul3A_486 : vector<16xf32>
        %add3A_488 = arith.addf %mul3A_487, %add3A_484 : vector<16xf32>
        %sub3A_489 = arith.constant 1.000000e+00 : f32
        %sub3A_490 = vector.broadcast %sub3A_489 : f32 to vector<16xf32>
        %sub3A_491 = arith.subf %sub3A_490, %get3A_432 : vector<16xf32>
        %mul3A_492 = arith.mulf %sub3A_491, %sub3A_491 : vector<16xf32>
        %mul3A_493 = arith.mulf %sub3A_448, %sub3A_448 : vector<16xf32>
        %mul3A_494 = arith.mulf %add3A_488, %mul3A_493 : vector<16xf32>
        %mul3A_495 = arith.mulf %mul3A_492, %mul3A_492 : vector<16xf32>
        %mul3A_496 = arith.mulf %mul3A_494, %mul3A_495 : vector<16xf32>
        %add3A_497 = arith.addf %scan3A_279, %mul3A_496 : vector<16xf32>
        %get3A_498 = arith.index_cast %add3A_290 : i32 to index
        %get3A_499 = tpu.vector_load %arg24[%get3A_498] {strides = array<i32>} : memref<16384xf32, #tpu.memory_space<vmem>>, vector<16xf32>,
        %get3A_500 = vector.shape_cast %get3A_499 : vector<16xf32> to vector<16xf32>
        %get3A_501 = arith.index_cast %add3A_290 : i32 to index
        %get3A_502 = tpu.vector_load %arg26[%get3A_501] {strides = array<i32>} : memref<16384xf32, #tpu.memory_space<vmem>>, vector<16xf32>,
        %get3A_503 = vector.shape_cast %get3A_502 : vector<16xf32> to vector<16xf32>
        %exp3A_504 = math.exp %get3A_500 : vector<16xf32>
        %add3A_505 = arith.constant 1.000000e+00 : f32
        %add3A_506 = vector.broadcast %add3A_505 : f32 to vector<16xf32>
        %add3A_507 = arith.addf %add3A_506, %exp3A_504 : vector<16xf32>
        %div3A_508 = arith.constant 1.000000e+00 : f32
        %div3A_509 = vector.broadcast %div3A_508 : f32 to vector<16xf32>
        %div3A_510 = arith.divf %div3A_509, %add3A_507 : vector<16xf32>
        %max3A_511 = arith.constant 9.99999974E-5 : f32
        %max3A_512 = vector.broadcast %max3A_511 : f32 to vector<16xf32>
        %max3A_513 = arith.maximumf %div3A_510, %max3A_512 : vector<16xf32>
        %min3A_514 = arith.constant 0.999899983 : f32
        %min3A_515 = vector.broadcast %min3A_514 : f32 to vector<16xf32>
        %min3A_516 = arith.minimumf %max3A_513, %min3A_515 : vector<16xf32>
        %sub3A_517 = arith.constant 1.000000e+00 : f32
        %sub3A_518 = vector.broadcast %sub3A_517 : f32 to vector<16xf32>
        %sub3A_519 = arith.subf %sub3A_518, %min3A_516 : vector<16xf32>
        %bitcast_convert_type3A_520 = tpu.bitcast %min3A_516 : vector<16xf32> -> vector<16xi32>
        %shift_right_arithmetic3A_521 = arith.constant 23 : i32
        %shift_right_arithmetic3A_522 = vector.broadcast %shift_right_arithmetic3A_521 : i32 to vector<16xi32>
        %shift_right_arithmetic3A_523 = arith.shrsi %bitcast_convert_type3A_520, %shift_right_arithmetic3A_522 : vector<16xi32>
        %sub3A_524 = arith.constant 127 : i32
        %sub3A_525 = vector.broadcast %sub3A_524 : i32 to vector<16xi32>
        %sub3A_526 = arith.subi %shift_right_arithmetic3A_523, %sub3A_525 : vector<16xi32>
        %convert_element_type3A_527 = arith.sitofp %sub3A_526 : vector<16xi32> to vector<16xf32>
        %and3A_528 = arith.constant 8388607 : i32
        %and3A_529 = vector.broadcast %and3A_528 : i32 to vector<16xi32>
        %and3A_530 = arith.andi %bitcast_convert_type3A_520, %and3A_529 : vector<16xi32>
        %or3A_531 = arith.constant 1065353216 : i32
        %or3A_532 = vector.broadcast %or3A_531 : i32 to vector<16xi32>
        %or3A_533 = arith.ori %and3A_530, %or3A_532 : vector<16xi32>
        %bitcast_convert_type3A_534 = tpu.bitcast %or3A_533 : vector<16xi32> -> vector<16xf32>
        %sub3A_535 = arith.constant 1.000000e+00 : f32
        %sub3A_536 = vector.broadcast %sub3A_535 : f32 to vector<16xf32>
        %sub3A_537 = arith.subf %bitcast_convert_type3A_534, %sub3A_536 : vector<16xf32>
        %mul3A_538 = arith.constant -0.0564376265 : f32
        %mul3A_539 = vector.broadcast %mul3A_538 : f32 to vector<16xf32>
        %mul3A_540 = arith.mulf %mul3A_539, %sub3A_537 : vector<16xf32>
        %add3A_541 = arith.constant 0.222331107 : f32
        %add3A_542 = vector.broadcast %add3A_541 : f32 to vector<16xf32>
        %add3A_543 = arith.addf %mul3A_540, %add3A_542 : vector<16xf32>
        %mul3A_544 = arith.mulf %add3A_543, %sub3A_537 : vector<16xf32>
        %add3A_545 = arith.constant -0.470228821 : f32
        %add3A_546 = vector.broadcast %add3A_545 : f32 to vector<16xf32>
        %add3A_547 = arith.addf %mul3A_544, %add3A_546 : vector<16xf32>
        %mul3A_548 = arith.mulf %add3A_547, %sub3A_537 : vector<16xf32>
        %add3A_549 = arith.constant 0.997467815 : f32
        %add3A_550 = vector.broadcast %add3A_549 : f32 to vector<16xf32>
        %add3A_551 = arith.addf %mul3A_548, %add3A_550 : vector<16xf32>
        %mul3A_552 = arith.mulf %add3A_551, %sub3A_537 : vector<16xf32>
        %add3A_553 = arith.constant 8.39552558E-6 : f32
        %add3A_554 = vector.broadcast %add3A_553 : f32 to vector<16xf32>
        %add3A_555 = arith.addf %mul3A_552, %add3A_554 : vector<16xf32>
        %mul3A_556 = arith.constant 0.693147182 : f32
        %mul3A_557 = vector.broadcast %mul3A_556 : f32 to vector<16xf32>
        %mul3A_558 = arith.mulf %convert_element_type3A_527, %mul3A_557 : vector<16xf32>
        %add3A_559 = arith.addf %mul3A_558, %add3A_555 : vector<16xf32>
        %sub3A_560 = arith.constant 1.000000e+00 : f32
        %sub3A_561 = vector.broadcast %sub3A_560 : f32 to vector<16xf32>
        %sub3A_562 = arith.subf %sub3A_561, %get3A_503 : vector<16xf32>
        %mul3A_563 = arith.mulf %sub3A_562, %sub3A_562 : vector<16xf32>
        %mul3A_564 = arith.mulf %sub3A_519, %sub3A_519 : vector<16xf32>
        %mul3A_565 = arith.mulf %add3A_559, %mul3A_564 : vector<16xf32>
        %mul3A_566 = arith.mulf %mul3A_563, %mul3A_563 : vector<16xf32>
        %mul3A_567 = arith.mulf %mul3A_565, %mul3A_566 : vector<16xf32>
        %add3A_568 = arith.addf %scan3A_280, %mul3A_567 : vector<16xf32>
        %add3A_569 = arith.constant 64 : i32
        %add3A_570 = arith.addi %mul3A_282, %add3A_569 : i32
        %add3A_571 = arith.constant 80 : i32
        %add3A_572 = arith.addi %mul3A_282, %add3A_571 : i32
        %add3A_573 = arith.constant 96 : i32
        %add3A_574 = arith.addi %mul3A_282, %add3A_573 : i32
        %add3A_575 = arith.constant 112 : i32
        %add3A_576 = arith.addi %mul3A_282, %add3A_575 : i32
        %get3A_577 = arith.index_cast %add3A_570 : i32 to index
        %get3A_578 = tpu.vector_load %arg24[%get3A_577] {strides = array<i32>} : memref<16384xf32, #tpu.memory_space<vmem>>, vector<16xf32>,
        %get3A_579 = vector.shape_cast %get3A_578 : vector<16xf32> to vector<16xf32>
        %get3A_580 = arith.index_cast %add3A_570 : i32 to index
        %get3A_581 = tpu.vector_load %arg26[%get3A_580] {strides = array<i32>} : memref<16384xf32, #tpu.memory_space<vmem>>, vector<16xf32>,
        %get3A_582 = vector.shape_cast %get3A_581 : vector<16xf32> to vector<16xf32>
        %exp3A_583 = math.exp %get3A_579 : vector<16xf32>
        %add3A_584 = arith.constant 1.000000e+00 : f32
        %add3A_585 = vector.broadcast %add3A_584 : f32 to vector<16xf32>
        %add3A_586 = arith.addf %add3A_585, %exp3A_583 : vector<16xf32>
        %div3A_587 = arith.constant 1.000000e+00 : f32
        %div3A_588 = vector.broadcast %div3A_587 : f32 to vector<16xf32>
        %div3A_589 = arith.divf %div3A_588, %add3A_586 : vector<16xf32>
        %max3A_590 = arith.constant 9.99999974E-5 : f32
        %max3A_591 = vector.broadcast %max3A_590 : f32 to vector<16xf32>
        %max3A_592 = arith.maximumf %div3A_589, %max3A_591 : vector<16xf32>
        %min3A_593 = arith.constant 0.999899983 : f32
        %min3A_594 = vector.broadcast %min3A_593 : f32 to vector<16xf32>
        %min3A_595 = arith.minimumf %max3A_592, %min3A_594 : vector<16xf32>
        %sub3A_596 = arith.constant 1.000000e+00 : f32
        %sub3A_597 = vector.broadcast %sub3A_596 : f32 to vector<16xf32>
        %sub3A_598 = arith.subf %sub3A_597, %min3A_595 : vector<16xf32>
        %bitcast_convert_type3A_599 = tpu.bitcast %min3A_595 : vector<16xf32> -> vector<16xi32>
        %shift_right_arithmetic3A_600 = arith.constant 23 : i32
        %shift_right_arithmetic3A_601 = vector.broadcast %shift_right_arithmetic3A_600 : i32 to vector<16xi32>
        %shift_right_arithmetic3A_602 = arith.shrsi %bitcast_convert_type3A_599, %shift_right_arithmetic3A_601 : vector<16xi32>
        %sub3A_603 = arith.constant 127 : i32
        %sub3A_604 = vector.broadcast %sub3A_603 : i32 to vector<16xi32>
        %sub3A_605 = arith.subi %shift_right_arithmetic3A_602, %sub3A_604 : vector<16xi32>
        %convert_element_type3A_606 = arith.sitofp %sub3A_605 : vector<16xi32> to vector<16xf32>
        %and3A_607 = arith.constant 8388607 : i32
        %and3A_608 = vector.broadcast %and3A_607 : i32 to vector<16xi32>
        %and3A_609 = arith.andi %bitcast_convert_type3A_599, %and3A_608 : vector<16xi32>
        %or3A_610 = arith.constant 1065353216 : i32
        %or3A_611 = vector.broadcast %or3A_610 : i32 to vector<16xi32>
        %or3A_612 = arith.ori %and3A_609, %or3A_611 : vector<16xi32>
        %bitcast_convert_type3A_613 = tpu.bitcast %or3A_612 : vector<16xi32> -> vector<16xf32>
        %sub3A_614 = arith.constant 1.000000e+00 : f32
        %sub3A_615 = vector.broadcast %sub3A_614 : f32 to vector<16xf32>
        %sub3A_616 = arith.subf %bitcast_convert_type3A_613, %sub3A_615 : vector<16xf32>
        %mul3A_617 = arith.constant -0.0564376265 : f32
        %mul3A_618 = vector.broadcast %mul3A_617 : f32 to vector<16xf32>
        %mul3A_619 = arith.mulf %mul3A_618, %sub3A_616 : vector<16xf32>
        %add3A_620 = arith.constant 0.222331107 : f32
        %add3A_621 = vector.broadcast %add3A_620 : f32 to vector<16xf32>
        %add3A_622 = arith.addf %mul3A_619, %add3A_621 : vector<16xf32>
        %mul3A_623 = arith.mulf %add3A_622, %sub3A_616 : vector<16xf32>
        %add3A_624 = arith.constant -0.470228821 : f32
        %add3A_625 = vector.broadcast %add3A_624 : f32 to vector<16xf32>
        %add3A_626 = arith.addf %mul3A_623, %add3A_625 : vector<16xf32>
        %mul3A_627 = arith.mulf %add3A_626, %sub3A_616 : vector<16xf32>
        %add3A_628 = arith.constant 0.997467815 : f32
        %add3A_629 = vector.broadcast %add3A_628 : f32 to vector<16xf32>
        %add3A_630 = arith.addf %mul3A_627, %add3A_629 : vector<16xf32>
        %mul3A_631 = arith.mulf %add3A_630, %sub3A_616 : vector<16xf32>
        %add3A_632 = arith.constant 8.39552558E-6 : f32
        %add3A_633 = vector.broadcast %add3A_632 : f32 to vector<16xf32>
        %add3A_634 = arith.addf %mul3A_631, %add3A_633 : vector<16xf32>
        %mul3A_635 = arith.constant 0.693147182 : f32
        %mul3A_636 = vector.broadcast %mul3A_635 : f32 to vector<16xf32>
        %mul3A_637 = arith.mulf %convert_element_type3A_606, %mul3A_636 : vector<16xf32>
        %add3A_638 = arith.addf %mul3A_637, %add3A_634 : vector<16xf32>
        %sub3A_639 = arith.constant 1.000000e+00 : f32
        %sub3A_640 = vector.broadcast %sub3A_639 : f32 to vector<16xf32>
        %sub3A_641 = arith.subf %sub3A_640, %get3A_582 : vector<16xf32>
        %mul3A_642 = arith.mulf %sub3A_641, %sub3A_641 : vector<16xf32>
        %mul3A_643 = arith.mulf %sub3A_598, %sub3A_598 : vector<16xf32>
        %mul3A_644 = arith.mulf %add3A_638, %mul3A_643 : vector<16xf32>
        %mul3A_645 = arith.mulf %mul3A_642, %mul3A_642 : vector<16xf32>
        %mul3A_646 = arith.mulf %mul3A_644, %mul3A_645 : vector<16xf32>
        %add3A_647 = arith.addf %add3A_355, %mul3A_646 : vector<16xf32>
        %get3A_648 = arith.index_cast %add3A_572 : i32 to index
        %get3A_649 = tpu.vector_load %arg24[%get3A_648] {strides = array<i32>} : memref<16384xf32, #tpu.memory_space<vmem>>, vector<16xf32>,
        %get3A_650 = vector.shape_cast %get3A_649 : vector<16xf32> to vector<16xf32>
        %get3A_651 = arith.index_cast %add3A_572 : i32 to index
        %get3A_652 = tpu.vector_load %arg26[%get3A_651] {strides = array<i32>} : memref<16384xf32, #tpu.memory_space<vmem>>, vector<16xf32>,
        %get3A_653 = vector.shape_cast %get3A_652 : vector<16xf32> to vector<16xf32>
        %exp3A_654 = math.exp %get3A_650 : vector<16xf32>
        %add3A_655 = arith.constant 1.000000e+00 : f32
        %add3A_656 = vector.broadcast %add3A_655 : f32 to vector<16xf32>
        %add3A_657 = arith.addf %add3A_656, %exp3A_654 : vector<16xf32>
        %div3A_658 = arith.constant 1.000000e+00 : f32
        %div3A_659 = vector.broadcast %div3A_658 : f32 to vector<16xf32>
        %div3A_660 = arith.divf %div3A_659, %add3A_657 : vector<16xf32>
        %max3A_661 = arith.constant 9.99999974E-5 : f32
        %max3A_662 = vector.broadcast %max3A_661 : f32 to vector<16xf32>
        %max3A_663 = arith.maximumf %div3A_660, %max3A_662 : vector<16xf32>
        %min3A_664 = arith.constant 0.999899983 : f32
        %min3A_665 = vector.broadcast %min3A_664 : f32 to vector<16xf32>
        %min3A_666 = arith.minimumf %max3A_663, %min3A_665 : vector<16xf32>
        %sub3A_667 = arith.constant 1.000000e+00 : f32
        %sub3A_668 = vector.broadcast %sub3A_667 : f32 to vector<16xf32>
        %sub3A_669 = arith.subf %sub3A_668, %min3A_666 : vector<16xf32>
        %bitcast_convert_type3A_670 = tpu.bitcast %min3A_666 : vector<16xf32> -> vector<16xi32>
        %shift_right_arithmetic3A_671 = arith.constant 23 : i32
        %shift_right_arithmetic3A_672 = vector.broadcast %shift_right_arithmetic3A_671 : i32 to vector<16xi32>
        %shift_right_arithmetic3A_673 = arith.shrsi %bitcast_convert_type3A_670, %shift_right_arithmetic3A_672 : vector<16xi32>
        %sub3A_674 = arith.constant 127 : i32
        %sub3A_675 = vector.broadcast %sub3A_674 : i32 to vector<16xi32>
        %sub3A_676 = arith.subi %shift_right_arithmetic3A_673, %sub3A_675 : vector<16xi32>
        %convert_element_type3A_677 = arith.sitofp %sub3A_676 : vector<16xi32> to vector<16xf32>
        %and3A_678 = arith.constant 8388607 : i32
        %and3A_679 = vector.broadcast %and3A_678 : i32 to vector<16xi32>
        %and3A_680 = arith.andi %bitcast_convert_type3A_670, %and3A_679 : vector<16xi32>
        %or3A_681 = arith.constant 1065353216 : i32
        %or3A_682 = vector.broadcast %or3A_681 : i32 to vector<16xi32>
        %or3A_683 = arith.ori %and3A_680, %or3A_682 : vector<16xi32>
        %bitcast_convert_type3A_684 = tpu.bitcast %or3A_683 : vector<16xi32> -> vector<16xf32>
        %sub3A_685 = arith.constant 1.000000e+00 : f32
        %sub3A_686 = vector.broadcast %sub3A_685 : f32 to vector<16xf32>
        %sub3A_687 = arith.subf %bitcast_convert_type3A_684, %sub3A_686 : vector<16xf32>
        %mul3A_688 = arith.constant -0.0564376265 : f32
        %mul3A_689 = vector.broadcast %mul3A_688 : f32 to vector<16xf32>
        %mul3A_690 = arith.mulf %mul3A_689, %sub3A_687 : vector<16xf32>
        %add3A_691 = arith.constant 0.222331107 : f32
        %add3A_692 = vector.broadcast %add3A_691 : f32 to vector<16xf32>
        %add3A_693 = arith.addf %mul3A_690, %add3A_692 : vector<16xf32>
        %mul3A_694 = arith.mulf %add3A_693, %sub3A_687 : vector<16xf32>
        %add3A_695 = arith.constant -0.470228821 : f32
        %add3A_696 = vector.broadcast %add3A_695 : f32 to vector<16xf32>
        %add3A_697 = arith.addf %mul3A_694, %add3A_696 : vector<16xf32>
        %mul3A_698 = arith.mulf %add3A_697, %sub3A_687 : vector<16xf32>
        %add3A_699 = arith.constant 0.997467815 : f32
        %add3A_700 = vector.broadcast %add3A_699 : f32 to vector<16xf32>
        %add3A_701 = arith.addf %mul3A_698, %add3A_700 : vector<16xf32>
        %mul3A_702 = arith.mulf %add3A_701, %sub3A_687 : vector<16xf32>
        %add3A_703 = arith.constant 8.39552558E-6 : f32
        %add3A_704 = vector.broadcast %add3A_703 : f32 to vector<16xf32>
        %add3A_705 = arith.addf %mul3A_702, %add3A_704 : vector<16xf32>
        %mul3A_706 = arith.constant 0.693147182 : f32
        %mul3A_707 = vector.broadcast %mul3A_706 : f32 to vector<16xf32>
        %mul3A_708 = arith.mulf %convert_element_type3A_677, %mul3A_707 : vector<16xf32>
        %add3A_709 = arith.addf %mul3A_708, %add3A_705 : vector<16xf32>
        %sub3A_710 = arith.constant 1.000000e+00 : f32
        %sub3A_711 = vector.broadcast %sub3A_710 : f32 to vector<16xf32>
        %sub3A_712 = arith.subf %sub3A_711, %get3A_653 : vector<16xf32>
        %mul3A_713 = arith.mulf %sub3A_712, %sub3A_712 : vector<16xf32>
        %mul3A_714 = arith.mulf %sub3A_669, %sub3A_669 : vector<16xf32>
        %mul3A_715 = arith.mulf %add3A_709, %mul3A_714 : vector<16xf32>
        %mul3A_716 = arith.mulf %mul3A_713, %mul3A_713 : vector<16xf32>
        %mul3A_717 = arith.mulf %mul3A_715, %mul3A_716 : vector<16xf32>
        %add3A_718 = arith.addf %add3A_426, %mul3A_717 : vector<16xf32>
        %get3A_719 = arith.index_cast %add3A_574 : i32 to index
        %get3A_720 = tpu.vector_load %arg24[%get3A_719] {strides = array<i32>} : memref<16384xf32, #tpu.memory_space<vmem>>, vector<16xf32>,
        %get3A_721 = vector.shape_cast %get3A_720 : vector<16xf32> to vector<16xf32>
        %get3A_722 = arith.index_cast %add3A_574 : i32 to index
        %get3A_723 = tpu.vector_load %arg26[%get3A_722] {strides = array<i32>} : memref<16384xf32, #tpu.memory_space<vmem>>, vector<16xf32>,
        %get3A_724 = vector.shape_cast %get3A_723 : vector<16xf32> to vector<16xf32>
        %exp3A_725 = math.exp %get3A_721 : vector<16xf32>
        %add3A_726 = arith.constant 1.000000e+00 : f32
        %add3A_727 = vector.broadcast %add3A_726 : f32 to vector<16xf32>
        %add3A_728 = arith.addf %add3A_727, %exp3A_725 : vector<16xf32>
        %div3A_729 = arith.constant 1.000000e+00 : f32
        %div3A_730 = vector.broadcast %div3A_729 : f32 to vector<16xf32>
        %div3A_731 = arith.divf %div3A_730, %add3A_728 : vector<16xf32>
        %max3A_732 = arith.constant 9.99999974E-5 : f32
        %max3A_733 = vector.broadcast %max3A_732 : f32 to vector<16xf32>
        %max3A_734 = arith.maximumf %div3A_731, %max3A_733 : vector<16xf32>
        %min3A_735 = arith.constant 0.999899983 : f32
        %min3A_736 = vector.broadcast %min3A_735 : f32 to vector<16xf32>
        %min3A_737 = arith.minimumf %max3A_734, %min3A_736 : vector<16xf32>
        %sub3A_738 = arith.constant 1.000000e+00 : f32
        %sub3A_739 = vector.broadcast %sub3A_738 : f32 to vector<16xf32>
        %sub3A_740 = arith.subf %sub3A_739, %min3A_737 : vector<16xf32>
        %bitcast_convert_type3A_741 = tpu.bitcast %min3A_737 : vector<16xf32> -> vector<16xi32>
        %shift_right_arithmetic3A_742 = arith.constant 23 : i32
        %shift_right_arithmetic3A_743 = vector.broadcast %shift_right_arithmetic3A_742 : i32 to vector<16xi32>
        %shift_right_arithmetic3A_744 = arith.shrsi %bitcast_convert_type3A_741, %shift_right_arithmetic3A_743 : vector<16xi32>
        %sub3A_745 = arith.constant 127 : i32
        %sub3A_746 = vector.broadcast %sub3A_745 : i32 to vector<16xi32>
        %sub3A_747 = arith.subi %shift_right_arithmetic3A_744, %sub3A_746 : vector<16xi32>
        %convert_element_type3A_748 = arith.sitofp %sub3A_747 : vector<16xi32> to vector<16xf32>
        %and3A_749 = arith.constant 8388607 : i32
        %and3A_750 = vector.broadcast %and3A_749 : i32 to vector<16xi32>
        %and3A_751 = arith.andi %bitcast_convert_type3A_741, %and3A_750 : vector<16xi32>
        %or3A_752 = arith.constant 1065353216 : i32
        %or3A_753 = vector.broadcast %or3A_752 : i32 to vector<16xi32>
        %or3A_754 = arith.ori %and3A_751, %or3A_753 : vector<16xi32>
        %bitcast_convert_type3A_755 = tpu.bitcast %or3A_754 : vector<16xi32> -> vector<16xf32>
        %sub3A_756 = arith.constant 1.000000e+00 : f32
        %sub3A_757 = vector.broadcast %sub3A_756 : f32 to vector<16xf32>
        %sub3A_758 = arith.subf %bitcast_convert_type3A_755, %sub3A_757 : vector<16xf32>
        %mul3A_759 = arith.constant -0.0564376265 : f32
        %mul3A_760 = vector.broadcast %mul3A_759 : f32 to vector<16xf32>
        %mul3A_761 = arith.mulf %mul3A_760, %sub3A_758 : vector<16xf32>
        %add3A_762 = arith.constant 0.222331107 : f32
        %add3A_763 = vector.broadcast %add3A_762 : f32 to vector<16xf32>
        %add3A_764 = arith.addf %mul3A_761, %add3A_763 : vector<16xf32>
        %mul3A_765 = arith.mulf %add3A_764, %sub3A_758 : vector<16xf32>
        %add3A_766 = arith.constant -0.470228821 : f32
        %add3A_767 = vector.broadcast %add3A_766 : f32 to vector<16xf32>
        %add3A_768 = arith.addf %mul3A_765, %add3A_767 : vector<16xf32>
        %mul3A_769 = arith.mulf %add3A_768, %sub3A_758 : vector<16xf32>
        %add3A_770 = arith.constant 0.997467815 : f32
        %add3A_771 = vector.broadcast %add3A_770 : f32 to vector<16xf32>
        %add3A_772 = arith.addf %mul3A_769, %add3A_771 : vector<16xf32>
        %mul3A_773 = arith.mulf %add3A_772, %sub3A_758 : vector<16xf32>
        %add3A_774 = arith.constant 8.39552558E-6 : f32
        %add3A_775 = vector.broadcast %add3A_774 : f32 to vector<16xf32>
        %add3A_776 = arith.addf %mul3A_773, %add3A_775 : vector<16xf32>
        %mul3A_777 = arith.constant 0.693147182 : f32
        %mul3A_778 = vector.broadcast %mul3A_777 : f32 to vector<16xf32>
        %mul3A_779 = arith.mulf %convert_element_type3A_748, %mul3A_778 : vector<16xf32>
        %add3A_780 = arith.addf %mul3A_779, %add3A_776 : vector<16xf32>
        %sub3A_781 = arith.constant 1.000000e+00 : f32
        %sub3A_782 = vector.broadcast %sub3A_781 : f32 to vector<16xf32>
        %sub3A_783 = arith.subf %sub3A_782, %get3A_724 : vector<16xf32>
        %mul3A_784 = arith.mulf %sub3A_783, %sub3A_783 : vector<16xf32>
        %mul3A_785 = arith.mulf %sub3A_740, %sub3A_740 : vector<16xf32>
        %mul3A_786 = arith.mulf %add3A_780, %mul3A_785 : vector<16xf32>
        %mul3A_787 = arith.mulf %mul3A_784, %mul3A_784 : vector<16xf32>
        %mul3A_788 = arith.mulf %mul3A_786, %mul3A_787 : vector<16xf32>
        %add3A_789 = arith.addf %add3A_497, %mul3A_788 : vector<16xf32>
        %get3A_790 = arith.index_cast %add3A_576 : i32 to index
        %get3A_791 = tpu.vector_load %arg24[%get3A_790] {strides = array<i32>} : memref<16384xf32, #tpu.memory_space<vmem>>, vector<16xf32>,
        %get3A_792 = vector.shape_cast %get3A_791 : vector<16xf32> to vector<16xf32>
        %get3A_793 = arith.index_cast %add3A_576 : i32 to index
        %get3A_794 = tpu.vector_load %arg26[%get3A_793] {strides = array<i32>} : memref<16384xf32, #tpu.memory_space<vmem>>, vector<16xf32>,
        %get3A_795 = vector.shape_cast %get3A_794 : vector<16xf32> to vector<16xf32>
        %exp3A_796 = math.exp %get3A_792 : vector<16xf32>
        %add3A_797 = arith.constant 1.000000e+00 : f32
        %add3A_798 = vector.broadcast %add3A_797 : f32 to vector<16xf32>
        %add3A_799 = arith.addf %add3A_798, %exp3A_796 : vector<16xf32>
        %div3A_800 = arith.constant 1.000000e+00 : f32
        %div3A_801 = vector.broadcast %div3A_800 : f32 to vector<16xf32>
        %div3A_802 = arith.divf %div3A_801, %add3A_799 : vector<16xf32>
        %max3A_803 = arith.constant 9.99999974E-5 : f32
        %max3A_804 = vector.broadcast %max3A_803 : f32 to vector<16xf32>
        %max3A_805 = arith.maximumf %div3A_802, %max3A_804 : vector<16xf32>
        %min3A_806 = arith.constant 0.999899983 : f32
        %min3A_807 = vector.broadcast %min3A_806 : f32 to vector<16xf32>
        %min3A_808 = arith.minimumf %max3A_805, %min3A_807 : vector<16xf32>
        %sub3A_809 = arith.constant 1.000000e+00 : f32
        %sub3A_810 = vector.broadcast %sub3A_809 : f32 to vector<16xf32>
        %sub3A_811 = arith.subf %sub3A_810, %min3A_808 : vector<16xf32>
        %bitcast_convert_type3A_812 = tpu.bitcast %min3A_808 : vector<16xf32> -> vector<16xi32>
        %shift_right_arithmetic3A_813 = arith.constant 23 : i32
        %shift_right_arithmetic3A_814 = vector.broadcast %shift_right_arithmetic3A_813 : i32 to vector<16xi32>
        %shift_right_arithmetic3A_815 = arith.shrsi %bitcast_convert_type3A_812, %shift_right_arithmetic3A_814 : vector<16xi32>
        %sub3A_816 = arith.constant 127 : i32
        %sub3A_817 = vector.broadcast %sub3A_816 : i32 to vector<16xi32>
        %sub3A_818 = arith.subi %shift_right_arithmetic3A_815, %sub3A_817 : vector<16xi32>
        %convert_element_type3A_819 = arith.sitofp %sub3A_818 : vector<16xi32> to vector<16xf32>
        %and3A_820 = arith.constant 8388607 : i32
        %and3A_821 = vector.broadcast %and3A_820 : i32 to vector<16xi32>
        %and3A_822 = arith.andi %bitcast_convert_type3A_812, %and3A_821 : vector<16xi32>
        %or3A_823 = arith.constant 1065353216 : i32
        %or3A_824 = vector.broadcast %or3A_823 : i32 to vector<16xi32>
        %or3A_825 = arith.ori %and3A_822, %or3A_824 : vector<16xi32>
        %bitcast_convert_type3A_826 = tpu.bitcast %or3A_825 : vector<16xi32> -> vector<16xf32>
        %sub3A_827 = arith.constant 1.000000e+00 : f32
        %sub3A_828 = vector.broadcast %sub3A_827 : f32 to vector<16xf32>
        %sub3A_829 = arith.subf %bitcast_convert_type3A_826, %sub3A_828 : vector<16xf32>
        %mul3A_830 = arith.constant -0.0564376265 : f32
        %mul3A_831 = vector.broadcast %mul3A_830 : f32 to vector<16xf32>
        %mul3A_832 = arith.mulf %mul3A_831, %sub3A_829 : vector<16xf32>
        %add3A_833 = arith.constant 0.222331107 : f32
        %add3A_834 = vector.broadcast %add3A_833 : f32 to vector<16xf32>
        %add3A_835 = arith.addf %mul3A_832, %add3A_834 : vector<16xf32>
        %mul3A_836 = arith.mulf %add3A_835, %sub3A_829 : vector<16xf32>
        %add3A_837 = arith.constant -0.470228821 : f32
        %add3A_838 = vector.broadcast %add3A_837 : f32 to vector<16xf32>
        %add3A_839 = arith.addf %mul3A_836, %add3A_838 : vector<16xf32>
        %mul3A_840 = arith.mulf %add3A_839, %sub3A_829 : vector<16xf32>
        %add3A_841 = arith.constant 0.997467815 : f32
        %add3A_842 = vector.broadcast %add3A_841 : f32 to vector<16xf32>
        %add3A_843 = arith.addf %mul3A_840, %add3A_842 : vector<16xf32>
        %mul3A_844 = arith.mulf %add3A_843, %sub3A_829 : vector<16xf32>
        %add3A_845 = arith.constant 8.39552558E-6 : f32
        %add3A_846 = vector.broadcast %add3A_845 : f32 to vector<16xf32>
        %add3A_847 = arith.addf %mul3A_844, %add3A_846 : vector<16xf32>
        %mul3A_848 = arith.constant 0.693147182 : f32
        %mul3A_849 = vector.broadcast %mul3A_848 : f32 to vector<16xf32>
        %mul3A_850 = arith.mulf %convert_element_type3A_819, %mul3A_849 : vector<16xf32>
        %add3A_851 = arith.addf %mul3A_850, %add3A_847 : vector<16xf32>
        %sub3A_852 = arith.constant 1.000000e+00 : f32
        %sub3A_853 = vector.broadcast %sub3A_852 : f32 to vector<16xf32>
        %sub3A_854 = arith.subf %sub3A_853, %get3A_795 : vector<16xf32>
        %mul3A_855 = arith.mulf %sub3A_854, %sub3A_854 : vector<16xf32>
        %mul3A_856 = arith.mulf %sub3A_811, %sub3A_811 : vector<16xf32>
        %mul3A_857 = arith.mulf %add3A_851, %mul3A_856 : vector<16xf32>
        %mul3A_858 = arith.mulf %mul3A_855, %mul3A_855 : vector<16xf32>
        %mul3A_859 = arith.mulf %mul3A_857, %mul3A_858 : vector<16xf32>
        %add3A_860 = arith.addf %add3A_568, %mul3A_859 : vector<16xf32>
        scf.yield %add3A_647, %add3A_718, %add3A_789, %add3A_860 : vector<16xf32>, vector<16xf32>, vector<16xf32>, vector<16xf32>
      }
      %scan3A_239 = arith.constant 128 : i32
      %add3A_240 = arith.addf %scan3A_238#0, %scan3A_238#1 : vector<16xf32>
      %add3A_241 = arith.addf %scan3A_222, %add3A_240 : vector<16xf32>
      %add3A_242 = arith.addf %scan3A_238#2, %scan3A_238#3 : vector<16xf32>
      %add3A_243 = arith.addf %add3A_241, %add3A_242 : vector<16xf32>
      %add3A_244 = arith.constant 2 : i32
      %add3A_245 = arith.addi %mul3A_224, %add3A_244 : i32
      %lt3A = arith.constant 32 : i32
      %lt3A_246 = arith.cmpi slt, %add3A_245, %lt3A : i32
      %convert_element_type3A = arith.extui %lt3A_246 : i1 to i32
      %cond3A = arith.constant 0 : i32
      %cond3A_247 = arith.cmpi ne, %convert_element_type3A, %cond3A : i32
      scf.if %cond3A_247 {
        %add3A_276 = arith.constant 2 : i32
        %add3A_277 = arith.addi %mul3A_224, %add3A_276 : i32
        %mul3A_278 = arith.constant 16384 : i32
        %mul3A_279 = arith.muli %add3A_277, %mul3A_278 : i32
        %add3A_280 = arith.addi %mul3A_20, %mul3A_279 : i32
        %dma_start3A_281 = tpu.memref_slice %arg2[%add3A_280] : memref<20971520xf32, #tpu.memory_space<hbm>> -> memref<16384xf32, #tpu.memory_space<hbm>>
        %dma_start3A_282 = tpu.memref_slice %arg2[%add3A_280] : memref<20971520xf32, #tpu.memory_space<hbm>> -> memref<16384xf32, #tpu.memory_space<hbm>>
        tpu.enqueue_dma source(%dma_start3A_282 : memref<16384xf32, #tpu.memory_space<hbm>>) target(%arg24 : memref<16384xf32, #tpu.memory_space<vmem>>) target_semaphore(%arg34 : memref<!tpu.dma_semaphore, #tpu.memory_space<semaphore_mem>>)
        %dma_start3A_283 = tpu.memref_slice %arg3[%add3A_280] : memref<20971520xf32, #tpu.memory_space<hbm>> -> memref<16384xf32, #tpu.memory_space<hbm>>
        %dma_start3A_284 = tpu.memref_slice %arg3[%add3A_280] : memref<20971520xf32, #tpu.memory_space<hbm>> -> memref<16384xf32, #tpu.memory_space<hbm>>
        tpu.enqueue_dma source(%dma_start3A_284 : memref<16384xf32, #tpu.memory_space<hbm>>) target(%arg26 : memref<16384xf32, #tpu.memory_space<vmem>>) target_semaphore(%arg36 : memref<!tpu.dma_semaphore, #tpu.memory_space<semaphore_mem>>)
      } else {
      }
      %add3A_248 = arith.constant 1 : i32
      %add3A_249 = arith.addi %mul3A_224, %add3A_248 : i32
      %mul3A_250 = arith.constant 16384 : i32
      %mul3A_251 = arith.muli %add3A_249, %mul3A_250 : i32
      %add3A_252 = arith.addi %mul3A_20, %mul3A_251 : i32
      %dma_wait3A_253 = tpu.memref_slice %arg2[%add3A_252] : memref<20971520xf32, #tpu.memory_space<hbm>> -> memref<16384xf32, #tpu.memory_space<hbm>>
      %dma_wait3A_254 = tpu.memref_slice %arg2[%add3A_252] : memref<20971520xf32, #tpu.memory_space<hbm>> -> memref<16384xf32, #tpu.memory_space<hbm>>
      tpu.wait_dma2 semaphore(%arg35 : memref<!tpu.dma_semaphore, #tpu.memory_space<semaphore_mem>>) src(%dma_wait3A_254 : memref<16384xf32, #tpu.memory_space<hbm>>) dst(%arg25 : memref<16384xf32, #tpu.memory_space<vmem>>)
      %dma_wait3A_255 = tpu.memref_slice %arg3[%add3A_252] : memref<20971520xf32, #tpu.memory_space<hbm>> -> memref<16384xf32, #tpu.memory_space<hbm>>
      %dma_wait3A_256 = tpu.memref_slice %arg3[%add3A_252] : memref<20971520xf32, #tpu.memory_space<hbm>> -> memref<16384xf32, #tpu.memory_space<hbm>>
      tpu.wait_dma2 semaphore(%arg37 : memref<!tpu.dma_semaphore, #tpu.memory_space<semaphore_mem>>) src(%dma_wait3A_256 : memref<16384xf32, #tpu.memory_space<hbm>>) dst(%arg27 : memref<16384xf32, #tpu.memory_space<vmem>>)
      %broadcast_in_dim3A_257 = arith.constant 0.000000e+00 : f32
      %broadcast_in_dim3A_258 = vector.broadcast %broadcast_in_dim3A_257 : f32 to vector<16xf32>
      %scan3A_259 = arith.constant 0 : i32
      %scan3A_260 = arith.constant 128 : i32
      %scan3A_261 = arith.addi %scan3A_259, %scan3A_260 : i32
      %scan3A_262 = arith.constant 1 : i32
      %scan3A_263:4 = scf.for %scan3A_276 = %scan3A_259 to %scan3A_261 step %scan3A_262 iter_args(%scan3A_277 = %broadcast_in_dim3A_258, %scan3A_278 = %broadcast_in_dim3A_258, %scan3A_279 = %broadcast_in_dim3A_258, %scan3A_280 = %broadcast_in_dim3A_258) -> (vector<16xf32>, vector<16xf32>, vector<16xf32>, vector<16xf32>)  : i32 {
        %mul3A_281 = arith.constant 128 : i32
        %mul3A_282 = arith.muli %scan3A_276, %mul3A_281 : i32
        %add3A_283 = arith.constant 0 : i32
        %add3A_284 = arith.addi %mul3A_282, %add3A_283 : i32
        %add3A_285 = arith.constant 16 : i32
        %add3A_286 = arith.addi %mul3A_282, %add3A_285 : i32
        %add3A_287 = arith.constant 32 : i32
        %add3A_288 = arith.addi %mul3A_282, %add3A_287 : i32
        %add3A_289 = arith.constant 48 : i32
        %add3A_290 = arith.addi %mul3A_282, %add3A_289 : i32
        %get3A_291 = arith.index_cast %add3A_284 : i32 to index
        %get3A_292 = tpu.vector_load %arg25[%get3A_291] {strides = array<i32>} : memref<16384xf32, #tpu.memory_space<vmem>>, vector<16xf32>,
        %get3A_293 = vector.shape_cast %get3A_292 : vector<16xf32> to vector<16xf32>
        %get3A_294 = arith.index_cast %add3A_284 : i32 to index
        %get3A_295 = tpu.vector_load %arg27[%get3A_294] {strides = array<i32>} : memref<16384xf32, #tpu.memory_space<vmem>>, vector<16xf32>,
        %get3A_296 = vector.shape_cast %get3A_295 : vector<16xf32> to vector<16xf32>
        %exp3A = math.exp %get3A_293 : vector<16xf32>
        %add3A_297 = arith.constant 1.000000e+00 : f32
        %add3A_298 = vector.broadcast %add3A_297 : f32 to vector<16xf32>
        %add3A_299 = arith.addf %add3A_298, %exp3A : vector<16xf32>
        %div3A_300 = arith.constant 1.000000e+00 : f32
        %div3A_301 = vector.broadcast %div3A_300 : f32 to vector<16xf32>
        %div3A_302 = arith.divf %div3A_301, %add3A_299 : vector<16xf32>
        %max3A = arith.constant 9.99999974E-5 : f32
        %max3A_303 = vector.broadcast %max3A : f32 to vector<16xf32>
        %max3A_304 = arith.maximumf %div3A_302, %max3A_303 : vector<16xf32>
        %min3A = arith.constant 0.999899983 : f32
        %min3A_305 = vector.broadcast %min3A : f32 to vector<16xf32>
        %min3A_306 = arith.minimumf %max3A_304, %min3A_305 : vector<16xf32>
        %sub3A_307 = arith.constant 1.000000e+00 : f32
        %sub3A_308 = vector.broadcast %sub3A_307 : f32 to vector<16xf32>
        %sub3A_309 = arith.subf %sub3A_308, %min3A_306 : vector<16xf32>
        %bitcast_convert_type3A = tpu.bitcast %min3A_306 : vector<16xf32> -> vector<16xi32>
        %shift_right_arithmetic3A = arith.constant 23 : i32
        %shift_right_arithmetic3A_310 = vector.broadcast %shift_right_arithmetic3A : i32 to vector<16xi32>
        %shift_right_arithmetic3A_311 = arith.shrsi %bitcast_convert_type3A, %shift_right_arithmetic3A_310 : vector<16xi32>
        %sub3A_312 = arith.constant 127 : i32
        %sub3A_313 = vector.broadcast %sub3A_312 : i32 to vector<16xi32>
        %sub3A_314 = arith.subi %shift_right_arithmetic3A_311, %sub3A_313 : vector<16xi32>
        %convert_element_type3A_315 = arith.sitofp %sub3A_314 : vector<16xi32> to vector<16xf32>
        %and3A_316 = arith.constant 8388607 : i32
        %and3A_317 = vector.broadcast %and3A_316 : i32 to vector<16xi32>
        %and3A_318 = arith.andi %bitcast_convert_type3A, %and3A_317 : vector<16xi32>
        %or3A = arith.constant 1065353216 : i32
        %or3A_319 = vector.broadcast %or3A : i32 to vector<16xi32>
        %or3A_320 = arith.ori %and3A_318, %or3A_319 : vector<16xi32>
        %bitcast_convert_type3A_321 = tpu.bitcast %or3A_320 : vector<16xi32> -> vector<16xf32>
        %sub3A_322 = arith.constant 1.000000e+00 : f32
        %sub3A_323 = vector.broadcast %sub3A_322 : f32 to vector<16xf32>
        %sub3A_324 = arith.subf %bitcast_convert_type3A_321, %sub3A_323 : vector<16xf32>
        %mul3A_325 = arith.constant -0.0564376265 : f32
        %mul3A_326 = vector.broadcast %mul3A_325 : f32 to vector<16xf32>
        %mul3A_327 = arith.mulf %mul3A_326, %sub3A_324 : vector<16xf32>
        %add3A_328 = arith.constant 0.222331107 : f32
        %add3A_329 = vector.broadcast %add3A_328 : f32 to vector<16xf32>
        %add3A_330 = arith.addf %mul3A_327, %add3A_329 : vector<16xf32>
        %mul3A_331 = arith.mulf %add3A_330, %sub3A_324 : vector<16xf32>
        %add3A_332 = arith.constant -0.470228821 : f32
        %add3A_333 = vector.broadcast %add3A_332 : f32 to vector<16xf32>
        %add3A_334 = arith.addf %mul3A_331, %add3A_333 : vector<16xf32>
        %mul3A_335 = arith.mulf %add3A_334, %sub3A_324 : vector<16xf32>
        %add3A_336 = arith.constant 0.997467815 : f32
        %add3A_337 = vector.broadcast %add3A_336 : f32 to vector<16xf32>
        %add3A_338 = arith.addf %mul3A_335, %add3A_337 : vector<16xf32>
        %mul3A_339 = arith.mulf %add3A_338, %sub3A_324 : vector<16xf32>
        %add3A_340 = arith.constant 8.39552558E-6 : f32
        %add3A_341 = vector.broadcast %add3A_340 : f32 to vector<16xf32>
        %add3A_342 = arith.addf %mul3A_339, %add3A_341 : vector<16xf32>
        %mul3A_343 = arith.constant 0.693147182 : f32
        %mul3A_344 = vector.broadcast %mul3A_343 : f32 to vector<16xf32>
        %mul3A_345 = arith.mulf %convert_element_type3A_315, %mul3A_344 : vector<16xf32>
        %add3A_346 = arith.addf %mul3A_345, %add3A_342 : vector<16xf32>
        %sub3A_347 = arith.constant 1.000000e+00 : f32
        %sub3A_348 = vector.broadcast %sub3A_347 : f32 to vector<16xf32>
        %sub3A_349 = arith.subf %sub3A_348, %get3A_296 : vector<16xf32>
        %mul3A_350 = arith.mulf %sub3A_349, %sub3A_349 : vector<16xf32>
        %mul3A_351 = arith.mulf %sub3A_309, %sub3A_309 : vector<16xf32>
        %mul3A_352 = arith.mulf %add3A_346, %mul3A_351 : vector<16xf32>
        %mul3A_353 = arith.mulf %mul3A_350, %mul3A_350 : vector<16xf32>
        %mul3A_354 = arith.mulf %mul3A_352, %mul3A_353 : vector<16xf32>
        %add3A_355 = arith.addf %scan3A_277, %mul3A_354 : vector<16xf32>
        %get3A_356 = arith.index_cast %add3A_286 : i32 to index
        %get3A_357 = tpu.vector_load %arg25[%get3A_356] {strides = array<i32>} : memref<16384xf32, #tpu.memory_space<vmem>>, vector<16xf32>,
        %get3A_358 = vector.shape_cast %get3A_357 : vector<16xf32> to vector<16xf32>
        %get3A_359 = arith.index_cast %add3A_286 : i32 to index
        %get3A_360 = tpu.vector_load %arg27[%get3A_359] {strides = array<i32>} : memref<16384xf32, #tpu.memory_space<vmem>>, vector<16xf32>,
        %get3A_361 = vector.shape_cast %get3A_360 : vector<16xf32> to vector<16xf32>
        %exp3A_362 = math.exp %get3A_358 : vector<16xf32>
        %add3A_363 = arith.constant 1.000000e+00 : f32
        %add3A_364 = vector.broadcast %add3A_363 : f32 to vector<16xf32>
        %add3A_365 = arith.addf %add3A_364, %exp3A_362 : vector<16xf32>
        %div3A_366 = arith.constant 1.000000e+00 : f32
        %div3A_367 = vector.broadcast %div3A_366 : f32 to vector<16xf32>
        %div3A_368 = arith.divf %div3A_367, %add3A_365 : vector<16xf32>
        %max3A_369 = arith.constant 9.99999974E-5 : f32
        %max3A_370 = vector.broadcast %max3A_369 : f32 to vector<16xf32>
        %max3A_371 = arith.maximumf %div3A_368, %max3A_370 : vector<16xf32>
        %min3A_372 = arith.constant 0.999899983 : f32
        %min3A_373 = vector.broadcast %min3A_372 : f32 to vector<16xf32>
        %min3A_374 = arith.minimumf %max3A_371, %min3A_373 : vector<16xf32>
        %sub3A_375 = arith.constant 1.000000e+00 : f32
        %sub3A_376 = vector.broadcast %sub3A_375 : f32 to vector<16xf32>
        %sub3A_377 = arith.subf %sub3A_376, %min3A_374 : vector<16xf32>
        %bitcast_convert_type3A_378 = tpu.bitcast %min3A_374 : vector<16xf32> -> vector<16xi32>
        %shift_right_arithmetic3A_379 = arith.constant 23 : i32
        %shift_right_arithmetic3A_380 = vector.broadcast %shift_right_arithmetic3A_379 : i32 to vector<16xi32>
        %shift_right_arithmetic3A_381 = arith.shrsi %bitcast_convert_type3A_378, %shift_right_arithmetic3A_380 : vector<16xi32>
        %sub3A_382 = arith.constant 127 : i32
        %sub3A_383 = vector.broadcast %sub3A_382 : i32 to vector<16xi32>
        %sub3A_384 = arith.subi %shift_right_arithmetic3A_381, %sub3A_383 : vector<16xi32>
        %convert_element_type3A_385 = arith.sitofp %sub3A_384 : vector<16xi32> to vector<16xf32>
        %and3A_386 = arith.constant 8388607 : i32
        %and3A_387 = vector.broadcast %and3A_386 : i32 to vector<16xi32>
        %and3A_388 = arith.andi %bitcast_convert_type3A_378, %and3A_387 : vector<16xi32>
        %or3A_389 = arith.constant 1065353216 : i32
        %or3A_390 = vector.broadcast %or3A_389 : i32 to vector<16xi32>
        %or3A_391 = arith.ori %and3A_388, %or3A_390 : vector<16xi32>
        %bitcast_convert_type3A_392 = tpu.bitcast %or3A_391 : vector<16xi32> -> vector<16xf32>
        %sub3A_393 = arith.constant 1.000000e+00 : f32
        %sub3A_394 = vector.broadcast %sub3A_393 : f32 to vector<16xf32>
        %sub3A_395 = arith.subf %bitcast_convert_type3A_392, %sub3A_394 : vector<16xf32>
        %mul3A_396 = arith.constant -0.0564376265 : f32
        %mul3A_397 = vector.broadcast %mul3A_396 : f32 to vector<16xf32>
        %mul3A_398 = arith.mulf %mul3A_397, %sub3A_395 : vector<16xf32>
        %add3A_399 = arith.constant 0.222331107 : f32
        %add3A_400 = vector.broadcast %add3A_399 : f32 to vector<16xf32>
        %add3A_401 = arith.addf %mul3A_398, %add3A_400 : vector<16xf32>
        %mul3A_402 = arith.mulf %add3A_401, %sub3A_395 : vector<16xf32>
        %add3A_403 = arith.constant -0.470228821 : f32
        %add3A_404 = vector.broadcast %add3A_403 : f32 to vector<16xf32>
        %add3A_405 = arith.addf %mul3A_402, %add3A_404 : vector<16xf32>
        %mul3A_406 = arith.mulf %add3A_405, %sub3A_395 : vector<16xf32>
        %add3A_407 = arith.constant 0.997467815 : f32
        %add3A_408 = vector.broadcast %add3A_407 : f32 to vector<16xf32>
        %add3A_409 = arith.addf %mul3A_406, %add3A_408 : vector<16xf32>
        %mul3A_410 = arith.mulf %add3A_409, %sub3A_395 : vector<16xf32>
        %add3A_411 = arith.constant 8.39552558E-6 : f32
        %add3A_412 = vector.broadcast %add3A_411 : f32 to vector<16xf32>
        %add3A_413 = arith.addf %mul3A_410, %add3A_412 : vector<16xf32>
        %mul3A_414 = arith.constant 0.693147182 : f32
        %mul3A_415 = vector.broadcast %mul3A_414 : f32 to vector<16xf32>
        %mul3A_416 = arith.mulf %convert_element_type3A_385, %mul3A_415 : vector<16xf32>
        %add3A_417 = arith.addf %mul3A_416, %add3A_413 : vector<16xf32>
        %sub3A_418 = arith.constant 1.000000e+00 : f32
        %sub3A_419 = vector.broadcast %sub3A_418 : f32 to vector<16xf32>
        %sub3A_420 = arith.subf %sub3A_419, %get3A_361 : vector<16xf32>
        %mul3A_421 = arith.mulf %sub3A_420, %sub3A_420 : vector<16xf32>
        %mul3A_422 = arith.mulf %sub3A_377, %sub3A_377 : vector<16xf32>
        %mul3A_423 = arith.mulf %add3A_417, %mul3A_422 : vector<16xf32>
        %mul3A_424 = arith.mulf %mul3A_421, %mul3A_421 : vector<16xf32>
        %mul3A_425 = arith.mulf %mul3A_423, %mul3A_424 : vector<16xf32>
        %add3A_426 = arith.addf %scan3A_278, %mul3A_425 : vector<16xf32>
        %get3A_427 = arith.index_cast %add3A_288 : i32 to index
        %get3A_428 = tpu.vector_load %arg25[%get3A_427] {strides = array<i32>} : memref<16384xf32, #tpu.memory_space<vmem>>, vector<16xf32>,
        %get3A_429 = vector.shape_cast %get3A_428 : vector<16xf32> to vector<16xf32>
        %get3A_430 = arith.index_cast %add3A_288 : i32 to index
        %get3A_431 = tpu.vector_load %arg27[%get3A_430] {strides = array<i32>} : memref<16384xf32, #tpu.memory_space<vmem>>, vector<16xf32>,
        %get3A_432 = vector.shape_cast %get3A_431 : vector<16xf32> to vector<16xf32>
        %exp3A_433 = math.exp %get3A_429 : vector<16xf32>
        %add3A_434 = arith.constant 1.000000e+00 : f32
        %add3A_435 = vector.broadcast %add3A_434 : f32 to vector<16xf32>
        %add3A_436 = arith.addf %add3A_435, %exp3A_433 : vector<16xf32>
        %div3A_437 = arith.constant 1.000000e+00 : f32
        %div3A_438 = vector.broadcast %div3A_437 : f32 to vector<16xf32>
        %div3A_439 = arith.divf %div3A_438, %add3A_436 : vector<16xf32>
        %max3A_440 = arith.constant 9.99999974E-5 : f32
        %max3A_441 = vector.broadcast %max3A_440 : f32 to vector<16xf32>
        %max3A_442 = arith.maximumf %div3A_439, %max3A_441 : vector<16xf32>
        %min3A_443 = arith.constant 0.999899983 : f32
        %min3A_444 = vector.broadcast %min3A_443 : f32 to vector<16xf32>
        %min3A_445 = arith.minimumf %max3A_442, %min3A_444 : vector<16xf32>
        %sub3A_446 = arith.constant 1.000000e+00 : f32
        %sub3A_447 = vector.broadcast %sub3A_446 : f32 to vector<16xf32>
        %sub3A_448 = arith.subf %sub3A_447, %min3A_445 : vector<16xf32>
        %bitcast_convert_type3A_449 = tpu.bitcast %min3A_445 : vector<16xf32> -> vector<16xi32>
        %shift_right_arithmetic3A_450 = arith.constant 23 : i32
        %shift_right_arithmetic3A_451 = vector.broadcast %shift_right_arithmetic3A_450 : i32 to vector<16xi32>
        %shift_right_arithmetic3A_452 = arith.shrsi %bitcast_convert_type3A_449, %shift_right_arithmetic3A_451 : vector<16xi32>
        %sub3A_453 = arith.constant 127 : i32
        %sub3A_454 = vector.broadcast %sub3A_453 : i32 to vector<16xi32>
        %sub3A_455 = arith.subi %shift_right_arithmetic3A_452, %sub3A_454 : vector<16xi32>
        %convert_element_type3A_456 = arith.sitofp %sub3A_455 : vector<16xi32> to vector<16xf32>
        %and3A_457 = arith.constant 8388607 : i32
        %and3A_458 = vector.broadcast %and3A_457 : i32 to vector<16xi32>
        %and3A_459 = arith.andi %bitcast_convert_type3A_449, %and3A_458 : vector<16xi32>
        %or3A_460 = arith.constant 1065353216 : i32
        %or3A_461 = vector.broadcast %or3A_460 : i32 to vector<16xi32>
        %or3A_462 = arith.ori %and3A_459, %or3A_461 : vector<16xi32>
        %bitcast_convert_type3A_463 = tpu.bitcast %or3A_462 : vector<16xi32> -> vector<16xf32>
        %sub3A_464 = arith.constant 1.000000e+00 : f32
        %sub3A_465 = vector.broadcast %sub3A_464 : f32 to vector<16xf32>
        %sub3A_466 = arith.subf %bitcast_convert_type3A_463, %sub3A_465 : vector<16xf32>
        %mul3A_467 = arith.constant -0.0564376265 : f32
        %mul3A_468 = vector.broadcast %mul3A_467 : f32 to vector<16xf32>
        %mul3A_469 = arith.mulf %mul3A_468, %sub3A_466 : vector<16xf32>
        %add3A_470 = arith.constant 0.222331107 : f32
        %add3A_471 = vector.broadcast %add3A_470 : f32 to vector<16xf32>
        %add3A_472 = arith.addf %mul3A_469, %add3A_471 : vector<16xf32>
        %mul3A_473 = arith.mulf %add3A_472, %sub3A_466 : vector<16xf32>
        %add3A_474 = arith.constant -0.470228821 : f32
        %add3A_475 = vector.broadcast %add3A_474 : f32 to vector<16xf32>
        %add3A_476 = arith.addf %mul3A_473, %add3A_475 : vector<16xf32>
        %mul3A_477 = arith.mulf %add3A_476, %sub3A_466 : vector<16xf32>
        %add3A_478 = arith.constant 0.997467815 : f32
        %add3A_479 = vector.broadcast %add3A_478 : f32 to vector<16xf32>
        %add3A_480 = arith.addf %mul3A_477, %add3A_479 : vector<16xf32>
        %mul3A_481 = arith.mulf %add3A_480, %sub3A_466 : vector<16xf32>
        %add3A_482 = arith.constant 8.39552558E-6 : f32
        %add3A_483 = vector.broadcast %add3A_482 : f32 to vector<16xf32>
        %add3A_484 = arith.addf %mul3A_481, %add3A_483 : vector<16xf32>
        %mul3A_485 = arith.constant 0.693147182 : f32
        %mul3A_486 = vector.broadcast %mul3A_485 : f32 to vector<16xf32>
        %mul3A_487 = arith.mulf %convert_element_type3A_456, %mul3A_486 : vector<16xf32>
        %add3A_488 = arith.addf %mul3A_487, %add3A_484 : vector<16xf32>
        %sub3A_489 = arith.constant 1.000000e+00 : f32
        %sub3A_490 = vector.broadcast %sub3A_489 : f32 to vector<16xf32>
        %sub3A_491 = arith.subf %sub3A_490, %get3A_432 : vector<16xf32>
        %mul3A_492 = arith.mulf %sub3A_491, %sub3A_491 : vector<16xf32>
        %mul3A_493 = arith.mulf %sub3A_448, %sub3A_448 : vector<16xf32>
        %mul3A_494 = arith.mulf %add3A_488, %mul3A_493 : vector<16xf32>
        %mul3A_495 = arith.mulf %mul3A_492, %mul3A_492 : vector<16xf32>
        %mul3A_496 = arith.mulf %mul3A_494, %mul3A_495 : vector<16xf32>
        %add3A_497 = arith.addf %scan3A_279, %mul3A_496 : vector<16xf32>
        %get3A_498 = arith.index_cast %add3A_290 : i32 to index
        %get3A_499 = tpu.vector_load %arg25[%get3A_498] {strides = array<i32>} : memref<16384xf32, #tpu.memory_space<vmem>>, vector<16xf32>,
        %get3A_500 = vector.shape_cast %get3A_499 : vector<16xf32> to vector<16xf32>
        %get3A_501 = arith.index_cast %add3A_290 : i32 to index
        %get3A_502 = tpu.vector_load %arg27[%get3A_501] {strides = array<i32>} : memref<16384xf32, #tpu.memory_space<vmem>>, vector<16xf32>,
        %get3A_503 = vector.shape_cast %get3A_502 : vector<16xf32> to vector<16xf32>
        %exp3A_504 = math.exp %get3A_500 : vector<16xf32>
        %add3A_505 = arith.constant 1.000000e+00 : f32
        %add3A_506 = vector.broadcast %add3A_505 : f32 to vector<16xf32>
        %add3A_507 = arith.addf %add3A_506, %exp3A_504 : vector<16xf32>
        %div3A_508 = arith.constant 1.000000e+00 : f32
        %div3A_509 = vector.broadcast %div3A_508 : f32 to vector<16xf32>
        %div3A_510 = arith.divf %div3A_509, %add3A_507 : vector<16xf32>
        %max3A_511 = arith.constant 9.99999974E-5 : f32
        %max3A_512 = vector.broadcast %max3A_511 : f32 to vector<16xf32>
        %max3A_513 = arith.maximumf %div3A_510, %max3A_512 : vector<16xf32>
        %min3A_514 = arith.constant 0.999899983 : f32
        %min3A_515 = vector.broadcast %min3A_514 : f32 to vector<16xf32>
        %min3A_516 = arith.minimumf %max3A_513, %min3A_515 : vector<16xf32>
        %sub3A_517 = arith.constant 1.000000e+00 : f32
        %sub3A_518 = vector.broadcast %sub3A_517 : f32 to vector<16xf32>
        %sub3A_519 = arith.subf %sub3A_518, %min3A_516 : vector<16xf32>
        %bitcast_convert_type3A_520 = tpu.bitcast %min3A_516 : vector<16xf32> -> vector<16xi32>
        %shift_right_arithmetic3A_521 = arith.constant 23 : i32
        %shift_right_arithmetic3A_522 = vector.broadcast %shift_right_arithmetic3A_521 : i32 to vector<16xi32>
        %shift_right_arithmetic3A_523 = arith.shrsi %bitcast_convert_type3A_520, %shift_right_arithmetic3A_522 : vector<16xi32>
        %sub3A_524 = arith.constant 127 : i32
        %sub3A_525 = vector.broadcast %sub3A_524 : i32 to vector<16xi32>
        %sub3A_526 = arith.subi %shift_right_arithmetic3A_523, %sub3A_525 : vector<16xi32>
        %convert_element_type3A_527 = arith.sitofp %sub3A_526 : vector<16xi32> to vector<16xf32>
        %and3A_528 = arith.constant 8388607 : i32
        %and3A_529 = vector.broadcast %and3A_528 : i32 to vector<16xi32>
        %and3A_530 = arith.andi %bitcast_convert_type3A_520, %and3A_529 : vector<16xi32>
        %or3A_531 = arith.constant 1065353216 : i32
        %or3A_532 = vector.broadcast %or3A_531 : i32 to vector<16xi32>
        %or3A_533 = arith.ori %and3A_530, %or3A_532 : vector<16xi32>
        %bitcast_convert_type3A_534 = tpu.bitcast %or3A_533 : vector<16xi32> -> vector<16xf32>
        %sub3A_535 = arith.constant 1.000000e+00 : f32
        %sub3A_536 = vector.broadcast %sub3A_535 : f32 to vector<16xf32>
        %sub3A_537 = arith.subf %bitcast_convert_type3A_534, %sub3A_536 : vector<16xf32>
        %mul3A_538 = arith.constant -0.0564376265 : f32
        %mul3A_539 = vector.broadcast %mul3A_538 : f32 to vector<16xf32>
        %mul3A_540 = arith.mulf %mul3A_539, %sub3A_537 : vector<16xf32>
        %add3A_541 = arith.constant 0.222331107 : f32
        %add3A_542 = vector.broadcast %add3A_541 : f32 to vector<16xf32>
        %add3A_543 = arith.addf %mul3A_540, %add3A_542 : vector<16xf32>
        %mul3A_544 = arith.mulf %add3A_543, %sub3A_537 : vector<16xf32>
        %add3A_545 = arith.constant -0.470228821 : f32
        %add3A_546 = vector.broadcast %add3A_545 : f32 to vector<16xf32>
        %add3A_547 = arith.addf %mul3A_544, %add3A_546 : vector<16xf32>
        %mul3A_548 = arith.mulf %add3A_547, %sub3A_537 : vector<16xf32>
        %add3A_549 = arith.constant 0.997467815 : f32
        %add3A_550 = vector.broadcast %add3A_549 : f32 to vector<16xf32>
        %add3A_551 = arith.addf %mul3A_548, %add3A_550 : vector<16xf32>
        %mul3A_552 = arith.mulf %add3A_551, %sub3A_537 : vector<16xf32>
        %add3A_553 = arith.constant 8.39552558E-6 : f32
        %add3A_554 = vector.broadcast %add3A_553 : f32 to vector<16xf32>
        %add3A_555 = arith.addf %mul3A_552, %add3A_554 : vector<16xf32>
        %mul3A_556 = arith.constant 0.693147182 : f32
        %mul3A_557 = vector.broadcast %mul3A_556 : f32 to vector<16xf32>
        %mul3A_558 = arith.mulf %convert_element_type3A_527, %mul3A_557 : vector<16xf32>
        %add3A_559 = arith.addf %mul3A_558, %add3A_555 : vector<16xf32>
        %sub3A_560 = arith.constant 1.000000e+00 : f32
        %sub3A_561 = vector.broadcast %sub3A_560 : f32 to vector<16xf32>
        %sub3A_562 = arith.subf %sub3A_561, %get3A_503 : vector<16xf32>
        %mul3A_563 = arith.mulf %sub3A_562, %sub3A_562 : vector<16xf32>
        %mul3A_564 = arith.mulf %sub3A_519, %sub3A_519 : vector<16xf32>
        %mul3A_565 = arith.mulf %add3A_559, %mul3A_564 : vector<16xf32>
        %mul3A_566 = arith.mulf %mul3A_563, %mul3A_563 : vector<16xf32>
        %mul3A_567 = arith.mulf %mul3A_565, %mul3A_566 : vector<16xf32>
        %add3A_568 = arith.addf %scan3A_280, %mul3A_567 : vector<16xf32>
        %add3A_569 = arith.constant 64 : i32
        %add3A_570 = arith.addi %mul3A_282, %add3A_569 : i32
        %add3A_571 = arith.constant 80 : i32
        %add3A_572 = arith.addi %mul3A_282, %add3A_571 : i32
        %add3A_573 = arith.constant 96 : i32
        %add3A_574 = arith.addi %mul3A_282, %add3A_573 : i32
        %add3A_575 = arith.constant 112 : i32
        %add3A_576 = arith.addi %mul3A_282, %add3A_575 : i32
        %get3A_577 = arith.index_cast %add3A_570 : i32 to index
        %get3A_578 = tpu.vector_load %arg25[%get3A_577] {strides = array<i32>} : memref<16384xf32, #tpu.memory_space<vmem>>, vector<16xf32>,
        %get3A_579 = vector.shape_cast %get3A_578 : vector<16xf32> to vector<16xf32>
        %get3A_580 = arith.index_cast %add3A_570 : i32 to index
        %get3A_581 = tpu.vector_load %arg27[%get3A_580] {strides = array<i32>} : memref<16384xf32, #tpu.memory_space<vmem>>, vector<16xf32>,
        %get3A_582 = vector.shape_cast %get3A_581 : vector<16xf32> to vector<16xf32>
        %exp3A_583 = math.exp %get3A_579 : vector<16xf32>
        %add3A_584 = arith.constant 1.000000e+00 : f32
        %add3A_585 = vector.broadcast %add3A_584 : f32 to vector<16xf32>
        %add3A_586 = arith.addf %add3A_585, %exp3A_583 : vector<16xf32>
        %div3A_587 = arith.constant 1.000000e+00 : f32
        %div3A_588 = vector.broadcast %div3A_587 : f32 to vector<16xf32>
        %div3A_589 = arith.divf %div3A_588, %add3A_586 : vector<16xf32>
        %max3A_590 = arith.constant 9.99999974E-5 : f32
        %max3A_591 = vector.broadcast %max3A_590 : f32 to vector<16xf32>
        %max3A_592 = arith.maximumf %div3A_589, %max3A_591 : vector<16xf32>
        %min3A_593 = arith.constant 0.999899983 : f32
        %min3A_594 = vector.broadcast %min3A_593 : f32 to vector<16xf32>
        %min3A_595 = arith.minimumf %max3A_592, %min3A_594 : vector<16xf32>
        %sub3A_596 = arith.constant 1.000000e+00 : f32
        %sub3A_597 = vector.broadcast %sub3A_596 : f32 to vector<16xf32>
        %sub3A_598 = arith.subf %sub3A_597, %min3A_595 : vector<16xf32>
        %bitcast_convert_type3A_599 = tpu.bitcast %min3A_595 : vector<16xf32> -> vector<16xi32>
        %shift_right_arithmetic3A_600 = arith.constant 23 : i32
        %shift_right_arithmetic3A_601 = vector.broadcast %shift_right_arithmetic3A_600 : i32 to vector<16xi32>
        %shift_right_arithmetic3A_602 = arith.shrsi %bitcast_convert_type3A_599, %shift_right_arithmetic3A_601 : vector<16xi32>
        %sub3A_603 = arith.constant 127 : i32
        %sub3A_604 = vector.broadcast %sub3A_603 : i32 to vector<16xi32>
        %sub3A_605 = arith.subi %shift_right_arithmetic3A_602, %sub3A_604 : vector<16xi32>
        %convert_element_type3A_606 = arith.sitofp %sub3A_605 : vector<16xi32> to vector<16xf32>
        %and3A_607 = arith.constant 8388607 : i32
        %and3A_608 = vector.broadcast %and3A_607 : i32 to vector<16xi32>
        %and3A_609 = arith.andi %bitcast_convert_type3A_599, %and3A_608 : vector<16xi32>
        %or3A_610 = arith.constant 1065353216 : i32
        %or3A_611 = vector.broadcast %or3A_610 : i32 to vector<16xi32>
        %or3A_612 = arith.ori %and3A_609, %or3A_611 : vector<16xi32>
        %bitcast_convert_type3A_613 = tpu.bitcast %or3A_612 : vector<16xi32> -> vector<16xf32>
        %sub3A_614 = arith.constant 1.000000e+00 : f32
        %sub3A_615 = vector.broadcast %sub3A_614 : f32 to vector<16xf32>
        %sub3A_616 = arith.subf %bitcast_convert_type3A_613, %sub3A_615 : vector<16xf32>
        %mul3A_617 = arith.constant -0.0564376265 : f32
        %mul3A_618 = vector.broadcast %mul3A_617 : f32 to vector<16xf32>
        %mul3A_619 = arith.mulf %mul3A_618, %sub3A_616 : vector<16xf32>
        %add3A_620 = arith.constant 0.222331107 : f32
        %add3A_621 = vector.broadcast %add3A_620 : f32 to vector<16xf32>
        %add3A_622 = arith.addf %mul3A_619, %add3A_621 : vector<16xf32>
        %mul3A_623 = arith.mulf %add3A_622, %sub3A_616 : vector<16xf32>
        %add3A_624 = arith.constant -0.470228821 : f32
        %add3A_625 = vector.broadcast %add3A_624 : f32 to vector<16xf32>
        %add3A_626 = arith.addf %mul3A_623, %add3A_625 : vector<16xf32>
        %mul3A_627 = arith.mulf %add3A_626, %sub3A_616 : vector<16xf32>
        %add3A_628 = arith.constant 0.997467815 : f32
        %add3A_629 = vector.broadcast %add3A_628 : f32 to vector<16xf32>
        %add3A_630 = arith.addf %mul3A_627, %add3A_629 : vector<16xf32>
        %mul3A_631 = arith.mulf %add3A_630, %sub3A_616 : vector<16xf32>
        %add3A_632 = arith.constant 8.39552558E-6 : f32
        %add3A_633 = vector.broadcast %add3A_632 : f32 to vector<16xf32>
        %add3A_634 = arith.addf %mul3A_631, %add3A_633 : vector<16xf32>
        %mul3A_635 = arith.constant 0.693147182 : f32
        %mul3A_636 = vector.broadcast %mul3A_635 : f32 to vector<16xf32>
        %mul3A_637 = arith.mulf %convert_element_type3A_606, %mul3A_636 : vector<16xf32>
        %add3A_638 = arith.addf %mul3A_637, %add3A_634 : vector<16xf32>
        %sub3A_639 = arith.constant 1.000000e+00 : f32
        %sub3A_640 = vector.broadcast %sub3A_639 : f32 to vector<16xf32>
        %sub3A_641 = arith.subf %sub3A_640, %get3A_582 : vector<16xf32>
        %mul3A_642 = arith.mulf %sub3A_641, %sub3A_641 : vector<16xf32>
        %mul3A_643 = arith.mulf %sub3A_598, %sub3A_598 : vector<16xf32>
        %mul3A_644 = arith.mulf %add3A_638, %mul3A_643 : vector<16xf32>
        %mul3A_645 = arith.mulf %mul3A_642, %mul3A_642 : vector<16xf32>
        %mul3A_646 = arith.mulf %mul3A_644, %mul3A_645 : vector<16xf32>
        %add3A_647 = arith.addf %add3A_355, %mul3A_646 : vector<16xf32>
        %get3A_648 = arith.index_cast %add3A_572 : i32 to index
        %get3A_649 = tpu.vector_load %arg25[%get3A_648] {strides = array<i32>} : memref<16384xf32, #tpu.memory_space<vmem>>, vector<16xf32>,
        %get3A_650 = vector.shape_cast %get3A_649 : vector<16xf32> to vector<16xf32>
        %get3A_651 = arith.index_cast %add3A_572 : i32 to index
        %get3A_652 = tpu.vector_load %arg27[%get3A_651] {strides = array<i32>} : memref<16384xf32, #tpu.memory_space<vmem>>, vector<16xf32>,
        %get3A_653 = vector.shape_cast %get3A_652 : vector<16xf32> to vector<16xf32>
        %exp3A_654 = math.exp %get3A_650 : vector<16xf32>
        %add3A_655 = arith.constant 1.000000e+00 : f32
        %add3A_656 = vector.broadcast %add3A_655 : f32 to vector<16xf32>
        %add3A_657 = arith.addf %add3A_656, %exp3A_654 : vector<16xf32>
        %div3A_658 = arith.constant 1.000000e+00 : f32
        %div3A_659 = vector.broadcast %div3A_658 : f32 to vector<16xf32>
        %div3A_660 = arith.divf %div3A_659, %add3A_657 : vector<16xf32>
        %max3A_661 = arith.constant 9.99999974E-5 : f32
        %max3A_662 = vector.broadcast %max3A_661 : f32 to vector<16xf32>
        %max3A_663 = arith.maximumf %div3A_660, %max3A_662 : vector<16xf32>
        %min3A_664 = arith.constant 0.999899983 : f32
        %min3A_665 = vector.broadcast %min3A_664 : f32 to vector<16xf32>
        %min3A_666 = arith.minimumf %max3A_663, %min3A_665 : vector<16xf32>
        %sub3A_667 = arith.constant 1.000000e+00 : f32
        %sub3A_668 = vector.broadcast %sub3A_667 : f32 to vector<16xf32>
        %sub3A_669 = arith.subf %sub3A_668, %min3A_666 : vector<16xf32>
        %bitcast_convert_type3A_670 = tpu.bitcast %min3A_666 : vector<16xf32> -> vector<16xi32>
        %shift_right_arithmetic3A_671 = arith.constant 23 : i32
        %shift_right_arithmetic3A_672 = vector.broadcast %shift_right_arithmetic3A_671 : i32 to vector<16xi32>
        %shift_right_arithmetic3A_673 = arith.shrsi %bitcast_convert_type3A_670, %shift_right_arithmetic3A_672 : vector<16xi32>
        %sub3A_674 = arith.constant 127 : i32
        %sub3A_675 = vector.broadcast %sub3A_674 : i32 to vector<16xi32>
        %sub3A_676 = arith.subi %shift_right_arithmetic3A_673, %sub3A_675 : vector<16xi32>
        %convert_element_type3A_677 = arith.sitofp %sub3A_676 : vector<16xi32> to vector<16xf32>
        %and3A_678 = arith.constant 8388607 : i32
        %and3A_679 = vector.broadcast %and3A_678 : i32 to vector<16xi32>
        %and3A_680 = arith.andi %bitcast_convert_type3A_670, %and3A_679 : vector<16xi32>
        %or3A_681 = arith.constant 1065353216 : i32
        %or3A_682 = vector.broadcast %or3A_681 : i32 to vector<16xi32>
        %or3A_683 = arith.ori %and3A_680, %or3A_682 : vector<16xi32>
        %bitcast_convert_type3A_684 = tpu.bitcast %or3A_683 : vector<16xi32> -> vector<16xf32>
        %sub3A_685 = arith.constant 1.000000e+00 : f32
        %sub3A_686 = vector.broadcast %sub3A_685 : f32 to vector<16xf32>
        %sub3A_687 = arith.subf %bitcast_convert_type3A_684, %sub3A_686 : vector<16xf32>
        %mul3A_688 = arith.constant -0.0564376265 : f32
        %mul3A_689 = vector.broadcast %mul3A_688 : f32 to vector<16xf32>
        %mul3A_690 = arith.mulf %mul3A_689, %sub3A_687 : vector<16xf32>
        %add3A_691 = arith.constant 0.222331107 : f32
        %add3A_692 = vector.broadcast %add3A_691 : f32 to vector<16xf32>
        %add3A_693 = arith.addf %mul3A_690, %add3A_692 : vector<16xf32>
        %mul3A_694 = arith.mulf %add3A_693, %sub3A_687 : vector<16xf32>
        %add3A_695 = arith.constant -0.470228821 : f32
        %add3A_696 = vector.broadcast %add3A_695 : f32 to vector<16xf32>
        %add3A_697 = arith.addf %mul3A_694, %add3A_696 : vector<16xf32>
        %mul3A_698 = arith.mulf %add3A_697, %sub3A_687 : vector<16xf32>
        %add3A_699 = arith.constant 0.997467815 : f32
        %add3A_700 = vector.broadcast %add3A_699 : f32 to vector<16xf32>
        %add3A_701 = arith.addf %mul3A_698, %add3A_700 : vector<16xf32>
        %mul3A_702 = arith.mulf %add3A_701, %sub3A_687 : vector<16xf32>
        %add3A_703 = arith.constant 8.39552558E-6 : f32
        %add3A_704 = vector.broadcast %add3A_703 : f32 to vector<16xf32>
        %add3A_705 = arith.addf %mul3A_702, %add3A_704 : vector<16xf32>
        %mul3A_706 = arith.constant 0.693147182 : f32
        %mul3A_707 = vector.broadcast %mul3A_706 : f32 to vector<16xf32>
        %mul3A_708 = arith.mulf %convert_element_type3A_677, %mul3A_707 : vector<16xf32>
        %add3A_709 = arith.addf %mul3A_708, %add3A_705 : vector<16xf32>
        %sub3A_710 = arith.constant 1.000000e+00 : f32
        %sub3A_711 = vector.broadcast %sub3A_710 : f32 to vector<16xf32>
        %sub3A_712 = arith.subf %sub3A_711, %get3A_653 : vector<16xf32>
        %mul3A_713 = arith.mulf %sub3A_712, %sub3A_712 : vector<16xf32>
        %mul3A_714 = arith.mulf %sub3A_669, %sub3A_669 : vector<16xf32>
        %mul3A_715 = arith.mulf %add3A_709, %mul3A_714 : vector<16xf32>
        %mul3A_716 = arith.mulf %mul3A_713, %mul3A_713 : vector<16xf32>
        %mul3A_717 = arith.mulf %mul3A_715, %mul3A_716 : vector<16xf32>
        %add3A_718 = arith.addf %add3A_426, %mul3A_717 : vector<16xf32>
        %get3A_719 = arith.index_cast %add3A_574 : i32 to index
        %get3A_720 = tpu.vector_load %arg25[%get3A_719] {strides = array<i32>} : memref<16384xf32, #tpu.memory_space<vmem>>, vector<16xf32>,
        %get3A_721 = vector.shape_cast %get3A_720 : vector<16xf32> to vector<16xf32>
        %get3A_722 = arith.index_cast %add3A_574 : i32 to index
        %get3A_723 = tpu.vector_load %arg27[%get3A_722] {strides = array<i32>} : memref<16384xf32, #tpu.memory_space<vmem>>, vector<16xf32>,
        %get3A_724 = vector.shape_cast %get3A_723 : vector<16xf32> to vector<16xf32>
        %exp3A_725 = math.exp %get3A_721 : vector<16xf32>
        %add3A_726 = arith.constant 1.000000e+00 : f32
        %add3A_727 = vector.broadcast %add3A_726 : f32 to vector<16xf32>
        %add3A_728 = arith.addf %add3A_727, %exp3A_725 : vector<16xf32>
        %div3A_729 = arith.constant 1.000000e+00 : f32
        %div3A_730 = vector.broadcast %div3A_729 : f32 to vector<16xf32>
        %div3A_731 = arith.divf %div3A_730, %add3A_728 : vector<16xf32>
        %max3A_732 = arith.constant 9.99999974E-5 : f32
        %max3A_733 = vector.broadcast %max3A_732 : f32 to vector<16xf32>
        %max3A_734 = arith.maximumf %div3A_731, %max3A_733 : vector<16xf32>
        %min3A_735 = arith.constant 0.999899983 : f32
        %min3A_736 = vector.broadcast %min3A_735 : f32 to vector<16xf32>
        %min3A_737 = arith.minimumf %max3A_734, %min3A_736 : vector<16xf32>
        %sub3A_738 = arith.constant 1.000000e+00 : f32
        %sub3A_739 = vector.broadcast %sub3A_738 : f32 to vector<16xf32>
        %sub3A_740 = arith.subf %sub3A_739, %min3A_737 : vector<16xf32>
        %bitcast_convert_type3A_741 = tpu.bitcast %min3A_737 : vector<16xf32> -> vector<16xi32>
        %shift_right_arithmetic3A_742 = arith.constant 23 : i32
        %shift_right_arithmetic3A_743 = vector.broadcast %shift_right_arithmetic3A_742 : i32 to vector<16xi32>
        %shift_right_arithmetic3A_744 = arith.shrsi %bitcast_convert_type3A_741, %shift_right_arithmetic3A_743 : vector<16xi32>
        %sub3A_745 = arith.constant 127 : i32
        %sub3A_746 = vector.broadcast %sub3A_745 : i32 to vector<16xi32>
        %sub3A_747 = arith.subi %shift_right_arithmetic3A_744, %sub3A_746 : vector<16xi32>
        %convert_element_type3A_748 = arith.sitofp %sub3A_747 : vector<16xi32> to vector<16xf32>
        %and3A_749 = arith.constant 8388607 : i32
        %and3A_750 = vector.broadcast %and3A_749 : i32 to vector<16xi32>
        %and3A_751 = arith.andi %bitcast_convert_type3A_741, %and3A_750 : vector<16xi32>
        %or3A_752 = arith.constant 1065353216 : i32
        %or3A_753 = vector.broadcast %or3A_752 : i32 to vector<16xi32>
        %or3A_754 = arith.ori %and3A_751, %or3A_753 : vector<16xi32>
        %bitcast_convert_type3A_755 = tpu.bitcast %or3A_754 : vector<16xi32> -> vector<16xf32>
        %sub3A_756 = arith.constant 1.000000e+00 : f32
        %sub3A_757 = vector.broadcast %sub3A_756 : f32 to vector<16xf32>
        %sub3A_758 = arith.subf %bitcast_convert_type3A_755, %sub3A_757 : vector<16xf32>
        %mul3A_759 = arith.constant -0.0564376265 : f32
        %mul3A_760 = vector.broadcast %mul3A_759 : f32 to vector<16xf32>
        %mul3A_761 = arith.mulf %mul3A_760, %sub3A_758 : vector<16xf32>
        %add3A_762 = arith.constant 0.222331107 : f32
        %add3A_763 = vector.broadcast %add3A_762 : f32 to vector<16xf32>
        %add3A_764 = arith.addf %mul3A_761, %add3A_763 : vector<16xf32>
        %mul3A_765 = arith.mulf %add3A_764, %sub3A_758 : vector<16xf32>
        %add3A_766 = arith.constant -0.470228821 : f32
        %add3A_767 = vector.broadcast %add3A_766 : f32 to vector<16xf32>
        %add3A_768 = arith.addf %mul3A_765, %add3A_767 : vector<16xf32>
        %mul3A_769 = arith.mulf %add3A_768, %sub3A_758 : vector<16xf32>
        %add3A_770 = arith.constant 0.997467815 : f32
        %add3A_771 = vector.broadcast %add3A_770 : f32 to vector<16xf32>
        %add3A_772 = arith.addf %mul3A_769, %add3A_771 : vector<16xf32>
        %mul3A_773 = arith.mulf %add3A_772, %sub3A_758 : vector<16xf32>
        %add3A_774 = arith.constant 8.39552558E-6 : f32
        %add3A_775 = vector.broadcast %add3A_774 : f32 to vector<16xf32>
        %add3A_776 = arith.addf %mul3A_773, %add3A_775 : vector<16xf32>
        %mul3A_777 = arith.constant 0.693147182 : f32
        %mul3A_778 = vector.broadcast %mul3A_777 : f32 to vector<16xf32>
        %mul3A_779 = arith.mulf %convert_element_type3A_748, %mul3A_778 : vector<16xf32>
        %add3A_780 = arith.addf %mul3A_779, %add3A_776 : vector<16xf32>
        %sub3A_781 = arith.constant 1.000000e+00 : f32
        %sub3A_782 = vector.broadcast %sub3A_781 : f32 to vector<16xf32>
        %sub3A_783 = arith.subf %sub3A_782, %get3A_724 : vector<16xf32>
        %mul3A_784 = arith.mulf %sub3A_783, %sub3A_783 : vector<16xf32>
        %mul3A_785 = arith.mulf %sub3A_740, %sub3A_740 : vector<16xf32>
        %mul3A_786 = arith.mulf %add3A_780, %mul3A_785 : vector<16xf32>
        %mul3A_787 = arith.mulf %mul3A_784, %mul3A_784 : vector<16xf32>
        %mul3A_788 = arith.mulf %mul3A_786, %mul3A_787 : vector<16xf32>
        %add3A_789 = arith.addf %add3A_497, %mul3A_788 : vector<16xf32>
        %get3A_790 = arith.index_cast %add3A_576 : i32 to index
        %get3A_791 = tpu.vector_load %arg25[%get3A_790] {strides = array<i32>} : memref<16384xf32, #tpu.memory_space<vmem>>, vector<16xf32>,
        %get3A_792 = vector.shape_cast %get3A_791 : vector<16xf32> to vector<16xf32>
        %get3A_793 = arith.index_cast %add3A_576 : i32 to index
        %get3A_794 = tpu.vector_load %arg27[%get3A_793] {strides = array<i32>} : memref<16384xf32, #tpu.memory_space<vmem>>, vector<16xf32>,
        %get3A_795 = vector.shape_cast %get3A_794 : vector<16xf32> to vector<16xf32>
        %exp3A_796 = math.exp %get3A_792 : vector<16xf32>
        %add3A_797 = arith.constant 1.000000e+00 : f32
        %add3A_798 = vector.broadcast %add3A_797 : f32 to vector<16xf32>
        %add3A_799 = arith.addf %add3A_798, %exp3A_796 : vector<16xf32>
        %div3A_800 = arith.constant 1.000000e+00 : f32
        %div3A_801 = vector.broadcast %div3A_800 : f32 to vector<16xf32>
        %div3A_802 = arith.divf %div3A_801, %add3A_799 : vector<16xf32>
        %max3A_803 = arith.constant 9.99999974E-5 : f32
        %max3A_804 = vector.broadcast %max3A_803 : f32 to vector<16xf32>
        %max3A_805 = arith.maximumf %div3A_802, %max3A_804 : vector<16xf32>
        %min3A_806 = arith.constant 0.999899983 : f32
        %min3A_807 = vector.broadcast %min3A_806 : f32 to vector<16xf32>
        %min3A_808 = arith.minimumf %max3A_805, %min3A_807 : vector<16xf32>
        %sub3A_809 = arith.constant 1.000000e+00 : f32
        %sub3A_810 = vector.broadcast %sub3A_809 : f32 to vector<16xf32>
        %sub3A_811 = arith.subf %sub3A_810, %min3A_808 : vector<16xf32>
        %bitcast_convert_type3A_812 = tpu.bitcast %min3A_808 : vector<16xf32> -> vector<16xi32>
        %shift_right_arithmetic3A_813 = arith.constant 23 : i32
        %shift_right_arithmetic3A_814 = vector.broadcast %shift_right_arithmetic3A_813 : i32 to vector<16xi32>
        %shift_right_arithmetic3A_815 = arith.shrsi %bitcast_convert_type3A_812, %shift_right_arithmetic3A_814 : vector<16xi32>
        %sub3A_816 = arith.constant 127 : i32
        %sub3A_817 = vector.broadcast %sub3A_816 : i32 to vector<16xi32>
        %sub3A_818 = arith.subi %shift_right_arithmetic3A_815, %sub3A_817 : vector<16xi32>
        %convert_element_type3A_819 = arith.sitofp %sub3A_818 : vector<16xi32> to vector<16xf32>
        %and3A_820 = arith.constant 8388607 : i32
        %and3A_821 = vector.broadcast %and3A_820 : i32 to vector<16xi32>
        %and3A_822 = arith.andi %bitcast_convert_type3A_812, %and3A_821 : vector<16xi32>
        %or3A_823 = arith.constant 1065353216 : i32
        %or3A_824 = vector.broadcast %or3A_823 : i32 to vector<16xi32>
        %or3A_825 = arith.ori %and3A_822, %or3A_824 : vector<16xi32>
        %bitcast_convert_type3A_826 = tpu.bitcast %or3A_825 : vector<16xi32> -> vector<16xf32>
        %sub3A_827 = arith.constant 1.000000e+00 : f32
        %sub3A_828 = vector.broadcast %sub3A_827 : f32 to vector<16xf32>
        %sub3A_829 = arith.subf %bitcast_convert_type3A_826, %sub3A_828 : vector<16xf32>
        %mul3A_830 = arith.constant -0.0564376265 : f32
        %mul3A_831 = vector.broadcast %mul3A_830 : f32 to vector<16xf32>
        %mul3A_832 = arith.mulf %mul3A_831, %sub3A_829 : vector<16xf32>
        %add3A_833 = arith.constant 0.222331107 : f32
        %add3A_834 = vector.broadcast %add3A_833 : f32 to vector<16xf32>
        %add3A_835 = arith.addf %mul3A_832, %add3A_834 : vector<16xf32>
        %mul3A_836 = arith.mulf %add3A_835, %sub3A_829 : vector<16xf32>
        %add3A_837 = arith.constant -0.470228821 : f32
        %add3A_838 = vector.broadcast %add3A_837 : f32 to vector<16xf32>
        %add3A_839 = arith.addf %mul3A_836, %add3A_838 : vector<16xf32>
        %mul3A_840 = arith.mulf %add3A_839, %sub3A_829 : vector<16xf32>
        %add3A_841 = arith.constant 0.997467815 : f32
        %add3A_842 = vector.broadcast %add3A_841 : f32 to vector<16xf32>
        %add3A_843 = arith.addf %mul3A_840, %add3A_842 : vector<16xf32>
        %mul3A_844 = arith.mulf %add3A_843, %sub3A_829 : vector<16xf32>
        %add3A_845 = arith.constant 8.39552558E-6 : f32
        %add3A_846 = vector.broadcast %add3A_845 : f32 to vector<16xf32>
        %add3A_847 = arith.addf %mul3A_844, %add3A_846 : vector<16xf32>
        %mul3A_848 = arith.constant 0.693147182 : f32
        %mul3A_849 = vector.broadcast %mul3A_848 : f32 to vector<16xf32>
        %mul3A_850 = arith.mulf %convert_element_type3A_819, %mul3A_849 : vector<16xf32>
        %add3A_851 = arith.addf %mul3A_850, %add3A_847 : vector<16xf32>
        %sub3A_852 = arith.constant 1.000000e+00 : f32
        %sub3A_853 = vector.broadcast %sub3A_852 : f32 to vector<16xf32>
        %sub3A_854 = arith.subf %sub3A_853, %get3A_795 : vector<16xf32>
        %mul3A_855 = arith.mulf %sub3A_854, %sub3A_854 : vector<16xf32>
        %mul3A_856 = arith.mulf %sub3A_811, %sub3A_811 : vector<16xf32>
        %mul3A_857 = arith.mulf %add3A_851, %mul3A_856 : vector<16xf32>
        %mul3A_858 = arith.mulf %mul3A_855, %mul3A_855 : vector<16xf32>
        %mul3A_859 = arith.mulf %mul3A_857, %mul3A_858 : vector<16xf32>
        %add3A_860 = arith.addf %add3A_568, %mul3A_859 : vector<16xf32>
        scf.yield %add3A_647, %add3A_718, %add3A_789, %add3A_860 : vector<16xf32>, vector<16xf32>, vector<16xf32>, vector<16xf32>
      }
      %scan3A_264 = arith.constant 128 : i32
      %add3A_265 = arith.addf %scan3A_263#0, %scan3A_263#1 : vector<16xf32>
      %add3A_266 = arith.addf %add3A_243, %add3A_265 : vector<16xf32>
      %add3A_267 = arith.addf %scan3A_263#2, %scan3A_263#3 : vector<16xf32>
      %add3A_268 = arith.addf %add3A_266, %add3A_267 : vector<16xf32>
      %add3A_269 = arith.constant 3 : i32
      %add3A_270 = arith.addi %mul3A_224, %add3A_269 : i32
      %lt3A_271 = arith.constant 32 : i32
      %lt3A_272 = arith.cmpi slt, %add3A_270, %lt3A_271 : i32
      %convert_element_type3A_273 = arith.extui %lt3A_272 : i1 to i32
      %cond3A_274 = arith.constant 0 : i32
      %cond3A_275 = arith.cmpi ne, %convert_element_type3A_273, %cond3A_274 : i32
      scf.if %cond3A_275 {
        %add3A_276 = arith.constant 3 : i32
        %add3A_277 = arith.addi %mul3A_224, %add3A_276 : i32
        %mul3A_278 = arith.constant 16384 : i32
        %mul3A_279 = arith.muli %add3A_277, %mul3A_278 : i32
        %add3A_280 = arith.addi %mul3A_20, %mul3A_279 : i32
        %dma_start3A_281 = tpu.memref_slice %arg2[%add3A_280] : memref<20971520xf32, #tpu.memory_space<hbm>> -> memref<16384xf32, #tpu.memory_space<hbm>>
        %dma_start3A_282 = tpu.memref_slice %arg2[%add3A_280] : memref<20971520xf32, #tpu.memory_space<hbm>> -> memref<16384xf32, #tpu.memory_space<hbm>>
        tpu.enqueue_dma source(%dma_start3A_282 : memref<16384xf32, #tpu.memory_space<hbm>>) target(%arg25 : memref<16384xf32, #tpu.memory_space<vmem>>) target_semaphore(%arg35 : memref<!tpu.dma_semaphore, #tpu.memory_space<semaphore_mem>>)
        %dma_start3A_283 = tpu.memref_slice %arg3[%add3A_280] : memref<20971520xf32, #tpu.memory_space<hbm>> -> memref<16384xf32, #tpu.memory_space<hbm>>
        %dma_start3A_284 = tpu.memref_slice %arg3[%add3A_280] : memref<20971520xf32, #tpu.memory_space<hbm>> -> memref<16384xf32, #tpu.memory_space<hbm>>
        tpu.enqueue_dma source(%dma_start3A_284 : memref<16384xf32, #tpu.memory_space<hbm>>) target(%arg27 : memref<16384xf32, #tpu.memory_space<vmem>>) target_semaphore(%arg37 : memref<!tpu.dma_semaphore, #tpu.memory_space<semaphore_mem>>)
      } else {
      }
      scf.yield %add3A_268 : vector<16xf32>
    }
    %scan3A_205 = arith.constant 16 : i32
    %swap3A_206 = arith.constant 0 : index
    %swap3A_207 = tpu.vector_load %arg28[%swap3A_206] {strides = array<i32>} : memref<16xf32, #tpu.memory_space<vmem>>, vector<16xf32>,
    %swap3A_208 = vector.shape_cast %swap3A_207 : vector<16xf32> to vector<16xf32>
    %swap3A_209 = vector.shape_cast %scan3A_204 : vector<16xf32> to vector<16xf32>
    tpu.vector_store %arg28[%swap3A_206], %swap3A_209 {strides = array<i32>} : memref<16xf32, #tpu.memory_space<vmem>>, vector<16xf32>,
    %mul3A_210 = arith.constant 16 : i32
    %mul3A_211 = arith.muli %add3A, %mul3A_210 : i32
    "tpu.region"() ({
      %run_scoped3A = tpu.sem_alloc : memref<!tpu.dma_semaphore, #tpu.memory_space<semaphore_mem>>
      %dma_start3A_221 = tpu.memref_slice %arg13[%mul3A_211] : memref<512xf32, #tpu.memory_space<hbm>> -> memref<16xf32, #tpu.memory_space<hbm>>
      %dma_start3A_222 = tpu.memref_slice %arg13[%mul3A_211] : memref<512xf32, #tpu.memory_space<hbm>> -> memref<16xf32, #tpu.memory_space<hbm>>
      tpu.enqueue_dma source(%arg28 : memref<16xf32, #tpu.memory_space<vmem>>) target(%dma_start3A_222 : memref<16xf32, #tpu.memory_space<hbm>>) target_semaphore(%run_scoped3A : memref<!tpu.dma_semaphore, #tpu.memory_space<semaphore_mem>>)
      %dma_wait3A_223 = tpu.memref_slice %arg13[%mul3A_211] : memref<512xf32, #tpu.memory_space<hbm>> -> memref<16xf32, #tpu.memory_space<hbm>>
      %dma_wait3A_224 = tpu.memref_slice %arg13[%mul3A_211] : memref<512xf32, #tpu.memory_space<hbm>> -> memref<16xf32, #tpu.memory_space<hbm>>
      tpu.wait_dma2 semaphore(%run_scoped3A : memref<!tpu.dma_semaphore, #tpu.memory_space<semaphore_mem>>) src(%arg28 : memref<16xf32, #tpu.memory_space<vmem>>) dst(%dma_wait3A_224 : memref<16xf32, #tpu.memory_space<hbm>>)
      tpu.yield
    }) : () -> ()
    %dma_wait3A = arith.constant 0 : i32
    %dma_wait3A_212 = tpu.memref_slice %arg2[%dma_wait3A] : memref<20971520xf32, #tpu.memory_space<hbm>> -> memref<20971520xf32, #tpu.memory_space<hbm>>
    tpu.wait_indirect_dma semaphore(%arg29 : memref<!tpu.dma_semaphore, #tpu.memory_space<semaphore_mem>>) src(%dma_wait3A_212 : memref<20971520xf32, #tpu.memory_space<hbm>>) dst(%arg19 : memref<64xf32, #tpu.memory_space<vmem>>)
    "tpu.region"() ({
      %run_scoped3A = tpu.sem_alloc : memref<!tpu.dma_semaphore, #tpu.memory_space<semaphore_mem>>
      %dma_start3A_221 = tpu.memref_slice %arg8[%mul3A_2] : memref<2048xf32, #tpu.memory_space<hbm>> -> memref<64xf32, #tpu.memory_space<hbm>>
      %dma_start3A_222 = tpu.memref_slice %arg8[%mul3A_2] : memref<2048xf32, #tpu.memory_space<hbm>> -> memref<64xf32, #tpu.memory_space<hbm>>
      tpu.enqueue_dma source(%arg19 : memref<64xf32, #tpu.memory_space<vmem>>) target(%dma_start3A_222 : memref<64xf32, #tpu.memory_space<hbm>>) target_semaphore(%run_scoped3A : memref<!tpu.dma_semaphore, #tpu.memory_space<semaphore_mem>>)
      %dma_wait3A_223 = tpu.memref_slice %arg8[%mul3A_2] : memref<2048xf32, #tpu.memory_space<hbm>> -> memref<64xf32, #tpu.memory_space<hbm>>
      %dma_wait3A_224 = tpu.memref_slice %arg8[%mul3A_2] : memref<2048xf32, #tpu.memory_space<hbm>> -> memref<64xf32, #tpu.memory_space<hbm>>
      tpu.wait_dma2 semaphore(%run_scoped3A : memref<!tpu.dma_semaphore, #tpu.memory_space<semaphore_mem>>) src(%arg19 : memref<64xf32, #tpu.memory_space<vmem>>) dst(%dma_wait3A_224 : memref<64xf32, #tpu.memory_space<hbm>>)
      tpu.yield
    }) : () -> ()
    %dma_wait3A_213 = arith.constant 0 : i32
    %dma_wait3A_214 = tpu.memref_slice %arg4[%dma_wait3A_213] : memref<524288xf32, #tpu.memory_space<hbm>> -> memref<524288xf32, #tpu.memory_space<hbm>>
    tpu.wait_indirect_dma semaphore(%arg30 : memref<!tpu.dma_semaphore, #tpu.memory_space<semaphore_mem>>) src(%dma_wait3A_214 : memref<524288xf32, #tpu.memory_space<hbm>>) dst(%arg20 : memref<64xf32, #tpu.memory_space<vmem>>)
    "tpu.region"() ({
      %run_scoped3A = tpu.sem_alloc : memref<!tpu.dma_semaphore, #tpu.memory_space<semaphore_mem>>
      %dma_start3A_221 = tpu.memref_slice %arg9[%mul3A_2] : memref<2048xf32, #tpu.memory_space<hbm>> -> memref<64xf32, #tpu.memory_space<hbm>>
      %dma_start3A_222 = tpu.memref_slice %arg9[%mul3A_2] : memref<2048xf32, #tpu.memory_space<hbm>> -> memref<64xf32, #tpu.memory_space<hbm>>
      tpu.enqueue_dma source(%arg20 : memref<64xf32, #tpu.memory_space<vmem>>) target(%dma_start3A_222 : memref<64xf32, #tpu.memory_space<hbm>>) target_semaphore(%run_scoped3A : memref<!tpu.dma_semaphore, #tpu.memory_space<semaphore_mem>>)
      %dma_wait3A_223 = tpu.memref_slice %arg9[%mul3A_2] : memref<2048xf32, #tpu.memory_space<hbm>> -> memref<64xf32, #tpu.memory_space<hbm>>
      %dma_wait3A_224 = tpu.memref_slice %arg9[%mul3A_2] : memref<2048xf32, #tpu.memory_space<hbm>> -> memref<64xf32, #tpu.memory_space<hbm>>
      tpu.wait_dma2 semaphore(%run_scoped3A : memref<!tpu.dma_semaphore, #tpu.memory_space<semaphore_mem>>) src(%arg20 : memref<64xf32, #tpu.memory_space<vmem>>) dst(%dma_wait3A_224 : memref<64xf32, #tpu.memory_space<hbm>>)
      tpu.yield
    }) : () -> ()
    %dma_wait3A_215 = arith.constant 0 : i32
    %dma_wait3A_216 = tpu.memref_slice %arg4[%dma_wait3A_215] : memref<524288xf32, #tpu.memory_space<hbm>> -> memref<524288xf32, #tpu.memory_space<hbm>>
    tpu.wait_indirect_dma semaphore(%arg31 : memref<!tpu.dma_semaphore, #tpu.memory_space<semaphore_mem>>) src(%dma_wait3A_216 : memref<524288xf32, #tpu.memory_space<hbm>>) dst(%arg21 : memref<64xf32, #tpu.memory_space<vmem>>)
    "tpu.region"() ({
      %run_scoped3A = tpu.sem_alloc : memref<!tpu.dma_semaphore, #tpu.memory_space<semaphore_mem>>
      %dma_start3A_221 = tpu.memref_slice %arg10[%mul3A_2] : memref<2048xf32, #tpu.memory_space<hbm>> -> memref<64xf32, #tpu.memory_space<hbm>>
      %dma_start3A_222 = tpu.memref_slice %arg10[%mul3A_2] : memref<2048xf32, #tpu.memory_space<hbm>> -> memref<64xf32, #tpu.memory_space<hbm>>
      tpu.enqueue_dma source(%arg21 : memref<64xf32, #tpu.memory_space<vmem>>) target(%dma_start3A_222 : memref<64xf32, #tpu.memory_space<hbm>>) target_semaphore(%run_scoped3A : memref<!tpu.dma_semaphore, #tpu.memory_space<semaphore_mem>>)
      %dma_wait3A_223 = tpu.memref_slice %arg10[%mul3A_2] : memref<2048xf32, #tpu.memory_space<hbm>> -> memref<64xf32, #tpu.memory_space<hbm>>
      %dma_wait3A_224 = tpu.memref_slice %arg10[%mul3A_2] : memref<2048xf32, #tpu.memory_space<hbm>> -> memref<64xf32, #tpu.memory_space<hbm>>
      tpu.wait_dma2 semaphore(%run_scoped3A : memref<!tpu.dma_semaphore, #tpu.memory_space<semaphore_mem>>) src(%arg21 : memref<64xf32, #tpu.memory_space<vmem>>) dst(%dma_wait3A_224 : memref<64xf32, #tpu.memory_space<hbm>>)
      tpu.yield
    }) : () -> ()
    %dma_wait3A_217 = arith.constant 0 : i32
    %dma_wait3A_218 = tpu.memref_slice %arg5[%dma_wait3A_217] : memref<524288xf32, #tpu.memory_space<hbm>> -> memref<524288xf32, #tpu.memory_space<hbm>>
    tpu.wait_indirect_dma semaphore(%arg32 : memref<!tpu.dma_semaphore, #tpu.memory_space<semaphore_mem>>) src(%dma_wait3A_218 : memref<524288xf32, #tpu.memory_space<hbm>>) dst(%arg22 : memref<64xf32, #tpu.memory_space<vmem>>)
    "tpu.region"() ({
      %run_scoped3A = tpu.sem_alloc : memref<!tpu.dma_semaphore, #tpu.memory_space<semaphore_mem>>
      %dma_start3A_221 = tpu.memref_slice %arg11[%mul3A_2] : memref<2048xf32, #tpu.memory_space<hbm>> -> memref<64xf32, #tpu.memory_space<hbm>>
      %dma_start3A_222 = tpu.memref_slice %arg11[%mul3A_2] : memref<2048xf32, #tpu.memory_space<hbm>> -> memref<64xf32, #tpu.memory_space<hbm>>
      tpu.enqueue_dma source(%arg22 : memref<64xf32, #tpu.memory_space<vmem>>) target(%dma_start3A_222 : memref<64xf32, #tpu.memory_space<hbm>>) target_semaphore(%run_scoped3A : memref<!tpu.dma_semaphore, #tpu.memory_space<semaphore_mem>>)
      %dma_wait3A_223 = tpu.memref_slice %arg11[%mul3A_2] : memref<2048xf32, #tpu.memory_space<hbm>> -> memref<64xf32, #tpu.memory_space<hbm>>
      %dma_wait3A_224 = tpu.memref_slice %arg11[%mul3A_2] : memref<2048xf32, #tpu.memory_space<hbm>> -> memref<64xf32, #tpu.memory_space<hbm>>
      tpu.wait_dma2 semaphore(%run_scoped3A : memref<!tpu.dma_semaphore, #tpu.memory_space<semaphore_mem>>) src(%arg22 : memref<64xf32, #tpu.memory_space<vmem>>) dst(%dma_wait3A_224 : memref<64xf32, #tpu.memory_space<hbm>>)
      tpu.yield
    }) : () -> ()
    %dma_wait3A_219 = arith.constant 0 : i32
    %dma_wait3A_220 = tpu.memref_slice %arg5[%dma_wait3A_219] : memref<524288xf32, #tpu.memory_space<hbm>> -> memref<524288xf32, #tpu.memory_space<hbm>>
    tpu.wait_indirect_dma semaphore(%arg33 : memref<!tpu.dma_semaphore, #tpu.memory_space<semaphore_mem>>) src(%dma_wait3A_220 : memref<524288xf32, #tpu.memory_space<hbm>>) dst(%arg23 : memref<64xf32, #tpu.memory_space<vmem>>)
    "tpu.region"() ({
      %run_scoped3A = tpu.sem_alloc : memref<!tpu.dma_semaphore, #tpu.memory_space<semaphore_mem>>
      %dma_start3A_221 = tpu.memref_slice %arg12[%mul3A_2] : memref<2048xf32, #tpu.memory_space<hbm>> -> memref<64xf32, #tpu.memory_space<hbm>>
      %dma_start3A_222 = tpu.memref_slice %arg12[%mul3A_2] : memref<2048xf32, #tpu.memory_space<hbm>> -> memref<64xf32, #tpu.memory_space<hbm>>
      tpu.enqueue_dma source(%arg23 : memref<64xf32, #tpu.memory_space<vmem>>) target(%dma_start3A_222 : memref<64xf32, #tpu.memory_space<hbm>>) target_semaphore(%run_scoped3A : memref<!tpu.dma_semaphore, #tpu.memory_space<semaphore_mem>>)
      %dma_wait3A_223 = tpu.memref_slice %arg12[%mul3A_2] : memref<2048xf32, #tpu.memory_space<hbm>> -> memref<64xf32, #tpu.memory_space<hbm>>
      %dma_wait3A_224 = tpu.memref_slice %arg12[%mul3A_2] : memref<2048xf32, #tpu.memory_space<hbm>> -> memref<64xf32, #tpu.memory_space<hbm>>
      tpu.wait_dma2 semaphore(%run_scoped3A : memref<!tpu.dma_semaphore, #tpu.memory_space<semaphore_mem>>) src(%arg23 : memref<64xf32, #tpu.memory_space<vmem>>) dst(%dma_wait3A_224 : memref<64xf32, #tpu.memory_space<hbm>>)
      tpu.yield
    }) : () -> ()
    return
  }
}

module attributes {stable_mosaic.version = 14 : i64} {
  func.func @_tc_dense_body(%arg0: i32, %arg1: memref<64x16384xf32, #tpu.memory_space<vmem>>, %arg2: memref<64x16384xf32, #tpu.memory_space<vmem>>, %arg3: memref<1xf32, #tpu.memory_space<smem>>, %arg4: memref<1xf32, #tpu.memory_space<smem>>) attributes {dimension_semantics = [#tpu.dimension_semantics<arbitrary>], iteration_bounds = array<i64: 4>, scalar_prefetch = 0 : i64, scratch_operands = 1 : i64, tpu.core_type = #tpu.core_type<tc>, window_params = [{transform_indices = @transform_0, window_bounds = array<i64: 64, 16384>}, {transform_indices = @transform_1, window_bounds = array<i64: 64, 16384>}, {transform_indices = @transform_2, window_bounds = array<i64: 1>}]} {
    %get3A = arith.constant 0 : index
    %get3A_0 = arith.constant 0 : index
    %get3A_1 = vector.load %arg1[%get3A, %get3A_0] : memref<64x16384xf32, #tpu.memory_space<vmem>>, vector<64x16384xf32>
    %get3A_2 = arith.constant 0 : index
    %get3A_3 = arith.constant 0 : index
    %get3A_4 = vector.load %arg2[%get3A_2, %get3A_3] : memref<64x16384xf32, #tpu.memory_space<vmem>>, vector<64x16384xf32>
    %neg3A = arith.constant 0.000000e+00 : f32
    %neg3A_5 = vector.broadcast %neg3A : f32 to vector<64x16384xf32>
    %neg3A_6 = arith.subf %neg3A_5, %get3A_1 : vector<64x16384xf32>
    %exp3A = math.exp %neg3A_6 : vector<64x16384xf32>
    %add3A = arith.constant 1.000000e+00 : f32
    %add3A_7 = vector.broadcast %add3A : f32 to vector<64x16384xf32>
    %add3A_8 = arith.addf %add3A_7, %exp3A : vector<64x16384xf32>
    %div3A = arith.constant 1.000000e+00 : f32
    %div3A_9 = vector.broadcast %div3A : f32 to vector<64x16384xf32>
    %div3A_10 = arith.divf %div3A_9, %add3A_8 : vector<64x16384xf32>
    %jit3A = arith.constant 9.99999974E-5 : f32
    %jit3A_11 = arith.constant 0.999899983 : f32
    %max3A = vector.broadcast %jit3A : f32 to vector<64x16384xf32>
    %max3A_12 = arith.maximumf %max3A, %div3A_10 : vector<64x16384xf32>
    %min3A = vector.broadcast %jit3A_11 : f32 to vector<64x16384xf32>
    %min3A_13 = arith.minimumf %min3A, %max3A_12 : vector<64x16384xf32>
    %sub3A = arith.constant 1.000000e+00 : f32
    %sub3A_14 = vector.broadcast %sub3A : f32 to vector<64x16384xf32>
    %sub3A_15 = arith.subf %sub3A_14, %get3A_4 : vector<64x16384xf32>
    %mul3A = arith.mulf %sub3A_15, %sub3A_15 : vector<64x16384xf32>
    %sub3A_16 = arith.constant 1.000000e+00 : f32
    %sub3A_17 = vector.broadcast %sub3A_16 : f32 to vector<64x16384xf32>
    %sub3A_18 = arith.subf %sub3A_17, %min3A_13 : vector<64x16384xf32>
    %log3A = math.log %sub3A_18 : vector<64x16384xf32>
    %mul3A_19 = arith.mulf %min3A_13, %min3A_13 : vector<64x16384xf32>
    %mul3A_20 = arith.mulf %log3A, %mul3A_19 : vector<64x16384xf32>
    %mul3A_21 = arith.mulf %mul3A, %mul3A : vector<64x16384xf32>
    %mul3A_22 = arith.mulf %mul3A_20, %mul3A_21 : vector<64x16384xf32>
    %reduce_sum3A = vector.shape_cast %mul3A_22 : vector<64x16384xf32> to vector<1x64x16384xf32>
    %reduce_sum3A_23 = arith.constant dense<0.000000e+00> : vector<1xf32>
    %reduce_sum3A_24 = vector.multi_reduction <add>, %reduce_sum3A, %reduce_sum3A_23 [1, 2] : vector<1x64x16384xf32> to vector<1xf32>
    %reduce_sum3A_25 = vector.shape_cast %reduce_sum3A_24 : vector<1xf32> to vector<1x1x1xf32>
    %reduce_sum3A_26 = vector.extract %reduce_sum3A_25[0, 0, 0] : f32 from vector<1x1x1xf32>
    %eq3A = arith.constant 0 : i32
    %eq3A_27 = arith.cmpi eq, %arg0, %eq3A : i32
    %convert_element_type3A = arith.extui %eq3A_27 : i1 to i32
    %cond3A = arith.constant 0 : i32
    %cond3A_28 = arith.cmpi ne, %convert_element_type3A, %cond3A : i32
    scf.if %cond3A_28 {
      %swap3A = arith.constant 0 : index
      %swap3A_38 = memref.load %arg4[%swap3A] : memref<1xf32, #tpu.memory_space<smem>>
      memref.store %reduce_sum3A_26, %arg4[%swap3A] : memref<1xf32, #tpu.memory_space<smem>>
    } else {
    }
    %gt3A = arith.constant 0 : i32
    %gt3A_29 = arith.cmpi sgt, %arg0, %gt3A : i32
    %convert_element_type3A_30 = arith.extui %gt3A_29 : i1 to i32
    %cond3A_31 = arith.constant 0 : i32
    %cond3A_32 = arith.cmpi ne, %convert_element_type3A_30, %cond3A_31 : i32
    scf.if %cond3A_32 {
      %get3A_38 = arith.constant 0 : index
      %get3A_39 = memref.load %arg4[%get3A_38] : memref<1xf32, #tpu.memory_space<smem>>
      %add3A_40 = arith.addf %get3A_39, %reduce_sum3A_26 : f32
      %swap3A = arith.constant 0 : index
      %swap3A_41 = memref.load %arg4[%swap3A] : memref<1xf32, #tpu.memory_space<smem>>
      memref.store %add3A_40, %arg4[%swap3A] : memref<1xf32, #tpu.memory_space<smem>>
    } else {
    }
    %eq3A_33 = arith.constant 3 : i32
    %eq3A_34 = arith.cmpi eq, %arg0, %eq3A_33 : i32
    %convert_element_type3A_35 = arith.extui %eq3A_34 : i1 to i32
    %cond3A_36 = arith.constant 0 : i32
    %cond3A_37 = arith.cmpi ne, %convert_element_type3A_35, %cond3A_36 : i32
    scf.if %cond3A_37 {
      %get3A_38 = arith.constant 0 : index
      %get3A_39 = memref.load %arg4[%get3A_38] : memref<1xf32, #tpu.memory_space<smem>>
      %swap3A = arith.constant 0 : index
      %swap3A_40 = memref.load %arg3[%swap3A] : memref<1xf32, #tpu.memory_space<smem>>
      memref.store %get3A_39, %arg3[%swap3A] : memref<1xf32, #tpu.memory_space<smem>>
    } else {
    }
    return
  }
  func.func @transform_0(%arg0: i32) -> (i32, i32) {
    %add3A = arith.constant 16 : i32
    %add3A_0 = arith.addi %arg0, %add3A : i32
    %c0_i32 = arith.constant 0 : i32
    %c0_i32_1 = arith.constant 0 : i32
    return %add3A_0, %c0_i32 : i32, i32
  }
  func.func @transform_1(%arg0: i32) -> (i32, i32) {
    %add3A = arith.constant 16 : i32
    %add3A_0 = arith.addi %arg0, %add3A : i32
    %c0_i32 = arith.constant 0 : i32
    %c0_i32_1 = arith.constant 0 : i32
    return %add3A_0, %c0_i32 : i32, i32
  }
  func.func @transform_2(%arg0: i32) -> i32 {
    %c0_i32 = arith.constant 0 : i32
    %c0_i32_0 = arith.constant 0 : i32
    return %c0_i32 : i32
  }
}

module attributes {stable_mosaic.version = 14 : i64} {
  func.func @_tc_final_body(%arg0: memref<1xf32, #tpu.memory_space<smem>>, %arg1: memref<4x128xf32, #tpu.memory_space<vmem>>, %arg2: memref<16x128xf32, #tpu.memory_space<vmem>>, %arg3: memref<16x128xf32, #tpu.memory_space<vmem>>, %arg4: memref<2x16x128xf32, #tpu.memory_space<vmem>>, %arg5: memref<2x16x128xf32, #tpu.memory_space<vmem>>, %arg6: memref<2x16x128xf32, #tpu.memory_space<vmem>>, %arg7: memref<2x16x128xf32, #tpu.memory_space<vmem>>, %arg8: memref<2x16x128xf32, #tpu.memory_space<vmem>>, %arg9: memref<2x16x128xf32, #tpu.memory_space<vmem>>, %arg10: memref<4xf32, #tpu.memory_space<smem>>) attributes {dimension_semantics = [], scalar_prefetch = 0 : i64, scratch_operands = 0 : i64, tpu.core_type = #tpu.core_type<tc>} {
    %get3A = arith.constant 0 : index
    %get3A_0 = memref.load %arg0[%get3A] : memref<1xf32, #tpu.memory_space<smem>>
    %get3A_1 = arith.constant 0 : index
    %get3A_2 = arith.constant 0 : index
    %get3A_3 = vector.load %arg1[%get3A_1, %get3A_2] : memref<4x128xf32, #tpu.memory_space<vmem>>, vector<4x128xf32>
    %reduce_sum3A = vector.shape_cast %get3A_3 : vector<4x128xf32> to vector<1x4x128xf32>
    %reduce_sum3A_4 = arith.constant dense<0.000000e+00> : vector<1xf32>
    %reduce_sum3A_5 = vector.multi_reduction <add>, %reduce_sum3A, %reduce_sum3A_4 [1, 2] : vector<1x4x128xf32> to vector<1xf32>
    %reduce_sum3A_6 = vector.shape_cast %reduce_sum3A_5 : vector<1xf32> to vector<1x1x1xf32>
    %reduce_sum3A_7 = vector.extract %reduce_sum3A_6[0, 0, 0] : f32 from vector<1x1x1xf32>
    %add3A = arith.addf %get3A_0, %reduce_sum3A_7 : f32
    %get3A_8 = arith.constant 0 : index
    %get3A_9 = arith.constant 0 : index
    %get3A_10 = vector.load %arg2[%get3A_8, %get3A_9] : memref<16x128xf32, #tpu.memory_space<vmem>>, vector<16x128xf32>
    %neg3A = arith.constant 0.000000e+00 : f32
    %neg3A_11 = vector.broadcast %neg3A : f32 to vector<16x128xf32>
    %neg3A_12 = arith.subf %neg3A_11, %get3A_10 : vector<16x128xf32>
    %exp3A = math.exp %neg3A_12 : vector<16x128xf32>
    %add3A_13 = arith.constant 1.000000e+00 : f32
    %add3A_14 = vector.broadcast %add3A_13 : f32 to vector<16x128xf32>
    %add3A_15 = arith.addf %add3A_14, %exp3A : vector<16x128xf32>
    %div3A = arith.constant 1.000000e+00 : f32
    %div3A_16 = vector.broadcast %div3A : f32 to vector<16x128xf32>
    %div3A_17 = arith.divf %div3A_16, %add3A_15 : vector<16x128xf32>
    %jit3A = arith.constant 9.99999974E-5 : f32
    %jit3A_18 = arith.constant 0.999899983 : f32
    %max3A = vector.broadcast %jit3A : f32 to vector<16x128xf32>
    %max3A_19 = arith.maximumf %max3A, %div3A_17 : vector<16x128xf32>
    %min3A = vector.broadcast %jit3A_18 : f32 to vector<16x128xf32>
    %min3A_20 = arith.minimumf %min3A, %max3A_19 : vector<16x128xf32>
    %get3A_21 = arith.constant 0 : index
    %get3A_22 = arith.constant 0 : index
    %get3A_23 = vector.load %arg3[%get3A_21, %get3A_22] : memref<16x128xf32, #tpu.memory_space<vmem>>, vector<16x128xf32>
    %reduce_sum3A_24 = vector.shape_cast %get3A_23 : vector<16x128xf32> to vector<1x16x128xf32>
    %reduce_sum3A_25 = arith.constant dense<0.000000e+00> : vector<1xf32>
    %reduce_sum3A_26 = vector.multi_reduction <add>, %reduce_sum3A_24, %reduce_sum3A_25 [1, 2] : vector<1x16x128xf32> to vector<1xf32>
    %reduce_sum3A_27 = vector.shape_cast %reduce_sum3A_26 : vector<1xf32> to vector<1x1x1xf32>
    %reduce_sum3A_28 = vector.extract %reduce_sum3A_27[0, 0, 0] : f32 from vector<1x1x1xf32>
    %sub3A = arith.constant 1.000000e+00 : f32
    %sub3A_29 = vector.broadcast %sub3A : f32 to vector<16x128xf32>
    %sub3A_30 = arith.subf %sub3A_29, %min3A_20 : vector<16x128xf32>
    %log3A = math.log %min3A_20 : vector<16x128xf32>
    %mul3A = arith.mulf %sub3A_30, %sub3A_30 : vector<16x128xf32>
    %mul3A_31 = arith.mulf %log3A, %mul3A : vector<16x128xf32>
    %mul3A_32 = arith.mulf %mul3A_31, %get3A_23 : vector<16x128xf32>
    %reduce_sum3A_33 = vector.shape_cast %mul3A_32 : vector<16x128xf32> to vector<1x16x128xf32>
    %reduce_sum3A_34 = arith.constant dense<0.000000e+00> : vector<1xf32>
    %reduce_sum3A_35 = vector.multi_reduction <add>, %reduce_sum3A_33, %reduce_sum3A_34 [1, 2] : vector<1x16x128xf32> to vector<1xf32>
    %reduce_sum3A_36 = vector.shape_cast %reduce_sum3A_35 : vector<1xf32> to vector<1x1x1xf32>
    %reduce_sum3A_37 = vector.extract %reduce_sum3A_36[0, 0, 0] : f32 from vector<1x1x1xf32>
    %eq3A = arith.constant 0.000000e+00 : f32
    %eq3A_38 = arith.cmpf oeq, %reduce_sum3A_28, %eq3A : f32
    %neg3A_39 = arith.constant 0.000000e+00 : f32
    %neg3A_40 = arith.subf %neg3A_39, %add3A : f32
    %add3A_41 = arith.addf %reduce_sum3A_37, %add3A : f32
    %neg3A_42 = arith.constant 0.000000e+00 : f32
    %neg3A_43 = arith.subf %neg3A_42, %add3A_41 : f32
    %max3A_44 = arith.constant 1.000000e+00 : f32
    %max3A_45 = arith.maximumf %reduce_sum3A_28, %max3A_44 : f32
    %div3A_46 = arith.divf %neg3A_43, %max3A_45 : f32
    %select_n3A = arith.select %eq3A_38, %neg3A_40, %div3A_46 : f32
    %get3A_47 = arith.constant 0 : index
    %get3A_48 = arith.constant 0 : index
    %get3A_49 = arith.constant 0 : index
    %get3A_50 = vector.load %arg6[%get3A_47, %get3A_48, %get3A_49] : memref<2x16x128xf32, #tpu.memory_space<vmem>>, vector<2x16x128xf32>
    %get3A_51 = arith.constant 0 : index
    %get3A_52 = arith.constant 0 : index
    %get3A_53 = arith.constant 0 : index
    %get3A_54 = vector.load %arg4[%get3A_51, %get3A_52, %get3A_53] : memref<2x16x128xf32, #tpu.memory_space<vmem>>, vector<2x16x128xf32>
    %mul3A_55 = arith.mulf %get3A_54, %get3A_50 : vector<2x16x128xf32>
    %get3A_56 = arith.constant 0 : index
    %get3A_57 = arith.constant 0 : index
    %get3A_58 = arith.constant 0 : index
    %get3A_59 = vector.load %arg5[%get3A_56, %get3A_57, %get3A_58] : memref<2x16x128xf32, #tpu.memory_space<vmem>>, vector<2x16x128xf32>
    %mul3A_60 = arith.mulf %get3A_59, %get3A_50 : vector<2x16x128xf32>
    %sub3A_61 = arith.subf %mul3A_55, %mul3A_60 : vector<2x16x128xf32>
    %abs3A = math.absf %sub3A_61 : vector<2x16x128xf32>
    %reduce_sum3A_62 = vector.shape_cast %abs3A : vector<2x16x128xf32> to vector<1x2x16x128xf32>
    %reduce_sum3A_63 = arith.constant dense<0.000000e+00> : vector<1xf32>
    %reduce_sum3A_64 = vector.multi_reduction <add>, %reduce_sum3A_62, %reduce_sum3A_63 [1, 2, 3] : vector<1x2x16x128xf32> to vector<1xf32>
    %reduce_sum3A_65 = vector.shape_cast %reduce_sum3A_64 : vector<1xf32> to vector<1x1x1x1xf32>
    %reduce_sum3A_66 = vector.extract %reduce_sum3A_65[0, 0, 0, 0] : f32 from vector<1x1x1x1xf32>
    %reduce_sum3A_67 = vector.shape_cast %get3A_50 : vector<2x16x128xf32> to vector<1x2x16x128xf32>
    %reduce_sum3A_68 = arith.constant dense<0.000000e+00> : vector<1xf32>
    %reduce_sum3A_69 = vector.multi_reduction <add>, %reduce_sum3A_67, %reduce_sum3A_68 [1, 2, 3] : vector<1x2x16x128xf32> to vector<1xf32>
    %reduce_sum3A_70 = vector.shape_cast %reduce_sum3A_69 : vector<1xf32> to vector<1x1x1x1xf32>
    %reduce_sum3A_71 = vector.extract %reduce_sum3A_70[0, 0, 0, 0] : f32 from vector<1x1x1x1xf32>
    %add3A_72 = arith.constant 9.99999974E-5 : f32
    %add3A_73 = arith.addf %reduce_sum3A_71, %add3A_72 : f32
    %div3A_74 = arith.divf %reduce_sum3A_66, %add3A_73 : f32
    %get3A_75 = arith.constant 0 : index
    %get3A_76 = arith.constant 0 : index
    %get3A_77 = arith.constant 0 : index
    %get3A_78 = vector.load %arg9[%get3A_75, %get3A_76, %get3A_77] : memref<2x16x128xf32, #tpu.memory_space<vmem>>, vector<2x16x128xf32>
    %get3A_79 = arith.constant 0 : index
    %get3A_80 = arith.constant 0 : index
    %get3A_81 = arith.constant 0 : index
    %get3A_82 = vector.load %arg7[%get3A_79, %get3A_80, %get3A_81] : memref<2x16x128xf32, #tpu.memory_space<vmem>>, vector<2x16x128xf32>
    %mul3A_83 = arith.mulf %get3A_82, %get3A_78 : vector<2x16x128xf32>
    %get3A_84 = arith.constant 0 : index
    %get3A_85 = arith.constant 0 : index
    %get3A_86 = arith.constant 0 : index
    %get3A_87 = vector.load %arg8[%get3A_84, %get3A_85, %get3A_86] : memref<2x16x128xf32, #tpu.memory_space<vmem>>, vector<2x16x128xf32>
    %mul3A_88 = arith.mulf %get3A_87, %get3A_78 : vector<2x16x128xf32>
    %sub3A_89 = arith.subf %mul3A_83, %mul3A_88 : vector<2x16x128xf32>
    %abs3A_90 = math.absf %sub3A_89 : vector<2x16x128xf32>
    %reduce_sum3A_91 = vector.shape_cast %abs3A_90 : vector<2x16x128xf32> to vector<1x2x16x128xf32>
    %reduce_sum3A_92 = arith.constant dense<0.000000e+00> : vector<1xf32>
    %reduce_sum3A_93 = vector.multi_reduction <add>, %reduce_sum3A_91, %reduce_sum3A_92 [1, 2, 3] : vector<1x2x16x128xf32> to vector<1xf32>
    %reduce_sum3A_94 = vector.shape_cast %reduce_sum3A_93 : vector<1xf32> to vector<1x1x1x1xf32>
    %reduce_sum3A_95 = vector.extract %reduce_sum3A_94[0, 0, 0, 0] : f32 from vector<1x1x1x1xf32>
    %reduce_sum3A_96 = vector.shape_cast %get3A_78 : vector<2x16x128xf32> to vector<1x2x16x128xf32>
    %reduce_sum3A_97 = arith.constant dense<0.000000e+00> : vector<1xf32>
    %reduce_sum3A_98 = vector.multi_reduction <add>, %reduce_sum3A_96, %reduce_sum3A_97 [1, 2, 3] : vector<1x2x16x128xf32> to vector<1xf32>
    %reduce_sum3A_99 = vector.shape_cast %reduce_sum3A_98 : vector<1xf32> to vector<1x1x1x1xf32>
    %reduce_sum3A_100 = vector.extract %reduce_sum3A_99[0, 0, 0, 0] : f32 from vector<1x1x1x1xf32>
    %add3A_101 = arith.constant 9.99999974E-5 : f32
    %add3A_102 = arith.addf %reduce_sum3A_100, %add3A_101 : f32
    %div3A_103 = arith.divf %reduce_sum3A_95, %add3A_102 : f32
    %mul3A_104 = arith.constant 1.000000e+00 : f32
    %mul3A_105 = arith.mulf %mul3A_104, %select_n3A : f32
    %mul3A_106 = arith.constant 1.000000e+00 : f32
    %mul3A_107 = arith.mulf %mul3A_106, %div3A_74 : f32
    %add3A_108 = arith.addf %mul3A_105, %mul3A_107 : f32
    %mul3A_109 = arith.constant 1.000000e-01 : f32
    %mul3A_110 = arith.mulf %mul3A_109, %div3A_103 : f32
    %add3A_111 = arith.addf %add3A_108, %mul3A_110 : f32
    %swap3A = arith.constant 0 : index
    %swap3A_112 = memref.load %arg10[%swap3A] : memref<4xf32, #tpu.memory_space<smem>>
    memref.store %add3A_111, %arg10[%swap3A] : memref<4xf32, #tpu.memory_space<smem>>
    %swap3A_113 = arith.constant 1 : index
    %swap3A_114 = memref.load %arg10[%swap3A_113] : memref<4xf32, #tpu.memory_space<smem>>
    memref.store %select_n3A, %arg10[%swap3A_113] : memref<4xf32, #tpu.memory_space<smem>>
    %swap3A_115 = arith.constant 2 : index
    %swap3A_116 = memref.load %arg10[%swap3A_115] : memref<4xf32, #tpu.memory_space<smem>>
    memref.store %div3A_74, %arg10[%swap3A_115] : memref<4xf32, #tpu.memory_space<smem>>
    %swap3A_117 = arith.constant 3 : index
    %swap3A_118 = memref.load %arg10[%swap3A_117] : memref<4xf32, #tpu.memory_space<smem>>
    memref.store %div3A_103, %arg10[%swap3A_117] : memref<4xf32, #tpu.memory_space<smem>>
    return
  }
}

</mosaic_0001>

<sc_bundles>
// kernel: kernel.5.cloned.1.call-start
scs
__scs_entry_jumppad:
0x0: {  	(pc) =	sbr.rel $0x88, $3  }
0x1: {  	(tag) =	ssettag $0x0;
	lr =	simm.s32 $0x1  }
0x2: {  	[smem:$0x3F96] =	sst lr;
	_ =	strace $0xD0000000  }
0x3: {  	_ = 	snop  }
0x4: {  	_ = 	snop  }
0x5: {  	_ = 	snop  }
0x6: {  	_ = 	snop  }
0x7: {  	_ = 	snop  }
__scs_overlays_trampoline_lowered:
0x8: {  	[smem:$0x3FA5] =	sst s0  }
0x9: {  	[smem:$0x3FA6] =	sst s1  }
0xa: {  	[smem:$0x3FA7] =	sst s2  }
0xb: {  	[smem:$0x3FA8] =	sst s3  }
0xc: {  	[smem:$0x3FA9] =	sst s4  }
0xd: {  	[smem:$0x3FAA] =	sst s5  }
0xe: {  	[smem:$0x3FAB] =	sst s6  }
0xf: {  	[smem:$0x3FAC] =	sst s7  }
0x10: {  	[smem:$0x3FAD] =	sst s8  }
0x11: {  	[smem:$0x3FAE] =	sst s9;
	s0 =	simm.s32 @!p0 $0x0  }
0x12: {  	s1 =	sld [smem:$0x3F94];
	s0 =	simm.s32 @p0 $0x1  }
0x13: {  	[smem:$0x3FAF] =	sst s0;
	s0 =	simm.s32 @!p1 $0x0  }
0x14: {  	s2 =	sld [smem:$0x3F93];
	s0 =	simm.s32 @p1 $0x1  }
0x15: {  	[smem:$0x3FB0] =	sst s0;
	s0 =	simm.s32 @!p2 $0x0  }
0x16: {  	s3 =	sld [smem:$0x3FDB];
	s0 =	simm.s32 @p2 $0x1  }
0x17: {  	s4 =	simm.s32 $0x1BF5;
	[smem:$0x3FB2] =	sst s0  }
0x18: {  	s0 =	sld [smem:$0x3F95];
	_ =	swait.ge [sflag:s4], $0x0  }
0x19: {  	s7 =	sld [smem:$0x3F96]  }
0x1a: {  	s8 =	sadd.s32 $0xFFFFE003, lr  }
0x1b: {  	s9 =	sadd.s32 $0xFFFFFEF7, lr;
	s5 =	simm.s32 $0xFFFFFFFF;
	p2 =	slt.u32 s8, $0xFFFFF086  }
0x1c: {  	p1 =	slt.u32 s9, $0xF7A;
	s5 =	simm.s32 @!p2 $0x0  }
0x1d: {  	s5 =	simm.s32 @p1 $0x1;
	p0 =	seq.s32 s7, s2  }
0x1e: {  	s7 =	smul.u32 @!p0 $0xF7A, s2;
	p2 =	seq.s32 @!p0 s5, $0x0  }
0x1f: {  	s9 =	smul.u32 $0xF7A, s1;
	s8 =	simm.s32 @!p0 $0x1BF5;
	p2 =	por !p2, p0  }
0x20: {  	[sflag:s8] =	ssyncset.s32 @!p0 $0xFFFFF086;
	s6 =	sadd.s32 @!p0 s3, s7;
	s7 =	simm.s32 @!p0 $0x108  }
0x21: {  	s3 =	sadd.s32 s3, s9;
	s6 =	sadd.s32 @!p0 $0x88, s6;
	s7 =	simm.s32 @p2 $0x1082  }
0x22: {  	[simem:s7], [sflag:s8] =	dma.local @!p0 [hbm:s6], $0xF7A  }
0x23: {  	s9 =	sor.u32 $0xD0000000, s2;
	s6 =	simm.s32 $0x108;
	_ =	swait.ge @!p0 [sflag:s8], $0x0  }
0x24: {  	s3 =	sadd.s32 $0x88, s3;
	s6 =	simm.s32 @!p1 $0x1082;
	[sflag:s4] =	ssyncset.s32 $0xFFFFF086  }
0x25: {  	[simem:s6], [sflag:s4] =	dma.local [hbm:s3], $0xF7A  }
0x26: {  	[smem:$0x3F96] =	sst s1;
	(tag) =	ssettag s2;
	_ =	strace s9  }
0x27: {  	s1 =	sld [smem:$0x3FA6]  }
0x28: {  	s2 =	sld [smem:$0x3FA7]  }
0x29: {  	s4 =	sld [smem:$0x3FA9]  }
0x2a: {  	p0 =	seq.s32 s5, $0x0;
	s5 =	sld [smem:$0x3FAA]  }
0x2b: {  	s6 =	sld [smem:$0x3FAB]  }
0x2c: {  	s7 =	sld [smem:$0x3FAC]  }
0x2d: {  	s3 =	simm.s32 $0x108;
	s8 =	sld [smem:$0x3FAD]  }
0x2e: {  	s3 =	simm.s32 @!p0 $0x1082;
	s9 =	sld [smem:$0x3FAE]  }
0x2f: {  	lr =	sadd.s32 s0, s3;
	s0 =	sld [smem:$0x3FA5]  }
0x30: {  	s3 =	sld [smem:$0x3FA8]  }
0x31: {  	[smem:$0x3FB1] =	sst s10  }
0x32: {  	s10 =	sld [smem:$0x3FAF];
	_ =	sdelay $0x3  }
0x33: {  	p0 =	seq.s32 s10, $0x1;
	s10 =	sld [smem:$0x3FB1];
	_ =	sdelay $0x3  }
0x34: {  	[smem:$0x3FB1] =	sst s10  }
0x35: {  	s10 =	sld [smem:$0x3FB0];
	_ =	sdelay $0x3  }
0x36: {  	p1 =	seq.s32 s10, $0x1;
	s10 =	sld [smem:$0x3FB1];
	_ =	sdelay $0x3  }
0x37: {  	[smem:$0x3FB1] =	sst s10  }
0x38: {  	s10 =	sld [smem:$0x3FB2]  }
0x39: {  	_ = 	snop;
	(pc) =	sbr.ind lr, $3  }
0x3a: {  	_ = 	snop  }
0x3b: {  	_ = 	snop  }
0x3c: {  	p2 =	seq.s32 s10, $0x1;
	s10 =	sld [smem:$0x3FB1]  }
0x3d: {  	_ =	shalt  }
0x3e: {  	_ =	shalt  }
0x3f: {  	_ =	shalt  }
0x40: {  	_ =	shalt  }
0x41: {  	_ =	shalt  }
0x42: {  	_ =	shalt  }
0x43: {  	_ =	shalt  }
0x44: {  	_ =	shalt  }
0x45: {  	_ =	shalt  }
0x46: {  	_ =	shalt  }
0x47: {  	_ =	shalt  }
0x48: {  	_ =	shalt  }
0x49: {  	_ =	shalt  }
0x4a: {  	_ =	shalt  }
0x4b: {  	_ =	shalt  }
0x4c: {  	_ =	shalt  }
0x4d: {  	_ =	shalt  }
0x4e: {  	_ =	shalt  }
0x4f: {  	_ =	shalt  }
0x50: {  	_ =	shalt  }
0x51: {  	_ =	shalt  }
0x52: {  	_ =	shalt  }
0x53: {  	_ =	shalt  }
0x54: {  	_ =	shalt  }
0x55: {  	_ =	shalt  }
0x56: {  	_ =	shalt  }
0x57: {  	_ =	shalt  }
0x58: {  	_ =	shalt  }
0x59: {  	_ =	shalt  }
0x5a: {  	_ =	shalt  }
0x5b: {  	_ =	shalt  }
0x5c: {  	_ =	shalt  }
0x5d: {  	_ =	shalt  }
0x5e: {  	_ =	shalt  }
0x5f: {  	_ =	shalt  }
0x60: {  	_ =	shalt  }
0x61: {  	_ =	shalt  }
0x62: {  	_ =	shalt  }
0x63: {  	_ =	shalt  }
0x64: {  	_ =	shalt  }
0x65: {  	_ =	shalt  }
0x66: {  	_ =	shalt  }
0x67: {  	_ =	shalt  }
0x68: {  	_ =	shalt  }
0x69: {  	_ =	shalt  }
0x6a: {  	_ =	shalt  }
0x6b: {  	_ =	shalt  }
0x6c: {  	_ =	shalt  }
0x6d: {  	_ =	shalt  }
0x6e: {  	_ =	shalt  }
0x6f: {  	_ =	shalt  }
0x70: {  	_ =	shalt  }
0x71: {  	_ =	shalt  }
0x72: {  	_ =	shalt  }
0x73: {  	_ =	shalt  }
0x74: {  	_ =	shalt  }
0x75: {  	_ =	shalt  }
0x76: {  	_ =	shalt  }
0x77: {  	_ =	shalt  }
0x78: {  	_ =	shalt  }
0x79: {  	_ =	shalt  }
0x7a: {  	_ =	shalt  }
0x7b: {  	_ =	shalt  }
0x7c: {  	_ =	shalt  }
0x7d: {  	_ =	shalt  }
0x7e: {  	_ =	shalt  }
0x7f: {  	_ =	shalt  }
0x80: {  	_ =	shalt  }
0x81: {  	_ =	shalt  }
0x82: {  	_ =	shalt  }
0x83: {  	_ =	shalt  }
0x84: {  	_ =	shalt  }
0x85: {  	_ =	shalt  }
0x86: {  	_ =	shalt  }
0x87: {  	_ =	shalt  }
.Lfunc_end0:
.L_simem_size_0:
called_computation_lowered:
.L_overlay_start_0:
0x88: {  	s2 =	sld [smem:$0x3FD9]  }
0x89: {  	s3 =	sld [smem:$0x3FFE];
	_ =	sdelay $0x1  }
0x8a: {  	s1 =	srdreg.scid  }
0x8b: {  	s0 =	sand.u32 $0x1, s1  }
0x8c: {  	s17 =	sshll.u32 s0, $0xA;
	s2 =	sadd.s32 s3, s2  }
0x8d: {  	s2 =	sadd.s32 s2, s17  }
0x8e: {  	[smem:$0x3FBD] =	sst s2  }
0x8f: {  	_ = 	snop  }
0x90: {  	s2 =	sld [smem:$0x3FC9]  }
0x91: {  	s18 =	sld [smem:$0x3FC8]  }
0x92: {  	s4 =	sld [smem:$0x3FC7]  }
0x93: {  	s5 =	sld [smem:$0x3FC4]  }
0x94: {  	s6 =	sld [smem:$0x3FC0]  }
0x95: {  	s7 =	sld [smem:$0x3FBF];
	(tm) =	ssettm $0x1  }
0x96: {  	s8 =	sld [smem:$0x3FFB];
	_ =	sdelay $0x3  }
0x97: {  	_ =	strace s8  }
0x98: {  	s8 =	sld [smem:$0x3FFC];
	_ =	sdelay $0x3  }
0x99: {  	_ =	strace s8  }
0x9a: {  	s8 =	sld [smem:$0x3FFD];
	_ =	sdelay $0x3  }
0x9b: {  	_ =	strace s8  }
0x9c: {  	_ =	strace $0x8FFFFFFF  }
0x9d: {  	s19 =	sld [smem:$0x3FDB];
	_ =	sdelay $0x1  }
0x9e: {  	s9 =	simm.s32 $_scs_section_size  }
0x9f: {  	s10 =	simm.s32 $_size__tile_overlayer_lowered;
	s11 =	simm.s32 $_tile_overlayer_lowered  }
0xa0: {  	s22 =	simm.s32 $0x1BFF;
	s21 =	sshll.u32 s11, $0x1;
	s8 =	sadd.s32 s9, s19  }
0xa1: {  	s12 =	simm.s32 $0x0;
	s20 =	sshll.u32 s10, $0x1;
	s10 =	sadd.s32 s21, s8  }
0xa2: {  	[timem:s12], [sflag:s22] =	dma.local [hbm:s10], s20  }
0xa3: {  	_ =	swait.ge [sflag:s22], s20  }
0xa4: {  	s9 =	ssub.s32 $0x0, s20;
	[sflag:s22] =	ssyncset.done $0x0  }
0xa5: {  	[sflag:s22] =	ssyncadd.s32 s9;
	_ =	sdelay $0x1  }
0xa6: {  	s23 =	simm.s32 $0x1B8B  }
0xa7: {  	_ =	swait.ge [sflag:s23], $0x1  }
0xa8: {  	[sflag:s23] =	ssyncset.done $0x0  }
0xa9: {  	s25 =	simm.s32 $0x1B8E;
	s24 =	sld [smem:$0x3FFE];
	[sflag:s23] =	ssyncadd.s32 $0xFFFFFFFF  }
0xaa: {  	s26 =	simm.s32 $execute0_lowered;
	[smem:$0x3FD2] =	sst s25  }
0xab: {  	s10 =	sshll.u32 s26, $0x1;
	_ =	strace $0x80000046;
	[dreg:$0x1] =	wrdreg $0xFFFFFFFF  }
0xac: {  	s28 =	simm.s32 $_size_execute0_lowered;
	s8 =	sadd.s32 s8, s10;
	[dreg:$0x0] =	wrdreg $0x0  }
0xad: {  	s10 =	sshll.u32 s28, $0x1;
	[dreg:$0x2] =	wrdreg s8  }
0xae: {  	[dreg:$0x3] =	wrdreg s10  }
0xaf: {  	[dreg:$0x4] =	wrdreg $0xC0  }
0xb0: {  	_ =	task [dreg:s12], $0x5FFFF  }
0xb1: {  	[dreg:$0x1] =	wrdreg $0xFFFFFFFF  }
0xb2: {  	[dreg:$0x0] =	wrdreg $0x60  }
0xb3: {  	[dreg:$0x2] =	wrdreg s2  }
0xb4: {  	[dreg:$0x3] =	wrdreg s18  }
0xb5: {  	[dreg:$0x4] =	wrdreg s4  }
0xb6: {  	[dreg:$0x5] =	wrdreg s5  }
0xb7: {  	[dreg:$0x6] =	wrdreg s6  }
0xb8: {  	[dreg:$0x7] =	wrdreg s7  }
0xb9: {  	[dreg:$0x8] =	wrdreg s24  }
0xba: {  	[dreg:$0x9] =	wrdreg $0x9  }
0xbb: {  	_ =	task.clear_ibuf [dreg:s12], $0xAFFFF;
	_ =	strace $0x90000046  }
0xbc: {  	s29 =	simm.s32 $0x9;
	_ =	strace $0x80000048  }
0xbd: {  	_ =	swait.ge [sflag:s29], $0x1  }
0xbe: {  	[sflag:s29] =	ssyncadd.s32 $0xFFFFFFFF  }
0xbf: {  	_ =	strace $0x90000048  }
0xc0: {  	_ =	sfence  }
0xc1: {  	s30 =	sld [smem:$0x0];
	_ =	sdelay $0x2  }
0xc2: {  	s31 =	sshll.u32 s1, $0xD;
	s1 =	sshrl.u32 s1, $0x2  }
0xc3: {  	s3 =	sand.u32 $0x4000, s31;
	s1 =	sadd.s32 s1, s30  }
0xc4: {  	s0 =	sor.u32 s3, s0;
	s1 =	sshll.u32 s1, $0x11  }
0xc5: {  	s0 =	sor.u32 s1, s0  }
0xc6: {  	s0 =	sadd.s32 $0x8F2B, s0  }
0xc7: {  	[sflag:s0] =	ssyncadd.remote.s32 $0x1  }
0xc8: {  	_ =	sfence.sel $0xFFFF  }
0xc9: {  	[dreg:$0x0] =	wrdreg $0xFFFFFFFF;
	(pc) =	sbr.abs _section_cstart, $3  }
0xca: {  	[dreg:$0x1] =	wrdreg $0xFFFFFFFF  }
0xcb: {  	_ =	task.clear_ibuf [dreg:s12], $0x2FFFF;
	_ =	strace $0x9FFFFFFF  }
0xcc: {  	(tm) =	ssettm $0x7FFFFFFF  }
0xcd: {  	_ =	shalt  }
tec
execute0_lowered:
.L_overlay_start_1:
0x0: {  	(tag) =	ssettag $0x1  }
0x1: {  	s0 =	rddreg [dreg:$0x0]  }
0x2: {  	s2 =	rddreg [dreg:$0x1]  }
0x3: {  	s1 =	rddreg [dreg:$0x4]  }
0x4: {  	s3 =	rddreg [dreg:$0x5]  }
0x5: {  	s4 =	rddreg [dreg:$0x6]  }
0x6: {  	s5 =	srdreg.scid;
	s13 =	stileid.u32  }
0x7: {  	s6 =	simm.s32 $0x0;
	s12 =	simm.s32 $0x1;
	s28 =	simm.s32 $0xA  }
0x8: {  	s30 =	simm.s32 $0x40;
	s5 =	sand.u32 $0x1, s5;
	s7 =	sshll.u32 s13, $0x1  }
0x9: {  	s29 =	simm.s32 $0x300;
	[smem:$0x7FF] =	sst s6;
	s8 =	sor.u32 s5, s7  }
0xa: {  	_ =	strace $0x80000047;
	p1 =	seq.s32 s5, $0x1;
	s5 =	ssub.s32 $0x2, s5  }
0xb: {  	s9 =	sshll.u32 s8, $0x3;
	p0 =	seq.s32 s8, $0x0;
	s7 =	sshll.u32 s8, $0x1  }
0xc: {  	s11 =	sshrl.u32 s5, $0x1;
	s24 =	sshll.u32 s8, $0x10;
	s8 =	sshll.u32 s8, $0x13  }
0xd: {  	s10 =	sadd.s32 s9, s4;
	p0 =	por !p0, !p1;
	s4 =	sadd.s32 s7, s4  }
0xe: {  	s5 =	ssub.s32 s5, s11;
	s7 =	simm.s32 $0x1;
	s25 =	sadd.s32 s0, s24  }
0xf: {  	s26 =	sor.u32 $0x800, s24;
	s1 =	sadd.s32 s1, s9;
	s15 =	sadd.s32 s3, s9  }
0x10: {  	s9 =	simm.s32 $0x7;
	s11 =	simm.s32 $0x2;
	[dreg:$0x8] =	wrdreg s25  }
0x11: {  	p0 =	por !p0, !p0;
	s31 =	sadd.s32 s0, s26;
	[dreg:$0xc] =	wrdreg s1  }
0x12: {  	s14 =	sadd.s32 s2, s26;
	[dreg:$0xd] =	wrdreg s15;
	s15 =	sor.u32 $0xC000, s8  }
0x13: {  	s26 =	sadd.s32 $0x2A00, s4;
	s18 =	sadd.s32 $0x2000, s10;
	s19 =	sadd.s32 $0x2200, s10  }
0x14: {  	s20 =	sadd.s32 $0x2400, s10;
	s21 =	sadd.s32 $0x2600, s10;
	s22 =	smax.u32 s5, $0x1  }
0x15: {  	s25 =	simm.s32 $0x4500;
	s4 =	simm.s32 $0x6;
	[dreg:$0xa] =	wrdreg s31  }
0x16: {  	s1 =	simm.s32 $0x3;
	s5 =	simm.s32 $0x5;
	[dreg:$0xb] =	wrdreg s14  }
0x17: {  	s12 =	simm.s32 @!p0 $0x0;
	s14 =	sor.u32 $0x8000, s8;
	[dreg:$0xe] =	wrdreg s26  }
.Ltmp0:
0x18: {  	s31 =	sadd.s32 $0x2800, s10;
	s26 =	simm.s32 $0xC500;
	(pc) =	sbr.rel .LBB2_1-.Ltmp0, $4  }
0x19: {  	s8 =	simm.s32 $0x8;
	s10 =	simm.s32 $0x9;
	s23 =	ssub.s32 s13, s12  }
0x1a: {  	s12 =	sadd.s32 s2, s24;
	s16 =	sshll.u32 s23, $0xF;
	s17 =	smul.u32 $0x50, s23  }
0x1b: {  	[dreg:$0xf] =	wrdreg s31;
	s24 =	simm.s32 $0x280;
	s23 =	sor.u32 $0x4000, s16  }
0x1c: {  	s13 =	simm.s32 $0x0;
	[dreg:$0x9] =	wrdreg s12;
	s12 =	simm.s32 $0x4;
	v1 =	vmov s16;
	v0 =	vmov s17;
	v2 =	vmov s23  }
.LBB2_8:
0x1d: {  	[tilespmem:$0x10500] =	vst v3;
	s3 =	rddreg [dreg:$0xe];
	s16 =	simm.s32 $0x10500  }
0x1e: {  	[hbm4b:s3+s6] =	stream.linear.scatter [tilespmem:s16], [sflag:$0xA], $0x10, $0x38;
	[tilespmem:$0x10580] =	vst v63  }
0x1f: {  	_ =	swait.ge [sflag:s28], $0x10  }
0x20: {  	[sflag:s28] =	ssyncset.done $0x0  }
0x21: {  	[sflag:s28] =	ssyncadd.s32 $0xFFFFFFF0  }
0x22: {  	_ =	swait.ge [sflag:s7], $0x40  }
0x23: {  	[sflag:s7] =	ssyncset.done $0x0  }
0x24: {  	s24 =	simm.s32 $0x280;
	s16 =	rddreg [dreg:$0xf];
	[sflag:s7] =	ssyncadd.s32 $0xFFFFFFC0  }
0x25: {  	[hbm4b:s16+s6] =	stream.linear.scatter [tilespmem:s24], [sflag:$0xA], $0x40, $0x38;
	[tilespmem:$0x10580] =	vst v63  }
0x26: {  	_ =	swait.ge [sflag:s28], $0x40  }
0x27: {  	[sflag:s28] =	ssyncset.done $0x0  }
0x28: {  	[sflag:s28] =	ssyncadd.s32 $0xFFFFFFC0  }
0x29: {  	_ =	swait.ge [sflag:s11], $0x40  }
0x2a: {  	[sflag:s11] =	ssyncset.done $0x0  }
0x2b: {  	s29 =	simm.s32 $0x300;
	[sflag:s11] =	ssyncadd.s32 $0xFFFFFFC0  }
0x2c: {  	[hbm4b:s18+s6] =	stream.linear.scatter [tilespmem:s29], [sflag:$0xA], $0x40, $0x38;
	[tilespmem:$0x10580] =	vst v63  }
0x2d: {  	_ =	swait.ge [sflag:s28], $0x40  }
0x2e: {  	[sflag:s28] =	ssyncset.done $0x0  }
0x2f: {  	[sflag:s28] =	ssyncadd.s32 $0xFFFFFFC0  }
0x30: {  	_ =	swait.ge [sflag:s1], $0x40  }
0x31: {  	[sflag:s1] =	ssyncset.done $0x0  }
0x32: {  	s23 =	simm.s32 $0x380;
	[sflag:s1] =	ssyncadd.s32 $0xFFFFFFC0  }
0x33: {  	[hbm4b:s19+s6] =	stream.linear.scatter [tilespmem:s23], [sflag:$0xA], $0x40, $0x38;
	[tilespmem:$0x10580] =	vst v63  }
0x34: {  	_ =	swait.ge [sflag:s28], $0x40  }
0x35: {  	[sflag:s28] =	ssyncset.done $0x0  }
0x36: {  	[sflag:s28] =	ssyncadd.s32 $0xFFFFFFC0  }
0x37: {  	_ =	swait.ge [sflag:s12], $0x40  }
0x38: {  	[sflag:s12] =	ssyncset.done $0x0  }
0x39: {  	s31 =	simm.s32 $0x400;
	[sflag:s12] =	ssyncadd.s32 $0xFFFFFFC0  }
0x3a: {  	[hbm4b:s20+s6] =	stream.linear.scatter [tilespmem:s31], [sflag:$0xA], $0x40, $0x38;
	[tilespmem:$0x10580] =	vst v63  }
0x3b: {  	_ =	swait.ge [sflag:s28], $0x40  }
0x3c: {  	[sflag:s28] =	ssyncset.done $0x0  }
0x3d: {  	[sflag:s28] =	ssyncadd.s32 $0xFFFFFFC0  }
0x3e: {  	s13 =	sadd.s32 $0x1, s13;
	_ =	swait.ge [sflag:s5], $0x40  }
0x3f: {  	p0 =	sne.s32 s13, s22;
	[sflag:s5] =	ssyncset.done $0x0  }
.Ltmp1:
0x40: {  	[sflag:s5] =	ssyncadd.s32 $0xFFFFFFC0;
	(pc) =	sbr.rel @!p0 .LBB2_9-.Ltmp1, $4  }
0x41: {  	[hbm4b:s21+s6] =	stream.linear.scatter [tilespmem:s17], [sflag:$0xA], $0x40, $0x38;
	[tilespmem:$0x10580] =	vst v63  }
0x42: {  	_ =	swait.ge [sflag:s28], $0x40  }
0x43: {  	[sflag:s28] =	ssyncset.done $0x0  }
0x44: {  	[sflag:s28] =	ssyncadd.s32 $0xFFFFFFC0  }
.LBB2_1:
0x45: {  	s3 =	rddreg [dreg:$0x8];
	s16 =	simm.s32 $0x500  }
0x46: {  	[tilespmem:s16], [sflag:$0x6] =	stream.linear.gather [hbm4b:s3+s6], $0x4000, $0x38;
	[tilespmem:$0x10580] =	vst v63  }
0x47: {  	s23 =	simm.s32 $0x8500;
	s16 =	rddreg [dreg:$0x9]  }
0x48: {  	[tilespmem:s23], [sflag:$0x8] =	stream.linear.gather [hbm4b:s16+s6], $0x4000, $0x38;
	[tilespmem:$0x10580] =	vst v63  }
0x49: {  	s23 =	rddreg [dreg:$0xa]  }
0x4a: {  	[tilespmem:s25], [sflag:$0x7] =	stream.linear.gather [hbm4b:s23+s6], $0x4000, $0x38;
	[tilespmem:$0x10580] =	vst v63  }
0x4b: {  	s16 =	rddreg [dreg:$0xb]  }
0x4c: {  	[tilespmem:s26], [sflag:$0x9] =	stream.linear.gather [hbm4b:s16+s6], $0x4000, $0x38;
	[tilespmem:$0x10580] =	vst v63  }
0x4d: {  	s23 =	rddreg [dreg:$0xc]  }
0x4e: {  	[tilespmem:s6], [sflag:$0xA] =	stream.linear.gather [hbm4b:s23+s6], $0x40, $0x38;
	[tilespmem:$0x10580] =	vst v63  }
0x4f: {  	_ =	swait.ge [sflag:s28], $0x40  }
0x50: {  	[sflag:s28] =	ssyncset.done $0x0  }
0x51: {  	s23 =	simm.s32 $0x80;
	s16 =	rddreg [dreg:$0xd];
	[sflag:s28] =	ssyncadd.s32 $0xFFFFFFC0  }
0x52: {  	[tilespmem:s23], [sflag:$0xA] =	stream.linear.gather [hbm4b:s16+s6], $0x40, $0x38;
	[tilespmem:$0x10580] =	vst v63  }
0x53: {  	_ =	swait.ge [sflag:s28], $0x40  }
0x54: {  	[sflag:s28] =	ssyncset.done $0x0  }
0x55: {  	[sflag:s28] =	ssyncadd.s32 $0xFFFFFFC0  }
0x56: {  	v3 =	vld [tilespmem:$0x80];
	_ =	sdelay $0x1  }
0x57: {  	v4 =	vld [tilespmem:$0x0]  }
0x58: {  	v5 =	vld [tilespmem:$0x90];
	_ =	sdelay $0x1  }
0x59: {  	v6 =	vld [tilespmem:$0x10];
	v3 =	vadd.s32 v0, v3  }
0x5a: {  	v7 =	vld [tilespmem:$0xA0];
	v3 =	vshll.u32 v3, $0xE  }
0x5b: {  	v3 =	vadd.s32 v4, v3  }
0x5c: {  	v8 =	vld [tilespmem:$0x20];
	v5 =	vadd.s32 v0, v5;
	[tilespmem:$0x100] =	vst v3;
	v3 =	vadd.s32 v1, v4  }
0x5d: {  	[tilespmem:$0x180] =	vst v3;
	v3 =	vadd.s32 v2, v4;
	v4 =	vshll.u32 v5, $0xE;
	v5 =	vld [tilespmem:$0xB0]  }
0x5e: {  	[tilespmem:$0x200] =	vst v3;
	v3 =	vadd.s32 v6, v4  }
0x5f: {  	v63 =	vld [tilespmem:$0x30];
	v4 =	vadd.s32 v0, v7;
	[tilespmem:$0x110] =	vst v3;
	v3 =	vadd.s32 v1, v6  }
0x60: {  	v4 =	vshll.u32 v4, $0xE;
	[tilespmem:$0x190] =	vst v3;
	v3 =	vadd.s32 v2, v6  }
0x61: {  	[tilespmem:$0x210] =	vst v3;
	v3 =	vadd.s32 v8, v4  }
0x62: {  	[tilespmem:$0x120] =	vst v3;
	v3 =	vadd.s32 v1, v8;
	v4 =	vadd.s32 v0, v5  }
0x63: {  	[tilespmem:$0x1A0] =	vst v3;
	v3 =	vadd.s32 v2, v8;
	v4 =	vshll.u32 v4, $0xE  }
0x64: {  	[tilespmem:$0x220] =	vst v3;
	v3 =	vadd.s32 v63, v4  }
0x65: {  	[tilespmem:$0x130] =	vst v3;
	v3 =	vadd.s32 v1, v63  }
0x66: {  	[tilespmem:$0x1B0] =	vst v3;
	v3 =	vadd.s32 v2, v63  }
0x67: {  	s23 =	simm.s32 $0x100;
	[tilespmem:$0x230] =	vst v3  }
0x68: {  	[tilespmem:s24], [sflag:$0x1] =	stream.indirect.gather [hbm4b:s0+s30], $0x1, s23, s30, $0xb8;
	[tilespmem:$0x10580] =	vst v63  }
0x69: {  	s16 =	rddreg [dreg:$0x2];
	s24 =	simm.s32 $0x180  }
0x6a: {  	[tilespmem:s29], [sflag:$0x2] =	stream.indirect.gather [hbm4b:s16+s30], $0x1, s24, s30, $0xb8;
	[tilespmem:$0x10580] =	vst v63  }
0x6b: {  	s31 =	simm.s32 $0x380;
	s23 =	simm.s32 $0x200  }
0x6c: {  	[tilespmem:s31], [sflag:$0x3] =	stream.indirect.gather [hbm4b:s16+s30], $0x1, s23, s30, $0xb8;
	[tilespmem:$0x10580] =	vst v63  }
0x6d: {  	s17 =	simm.s32 $0x400;
	s31 =	rddreg [dreg:$0x3]  }
0x6e: {  	[tilespmem:s17], [sflag:$0x4] =	stream.indirect.gather [hbm4b:s31+s30], $0x1, s24, s30, $0xb8;
	[tilespmem:$0x10580] =	vst v63  }
0x6f: {  	s17 =	simm.s32 $0x480  }
0x70: {  	[tilespmem:s17], [sflag:$0x5] =	stream.indirect.gather [hbm4b:s31+s30], $0x1, s23, s30, $0xb8;
	[tilespmem:$0x10580] =	vst v63  }
0x71: {  	v3 =	vimm.f32 $0.0e+00;
	s23 =	simm.s32 $0x0  }
.LBB2_2:
0x72: {  	_ =	swait.ge [sflag:s4], $0x4000  }
0x73: {  	[sflag:s4] =	ssyncset.done $0x0  }
0x74: {  	[sflag:s4] =	ssyncadd.s32 $0xFFFFC000  }
0x75: {  	_ =	swait.ge [sflag:s8], $0x4000  }
0x76: {  	[sflag:s8] =	ssyncset.done $0x0  }
0x77: {  	s24 =	simm.s32 $0x0;
	[sflag:s8] =	ssyncadd.s32 $0xFFFFC000  }
0x78: {  	v4 =	vld [tilespmem:s24+$0x550];
	_ =	sdelay $0x2  }
0x79: {  	v5 =	vld [tilespmem:s24+$0x530]  }
0x7a: {  	v6 =	vld [tilespmem:s24+$0x500]  }
0x7b: {  	v7 =	vld [tilespmem:s24+$0x570];
	v4 =	vmul.f32 $1.442695020e+00, v4;
	_ =	sdelay $0x1  }
0x7c: {  	v9 =	vld [tilespmem:s24+$0x520];
	(erf) = vpow2.f32 v4  }
0x7d: {  	v5 =	vmul.f32 $1.442695020e+00, v5;
	v4 =	vld [tilespmem:s24+$0x510]  }
0x7e: {  	v8 =	vld [tilespmem:s24+$0x560];
	v6 =	vmul.f32 $1.442695020e+00, v6  }
0x7f: {  	v7 =	vmul.f32 $1.442695020e+00, v7;
	(erf) = vpow2.f32 v5  }
0x80: {  	v10 =	vld [tilespmem:s24+$0x540];
	(erf) = vpow2.f32 v6  }
0x81: {  	v5 =	vld [tilespmem:s24+$0x8500];
	(erf) = vpow2.f32 v7  }
0x82: {  	v7 =	vmul.f32 $1.442695020e+00, v9;
	v9 =	vld [tilespmem:s24+$0x8540];
	v4 =	vmul.f32 $1.442695020e+00, v4  }
0x83: {  	v8 =	vmul.f32 $1.442695020e+00, v8;
	v6 =	vld [tilespmem:s24+$0x8550]  }
0x84: {  	v11 =	vld [tilespmem:s24+$0x8510];
	(erf) = vpow2.f32 v4  }
0x85: {  	v10 =	vmul.f32 $1.442695020e+00, v10;
	v12 =	vpop (erf);
	(erf) = vpow2.f32 v8  }
0x86: {  	v4 =	vld [tilespmem:s24+$0x8530];
	v12 =	vadd.f32 $1.000000000e+00, v12;
	(erf) = vpow2.f32 v7  }
0x87: {  	v9 =	vsub.f32 $1.000000000e+00, v9;
	v8 =	vld [tilespmem:s24+$0x8570];
	(erf) = vpow2.f32 v10  }
0x88: {  	v5 =	vsub.f32 $1.000000000e+00, v5;
	v6 =	vsub.f32 $1.000000000e+00, v6;
	v7 =	vld [tilespmem:s24+$0x8520];
	(erf) = vrcp.f32 v12  }
0x89: {  	v9 =	vmul.f32 v9, v9;
	v10 =	vsub.f32 $1.000000000e+00, v11;
	v11 =	vld [tilespmem:s24+$0x8560]  }
0x8a: {  	v5 =	vmul.f32 v5, v5;
	v12 =	vpop (erf)  }
0x8b: {  	v4 =	vsub.f32 $1.000000000e+00, v4;
	v9 =	vmul.f32 v9, v9;
	v12 =	vadd.f32 $1.000000000e+00, v12;
	v13 =	vpop (erf)  }
0x8c: {  	v15 =	vmul.f32 v10, v10;
	v10 =	vmul.f32 v6, v6;
	v8 =	vsub.f32 $1.000000000e+00, v8;
	v6 =	vpop (erf)  }
0x8d: {  	v7 =	vsub.f32 $1.000000000e+00, v7;
	v6 =	vadd.f32 $1.000000000e+00, v6;
	v14 =	vpop (erf);
	(erf) = vrcp.f32 v12  }
0x8e: {  	v12 =	vadd.f32 $1.000000000e+00, v14;
	v14 =	vmul.f32 v4, v4;
	v4 =	vsub.f32 $1.000000000e+00, v11;
	v11 =	vpop (erf)  }
0x8f: {  	v24 =	vmul.f32 v15, v15;
	v13 =	vadd.f32 $1.000000000e+00, v13;
	(erf) = vrcp.f32 v6;
	v16 =	vpop (erf)  }
0x90: {  	v7 =	vmul.f32 v7, v7;
	v6 =	vmul.f32 v5, v5;
	v11 =	vadd.f32 $1.000000000e+00, v11;
	v5 =	vpop (erf)  }
0x91: {  	(erf) = vrcp.f32 v12;
	v12 =	vadd.f32 $1.000000000e+00, v16;
	v16 =	vadd.f32 $1.000000000e+00, v5;
	v5 =	vpop (erf)  }
0x92: {  	v4 =	vmul.f32 v4, v4;
	(erf) = vrcp.f32 v13;
	v13 =	vmax.f32 v5, $9.999999740e-05  }
0x93: {  	v8 =	vmul.f32 v8, v8;
	v5 =	vmul.f32 v7, v7;
	v7 =	vmin.f32 v13, $9.998999830e-01  }
0x94: {  	(erf) = vrcp.f32 v11;
	v4 =	vmul.f32 v4, v4;
	v13 =	vsub.f32 $1.000000000e+00, v7  }
0x95: {  	(erf) = vrcp.f32 v16;
	v11 =	vshra.s32 v7, $0x17;
	v7 =	vand.u32 $0x7FFFFF, v7  }
0x96: {  	(erf) = vrcp.f32 v12;
	v11 =	vadd.s32 $0xFFFFFF81, v11;
	v7 =	vor.u32 $0x3F800000, v7  }
0x97: {  	v11 =	vcvt.s32.f32 v11;
	v12 =	vpop (erf);
	v21 =	vadd.f32 $-1.000000000e+00, v7;
	v7 =	vmul.f32 v8, v8  }
0x98: {  	v8 =	vmul.f32 v14, v14;
	v14 =	vmul.f32 v13, v13;
	v13 =	vpop (erf)  }
0x99: {  	v12 =	vmax.f32 v12, $9.999999740e-05;
	v16 =	vmul.f32 $5.643762650e-02, v21;
	v13 =	vmax.f32 v13, $9.999999740e-05  }
0x9a: {  	v11 =	vmul.f32 $6.931471820e-01, v11;
	v12 =	vmin.f32 v12, $9.998999830e-01;
	v15 =	vpop (erf);
	v13 =	vmin.f32 v13, $9.998999830e-01  }
0x9b: {  	v15 =	vmax.f32 v15, $9.999999740e-05;
	v33 =	vsub.f32 $2.223311070e-01, v16;
	v16 =	vand.u32 $0x7FFFFF, v12  }
0x9c: {  	v18 =	vpop (erf);
	v20 =	vshra.s32 v13, $0x17;
	v17 =	vand.u32 $0x7FFFFF, v13;
	v28 =	vmin.f32 v15, $9.998999830e-01  }
0x9d: {  	v15 =	vmax.f32 v18, $9.999999740e-05;
	v16 =	vor.u32 $0x3F800000, v16;
	v26 =	vor.u32 $0x3F800000, v17  }
0x9e: {  	v18 =	vpop (erf);
	v17 =	vand.u32 $0x7FFFFF, v28;
	v22 =	vmin.f32 v15, $9.998999830e-01;
	v23 =	vshra.s32 v28, $0x17  }
0x9f: {  	v18 =	vmax.f32 v18, $9.999999740e-05;
	v37 =	vadd.f32 $-1.000000000e+00, v16;
	v33 =	vmul.f32 v33, v21  }
0xa0: {  	v28 =	vsub.f32 $1.000000000e+00, v28;
	v15 =	vor.u32 $0x3F800000, v17;
	v19 =	vand.u32 $0x7FFFFF, v22  }
0xa1: {  	v25 =	vshra.s32 v22, $0x17;
	v35 =	vadd.s32 $0xFFFFFF81, v23;
	v51 =	vsub.f32 $1.000000000e+00, v22  }
0xa2: {  	v26 =	vadd.f32 $-1.000000000e+00, v26;
	v29 =	vadd.f32 $-1.000000000e+00, v15;
	v15 =	vmin.f32 v18, $9.998999830e-01  }
0xa3: {  	v30 =	vor.u32 $0x3F800000, v19;
	v25 =	vadd.s32 $0xFFFFFF81, v25;
	v39 =	vmul.f32 $5.643762650e-02, v37  }
0xa4: {  	v35 =	vcvt.s32.f32 v35;
	v33 =	vadd.f32 $-4.702288210e-01, v33;
	v56 =	vmul.f32 v28, v28  }
0xa5: {  	v17 =	vpop (erf);
	v19 =	vsub.f32 $1.000000000e+00, v15;
	v34 =	vand.u32 $0x7FFFFF, v15;
	v22 =	vcvt.s32.f32 v25  }
0xa6: {  	v55 =	vmul.f32 $5.643762650e-02, v26;
	v17 =	vmax.f32 v17, $9.999999740e-05;
	v18 =	vpop (erf);
	v39 =	vsub.f32 $2.223311070e-01, v39  }
0xa7: {  	v33 =	vmul.f32 v33, v21;
	v35 =	vmul.f32 $6.931471820e-01, v35;
	v18 =	vmax.f32 v18, $9.999999740e-05  }
0xa8: {  	v36 =	vmin.f32 v17, $9.998999830e-01;
	v31 =	vmin.f32 v18, $9.998999830e-01;
	v18 =	vmul.f32 $5.643762650e-02, v29  }
0xa9: {  	v57 =	vsub.f32 $2.223311070e-01, v55;
	v17 =	vand.u32 $0x7FFFFF, v36;
	v39 =	vmul.f32 v39, v37  }
0xaa: {  	v33 =	vadd.f32 $9.974678150e-01, v33;
	v27 =	vand.u32 $0x7FFFFF, v31;
	v18 =	vsub.f32 $2.223311070e-01, v18  }
0xab: {  	v17 =	vor.u32 $0x3F800000, v17;
	v32 =	vshra.s32 v31, $0x17;
	v59 =	vsub.f32 $1.000000000e+00, v31  }
0xac: {  	v63 =	vmul.f32 v57, v26;
	v17 =	vadd.f32 $-1.000000000e+00, v17;
	v18 =	vmul.f32 v18, v29  }
0xad: {  	v16 =	vor.u32 $0x3F800000, v27;
	v27 =	vor.u32 $0x3F800000, v34;
	v32 =	vadd.s32 $0xFFFFFF81, v32  }
0xae: {  	v23 =	vadd.f32 $-1.000000000e+00, v16;
	v16 =	vshra.s32 v12, $0x17;
	v25 =	vadd.f32 $-4.702288210e-01, v18  }
0xaf: {  	v40 =	vadd.f32 $-1.000000000e+00, v27;
	v32 =	vcvt.s32.f32 v32;
	v38 =	vmul.f32 $5.643762650e-02, v17  }
0xb0: {  	v41 =	vadd.s32 $0xFFFFFF81, v16;
	v16 =	vmul.f32 v51, v51;
	v25 =	vmul.f32 v25, v29  }
0xb1: {  	v54 =	vadd.f32 $-4.702288210e-01, v39;
	v42 =	vmul.f32 $5.643762650e-02, v23;
	v52 =	vmul.f32 $5.643762650e-02, v40  }
0xb2: {  	v18 =	vmul.f32 $6.931471820e-01, v22;
	v22 =	vadd.f32 $-1.000000000e+00, v30;
	v53 =	vadd.f32 $9.974678150e-01, v25  }
0xb3: {  	v41 =	vcvt.s32.f32 v41;
	v30 =	vsub.f32 $2.223311070e-01, v42;
	v34 =	vsub.f32 $2.223311070e-01, v52  }
0xb4: {  	v27 =	vshra.s32 v36, $0x17;
	v58 =	vmul.f32 $5.643762650e-02, v22;
	v29 =	vmul.f32 v53, v29  }
0xb5: {  	v30 =	vmul.f32 v30, v23;
	v34 =	vmul.f32 v34, v40;
	v25 =	vsub.f32 $1.000000000e+00, v12  }
0xb6: {  	v12 =	vadd.s32 $0xFFFFFF81, v20;
	v20 =	vmul.f32 $6.931471820e-01, v32;
	v29 =	vadd.f32 $8.395525580e-06, v29  }
0xb7: {  	v32 =	vsub.f32 $2.223311070e-01, v58;
	v30 =	vadd.f32 $-4.702288210e-01, v30;
	v28 =	vcvt.s32.f32 v12  }
0xb8: {  	v12 =	vmul.f32 v33, v21;
	v21 =	vmul.f32 v54, v37;
	v29 =	vadd.f32 v29, v35  }
0xb9: {  	v62 =	vmul.f32 v32, v22;
	v60 =	vmul.f32 v30, v23;
	v30 =	vadd.f32 $-4.702288210e-01, v34  }
0xba: {  	v36 =	vsub.f32 $1.000000000e+00, v36;
	v32 =	vmul.f32 $6.931471820e-01, v41;
	v29 =	vmul.f32 v29, v56  }
0xbb: {  	v12 =	vadd.f32 $8.395525580e-06, v12;
	v61 =	vmul.f32 v30, v40;
	v30 =	vsub.f32 $1.000000000e+00, v13  }
0xbc: {  	v34 =	vadd.f32 $9.974678150e-01, v60;
	v31 =	vmul.f32 v29, v24;
	v24 =	vadd.f32 $9.974678150e-01, v21  }
0xbd: {  	v35 =	vadd.f32 $-4.702288210e-01, v62;
	v21 =	vmul.f32 v59, v59;
	v29 =	vsub.f32 $2.223311070e-01, v38  }
0xbe: {  	v38 =	vadd.f32 $-4.702288210e-01, v63;
	v13 =	vmul.f32 v24, v37;
	v24 =	vadd.f32 $9.974678150e-01, v61  }
0xbf: {  	v39 =	vmul.f32 v29, v17;
	v37 =	vadd.f32 v12, v11;
	v12 =	vimm.f32 $0.0e+00  }
0xc0: {  	v11 =	vimm.f32 $0.0e+00;
	v33 =	vadd.f32 $8.395525580e-06, v13;
	v29 =	vmul.f32 v24, v40  }
0xc1: {  	s24 =	simm.s32 $0x200;
	v24 =	vmul.f32 v10, v10;
	v13 =	vimm.f32 $0.0e+00;
	v10 =	vimm.f32 $0.0e+00  }
.LBB2_3:
0xc2: {  	s29 =	sshra.s32 s24, $0x2;
	p0 =	sne.s32 s24, $0xFE00;
	s24 =	sadd.s32 $0x200, s24;
	v35 =	vmul.f32 v35, v22;
	v39 =	vadd.f32 $-4.702288210e-01, v39;
	v14 =	vmul.f32 v37, v14  }
0xc3: {  	v27 =	vadd.s32 $0xFFFFFF81, v27;
	v37 =	vld [tilespmem:s29+$0x8510];
	v36 =	vmul.f32 v36, v36;
	v38 =	vmul.f32 v38, v26  }
0xc4: {  	v27 =	vcvt.s32.f32 v27;
	v40 =	vld [tilespmem:s29+$0x8500];
	v35 =	vadd.f32 $9.974678150e-01, v35;
	v39 =	vmul.f32 v39, v17  }
0xc5: {  	v23 =	vmul.f32 v34, v23;
	v15 =	vshra.s32 v15, $0x17;
	v41 =	vld [tilespmem:s29+$0x550];
	v34 =	vadd.f32 $9.974678150e-01, v38  }
0xc6: {  	v19 =	vmul.f32 v19, v19;
	v30 =	vmul.f32 v30, v30;
	v38 =	vld [tilespmem:s29+$0x570];
	v39 =	vadd.f32 $9.974678150e-01, v39  }
0xc7: {  	v13 =	vadd.f32 v31, v13;
	v31 =	vadd.f32 v33, v32;
	v14 =	vmul.f32 v14, v24;
	v42 =	vld [tilespmem:s29+$0x530]  }
0xc8: {  	v15 =	vadd.s32 $0xFFFFFF81, v15;
	v27 =	vmul.f32 $6.931471820e-01, v27;
	v26 =	vmul.f32 v34, v26;
	v24 =	vld [tilespmem:s29+$0x500]  }
0xc9: {  	v25 =	vmul.f32 v25, v25;
	v22 =	vmul.f32 v35, v22;
	v13 =	vadd.f32 v14, v13;
	v32 =	vld [tilespmem:s29+$0x560]  }
0xca: {  	v17 =	vmul.f32 v39, v17;
	v26 =	vadd.f32 $8.395525580e-06, v26;
	v14 =	vld [tilespmem:s29+$0x510];
	v33 =	vmul.f32 $1.442695020e+00, v41  }
0xcb: {  	v28 =	vmul.f32 $6.931471820e-01, v28;
	v25 =	vmul.f32 v31, v25;
	v34 =	vsub.f32 $1.000000000e+00, v37;
	v35 =	vld [tilespmem:s29+$0x520]  }
0xcc: {  	v15 =	vcvt.s32.f32 v15;
	v17 =	vadd.f32 $8.395525580e-06, v17;
	v31 =	vmul.f32 $1.442695020e+00, v42  }
0xcd: {  	v37 =	vsub.f32 $1.000000000e+00, v40;
	v24 =	vmul.f32 $1.442695020e+00, v24;
	(erf) = vpow2.f32 v33  }
0xce: {  	v22 =	vadd.f32 $8.395525580e-06, v22;
	v38 =	vmul.f32 $1.442695020e+00, v38;
	v17 =	vadd.f32 v17, v27;
	v33 =	vld [tilespmem:s29+$0x8550]  }
0xcf: {  	v15 =	vmul.f32 $6.931471820e-01, v15;
	v27 =	vadd.f32 $8.395525580e-06, v29;
	v14 =	vmul.f32 $1.442695020e+00, v14  }
0xd0: {  	v18 =	vadd.f32 v22, v18;
	v22 =	vadd.f32 $8.395525580e-06, v23;
	v29 =	vmul.f32 $1.442695020e+00, v35;
	v35 =	vld [tilespmem:s29+$0x8540]  }
0xd1: {  	v17 =	vmul.f32 v17, v36;
	v15 =	vadd.f32 v27, v15;
	v23 =	vld [tilespmem:s29+$0x540];
	(erf) = vpow2.f32 v31  }
0xd2: {  	v16 =	vmul.f32 v18, v16;
	v18 =	vadd.f32 v22, v20;
	v31 =	vmul.f32 $1.442695020e+00, v32;
	v27 =	vld [tilespmem:s29+$0x8530]  }
0xd3: {  	v9 =	vmul.f32 v17, v9;
	v17 =	vadd.f32 v26, v28;
	(erf) = vpow2.f32 v24  }
0xd4: {  	v6 =	vmul.f32 v16, v6;
	v20 =	vsub.f32 $1.000000000e+00, v33;
	(erf) = vpow2.f32 v38  }
0xd5: {  	v16 =	vmul.f32 v37, v37;
	v22 =	vsub.f32 $1.000000000e+00, v35;
	v24 =	vld [tilespmem:s29+$0x8570];
	(erf) = vpow2.f32 v14  }
0xd6: {  	v8 =	vmul.f32 v25, v8;
	v6 =	vadd.f32 v6, v12;
	v14 =	vmul.f32 $1.442695020e+00, v23;
	v23 =	vpop (erf)  }
0xd7: {  	v12 =	vmul.f32 v17, v30;
	v25 =	vsub.f32 $1.000000000e+00, v27;
	(erf) = vpow2.f32 v31  }
0xd8: {  	v18 =	vmul.f32 v18, v21;
	v23 =	vadd.f32 $1.000000000e+00, v23;
	v17 =	vld [tilespmem:s29+$0x8520];
	(erf) = vpow2.f32 v29  }
0xd9: {  	v26 =	vadd.f32 v8, v11;
	v7 =	vmul.f32 v12, v7;
	(erf) = vpow2.f32 v14  }
0xda: {  	v5 =	vmul.f32 v18, v5;
	v14 =	vsub.f32 $1.000000000e+00, v24;
	v21 =	vpop (erf);
	(erf) = vrcp.f32 v23  }
0xdb: {  	v12 =	vadd.f32 v9, v6;
	v6 =	vmul.f32 v15, v19;
	v11 =	vadd.f32 v7, v26;
	v18 =	vld [tilespmem:s29+$0x8560]  }
0xdc: {  	v5 =	vadd.f32 v5, v10;
	v15 =	vmul.f32 v34, v34;
	v7 =	vadd.f32 $1.000000000e+00, v21;
	v8 =	vpop (erf)  }
0xdd: {  	v4 =	vmul.f32 v6, v4;
	v24 =	vmul.f32 v20, v20;
	v9 =	vsub.f32 $1.000000000e+00, v17;
	v10 =	vpop (erf)  }
0xde: {  	v17 =	vmul.f32 v22, v22;
	v6 =	vadd.f32 $1.000000000e+00, v10;
	v10 =	vpop (erf);
	(erf) = vrcp.f32 v7  }
0xdf: {  	v19 =	vmul.f32 v25, v25;
	v20 =	vadd.f32 $1.000000000e+00, v10;
	v10 =	vadd.f32 v4, v5  }
0xe0: {  	v14 =	vmul.f32 v14, v14;
	v4 =	vsub.f32 $1.000000000e+00, v18;
	v5 =	vpop (erf);
	(erf) = vrcp.f32 v6  }
0xe1: {  	v21 =	vadd.f32 $1.000000000e+00, v8;
	v6 =	vmul.f32 v16, v16;
	v16 =	vadd.f32 $1.000000000e+00, v5;
	v5 =	vpop (erf)  }
0xe2: {  	v18 =	vadd.f32 $1.000000000e+00, v5;
	v5 =	vmul.f32 v9, v9;
	(erf) = vrcp.f32 v20;
	v7 =	vpop (erf)  }
0xe3: {  	v4 =	vmul.f32 v4, v4;
	v7 =	vadd.f32 $1.000000000e+00, v7;
	(erf) = vrcp.f32 v21;
	v8 =	vpop (erf)  }
0xe4: {  	v5 =	vmul.f32 v5, v5;
	v8 =	vmax.f32 v8, $9.999999740e-05;
	(erf) = vrcp.f32 v16  }
0xe5: {  	v4 =	vmul.f32 v4, v4;
	v8 =	vmin.f32 v8, $9.998999830e-01;
	(erf) = vrcp.f32 v7  }
0xe6: {  	v9 =	vsub.f32 $1.000000000e+00, v8;
	v7 =	vshra.s32 v8, $0x17;
	v8 =	vand.u32 $0x7FFFFF, v8  }
0xe7: {  	v7 =	vadd.s32 $0xFFFFFF81, v7;
	v8 =	vor.u32 $0x3F800000, v8;
	(erf) = vrcp.f32 v18;
	v16 =	vpop (erf)  }
0xe8: {  	v18 =	vcvt.s32.f32 v7;
	v31 =	vadd.f32 $-1.000000000e+00, v8;
	v7 =	vmul.f32 v14, v14  }
0xe9: {  	v16 =	vmax.f32 v16, $9.999999740e-05;
	v8 =	vmul.f32 v19, v19;
	v14 =	vmul.f32 v9, v9;
	v19 =	vpop (erf)  }
0xea: {  	v9 =	vmul.f32 v17, v17;
	v29 =	vmul.f32 $6.931471820e-01, v18;
	v17 =	vmax.f32 v19, $9.999999740e-05  }
0xeb: {  	v21 =	vmul.f32 v15, v15;
	v18 =	vmul.f32 $5.643762650e-02, v31;
	v30 =	vmin.f32 v17, $9.998999830e-01;
	v15 =	vpop (erf)  }
0xec: {  	v22 =	vmax.f32 v15, $9.999999740e-05;
	v20 =	vshra.s32 v30, $0x17;
	v17 =	vand.u32 $0x7FFFFF, v30;
	v19 =	vpop (erf)  }
0xed: {  	v25 =	vmax.f32 v19, $9.999999740e-05;
	v28 =	vmin.f32 v22, $9.998999830e-01;
	v26 =	vor.u32 $0x3F800000, v17;
	v15 =	vpop (erf)  }
0xee: {  	v22 =	vmin.f32 v25, $9.998999830e-01;
	v23 =	vshra.s32 v28, $0x17;
	v17 =	vand.u32 $0x7FFFFF, v28;
	v19 =	vpop (erf)  }
0xef: {  	v15 =	vmax.f32 v15, $9.999999740e-05;
	v25 =	vand.u32 $0x7FFFFF, v22;
	v17 =	vor.u32 $0x3F800000, v17  }
0xf0: {  	v15 =	vmin.f32 v15, $9.998999830e-01;
	v32 =	vadd.f32 $-1.000000000e+00, v17;
	v17 =	vmax.f32 v19, $9.999999740e-05;
	v19 =	vpop (erf)  }
0xf1: {  	v33 =	vmin.f32 v16, $9.998999830e-01;
	v27 =	vshra.s32 v22, $0x17;
	v19 =	vmax.f32 v19, $9.999999740e-05  }
0xf2: {  	v16 =	vor.u32 $0x3F800000, v25;
	v36 =	vmin.f32 v17, $9.998999830e-01;
	v34 =	vmin.f32 v19, $9.998999830e-01  }
0xf3: {  	v25 =	vmul.f32 $5.643762650e-02, v32;
	v17 =	vand.u32 $0x7FFFFF, v36;
	v35 =	vand.u32 $0x7FFFFF, v34  }
0xf4: {  	v38 =	vsub.f32 $2.223311070e-01, v18;
	v37 =	vshra.s32 v34, $0x17;
	v17 =	vor.u32 $0x3F800000, v17  }
0xf5: {  	v18 =	vand.u32 $0x7FFFFF, v33;
	v19 =	vsub.f32 $1.000000000e+00, v15;
	v17 =	vadd.f32 $-1.000000000e+00, v17  }
0xf6: {  	v18 =	vor.u32 $0x3F800000, v18;
	v39 =	vand.u32 $0x7FFFFF, v15;
	v25 =	vsub.f32 $2.223311070e-01, v25  }
0xf7: {  	v41 =	vadd.f32 $-1.000000000e+00, v18;
	v40 =	vadd.s32 $0xFFFFFF81, v23;
	v27 =	vadd.s32 $0xFFFFFF81, v27  }
0xf8: {  	v39 =	vor.u32 $0x3F800000, v39;
	v18 =	vor.u32 $0x3F800000, v35;
	v35 =	vmul.f32 $5.643762650e-02, v17  }
0xf9: {  	v23 =	vadd.f32 $-1.000000000e+00, v18;
	v18 =	vshra.s32 v33, $0x17;
	v25 =	vmul.f32 v25, v32  }
0xfa: {  	v42 =	vsub.f32 $1.000000000e+00, v22;
	v43 =	vmul.f32 $5.643762650e-02, v41;
	v44 =	vadd.f32 $-1.000000000e+00, v39  }
0xfb: {  	v39 =	vcvt.s32.f32 v27;
	v45 =	vadd.s32 $0xFFFFFF81, v18;
	v25 =	vadd.f32 $-4.702288210e-01, v25  }
0xfc: {  	v40 =	vcvt.s32.f32 v40;
	v27 =	vshra.s32 v36, $0x17;
	v46 =	vmul.f32 $5.643762650e-02, v23  }
0xfd: {  	v22 =	vadd.f32 $-1.000000000e+00, v16;
	v16 =	vmul.f32 v42, v42;
	v18 =	vmul.f32 $6.931471820e-01, v39  }
0xfe: {  	v42 =	vmul.f32 $5.643762650e-02, v44;
	v39 =	vsub.f32 $2.223311070e-01, v46;
	v25 =	vmul.f32 v25, v32  }
0xff: {  	v43 =	vsub.f32 $2.223311070e-01, v43;
	v37 =	vadd.s32 $0xFFFFFF81, v37;
	v45 =	vcvt.s32.f32 v45  }
0x100: {  	v38 =	vmul.f32 v38, v31;
	v42 =	vsub.f32 $2.223311070e-01, v42;
	v39 =	vmul.f32 v39, v23  }
0x101: {  	v43 =	vmul.f32 v43, v41;
	v37 =	vcvt.s32.f32 v37;
	v46 =	vadd.f32 $9.974678150e-01, v25  }
0x102: {  	v25 =	vsub.f32 $1.000000000e+00, v33;
	v33 =	vadd.f32 $-4.702288210e-01, v38;
	v38 =	vadd.s32 $0xFFFFFF81, v20  }
0x103: {  	v26 =	vadd.f32 $-1.000000000e+00, v26;
	v20 =	vmul.f32 $6.931471820e-01, v37;
	v32 =	vmul.f32 v46, v32  }
0x104: {  	v28 =	vsub.f32 $1.000000000e+00, v28;
	v37 =	vadd.f32 $-4.702288210e-01, v43;
	v33 =	vmul.f32 v33, v31  }
0x105: {  	v40 =	vmul.f32 $6.931471820e-01, v40;
	v39 =	vadd.f32 $-4.702288210e-01, v39;
	v32 =	vadd.f32 $8.395525580e-06, v32  }
0x106: {  	v42 =	vmul.f32 v42, v44;
	v43 =	vmul.f32 $5.643762650e-02, v26;
	v33 =	vadd.f32 $9.974678150e-01, v33  }
0x107: {  	v32 =	vadd.f32 v32, v40;
	v40 =	vmul.f32 v28, v28;
	v28 =	vcvt.s32.f32 v38  }
0x108: {  	v37 =	vmul.f32 v37, v41;
	v31 =	vmul.f32 v33, v31;
	v33 =	vsub.f32 $2.223311070e-01, v43  }
0x109: {  	v34 =	vsub.f32 $1.000000000e+00, v34;
	v38 =	vmul.f32 $5.643762650e-02, v22;
	v32 =	vmul.f32 v32, v40  }
0x10a: {  	v42 =	vadd.f32 $-4.702288210e-01, v42;
	v39 =	vmul.f32 v39, v23;
	v40 =	vadd.f32 $8.395525580e-06, v31  }
0x10b: {  	v37 =	vadd.f32 $9.974678150e-01, v37;
	v38 =	vsub.f32 $2.223311070e-01, v38;
	v31 =	vmul.f32 v32, v21  }
0x10c: {  	v43 =	vsub.f32 $2.223311070e-01, v35;
	v35 =	vmul.f32 v42, v44;
	v21 =	vmul.f32 v34, v34  }
.Ltmp2:
0x10d: {  	v30 =	vsub.f32 $1.000000000e+00, v30;
	v38 =	vmul.f32 v38, v22;
	v32 =	vmul.f32 $6.931471820e-01, v45;
	(pc) =	sbr.rel @p0 .LBB2_3-.Ltmp2, $4  }
0x10e: {  	v37 =	vmul.f32 v37, v41;
	v41 =	vadd.f32 $9.974678150e-01, v35;
	v34 =	vadd.f32 $9.974678150e-01, v39  }
0x10f: {  	v39 =	vmul.f32 v43, v17;
	v35 =	vadd.f32 $-4.702288210e-01, v38;
	v38 =	vmul.f32 v33, v26  }
0x110: {  	v33 =	vadd.f32 $8.395525580e-06, v37;
	v37 =	vadd.f32 v40, v29;
	v29 =	vmul.f32 v41, v44  }
0x111: {  	v24 =	vmul.f32 v24, v24;
	v36 =	vsub.f32 $1.000000000e+00, v36;
	v38 =	vadd.f32 $-4.702288210e-01, v38  }
0x112: {  	s24 =	sshll.u32 s23, $0xF;
	p0 =	seq.s32 s23, $0xF  }
0x113: {  	s29 =	sadd.s32 @!p0 s24, s14  }
0x114: {  	s29 =	sshrl.u32 @!p0 s29, $0x3  }
0x115: {  	s3 =	simm.s32 @!p0 $0x0;
	s16 =	simm.s32 @!p0 $0x500;
	s31 =	sadd.s32 @!p0 s0, s29  }
0x116: {  	v39 =	vadd.f32 $-4.702288210e-01, v39;
	[tilespmem:s16], [sflag:$0x6] =	stream.linear.gather @!p0 [hbm4b:s31+s3], $0x4000, $0x38;
	[tilespmem:$0x10580] =	vst v63  }
0x117: {  	v35 =	vmul.f32 v35, v22;
	v14 =	vmul.f32 v37, v14;
	s16 =	sadd.s32 @!p0 s2, s29;
	s29 =	simm.s32 @!p0 $0x8500  }
0x118: {  	v27 =	vadd.s32 $0xFFFFFF81, v27;
	v23 =	vmul.f32 v34, v23;
	v39 =	vmul.f32 v39, v17;
	[tilespmem:s29], [sflag:$0x8] =	stream.linear.gather @!p0 [hbm4b:s16+s3], $0x4000, $0x38;
	[tilespmem:$0x10580] =	vst v63  }
0x119: {  	v15 =	vshra.s32 v15, $0x17;
	v19 =	vmul.f32 v19, v19;
	v35 =	vadd.f32 $9.974678150e-01, v35;
	_ =	swait.ge [sflag:s9], $0x4000  }
0x11a: {  	v30 =	vmul.f32 v30, v30;
	v13 =	vadd.f32 v31, v13;
	v61 =	vadd.f32 $9.974678150e-01, v39;
	[sflag:s9] =	ssyncset.done $0x0  }
0x11b: {  	v31 =	vadd.f32 v33, v32;
	v60 =	vmul.f32 v38, v26;
	v22 =	vmul.f32 v35, v22;
	[sflag:s9] =	ssyncadd.s32 $0xFFFFC000  }
0x11c: {  	v27 =	vcvt.s32.f32 v27;
	v15 =	vadd.s32 $0xFFFFFF81, v15;
	v17 =	vmul.f32 v61, v17;
	_ =	swait.ge [sflag:s10], $0x4000  }
0x11d: {  	v14 =	vmul.f32 v14, v24;
	v62 =	vadd.f32 $9.974678150e-01, v60;
	v22 =	vadd.f32 $8.395525580e-06, v22;
	[sflag:s10] =	ssyncset.done $0x0  }
0x11e: {  	v24 =	vmul.f32 v25, v25;
	v27 =	vmul.f32 $6.931471820e-01, v27;
	s29 =	simm.s32 $0x0;
	v17 =	vadd.f32 $8.395525580e-06, v17;
	[sflag:s10] =	ssyncadd.s32 $0xFFFFC000  }
0x11f: {  	v15 =	vcvt.s32.f32 v15;
	v25 =	vmul.f32 v62, v26;
	v18 =	vadd.f32 v22, v18;
	v26 =	vld [tilespmem:s29+$0x4550]  }
0x120: {  	v36 =	vmul.f32 v36, v36;
	v24 =	vmul.f32 v31, v24;
	v17 =	vadd.f32 v17, v27  }
0x121: {  	v23 =	vadd.f32 $8.395525580e-06, v23;
	v15 =	vmul.f32 $6.931471820e-01, v15;
	v16 =	vmul.f32 v18, v16  }
0x122: {  	v22 =	vadd.f32 $8.395525580e-06, v25;
	v27 =	vmul.f32 $6.931471820e-01, v28;
	v17 =	vmul.f32 v17, v36  }
0x123: {  	v20 =	vadd.f32 v23, v20;
	v25 =	vadd.f32 $8.395525580e-06, v29;
	v6 =	vmul.f32 v16, v6;
	v18 =	vld [tilespmem:s29+$0x4530]  }
0x124: {  	v16 =	vld [tilespmem:s29+$0x4500];
	v9 =	vmul.f32 v17, v9;
	v17 =	vadd.f32 v22, v27;
	v22 =	vmul.f32 $1.442695020e+00, v26  }
0x125: {  	v8 =	vmul.f32 v24, v8;
	v20 =	vmul.f32 v20, v21;
	v15 =	vadd.f32 v25, v15;
	v23 =	vld [tilespmem:s29+$0x4570]  }
0x126: {  	v21 =	vld [tilespmem:s29+$0x4510];
	v17 =	vmul.f32 v17, v30;
	(erf) = vpow2.f32 v22  }
0x127: {  	v13 =	vadd.f32 v14, v13;
	v5 =	vmul.f32 v20, v5;
	v14 =	vmul.f32 v15, v19  }
0x128: {  	v6 =	vadd.f32 v6, v12;
	v12 =	vld [tilespmem:s29+$0x4560];
	v7 =	vmul.f32 v17, v7;
	v17 =	vmul.f32 $1.442695020e+00, v18  }
0x129: {  	v8 =	vadd.f32 v8, v11;
	v11 =	vld [tilespmem:s29+$0x4520];
	v4 =	vmul.f32 v14, v4;
	v14 =	vmul.f32 $1.442695020e+00, v16  }
0x12a: {  	v6 =	vadd.f32 v9, v6;
	v9 =	vmul.f32 $1.442695020e+00, v23;
	v16 =	vld [tilespmem:s29+$0x4540];
	(erf) = vpow2.f32 v17  }
0x12b: {  	v15 =	vld [tilespmem:s29+$0xC510];
	v17 =	vmul.f32 $1.442695020e+00, v21;
	(erf) = vpow2.f32 v14  }
0x12c: {  	v5 =	vadd.f32 v5, v10;
	v10 =	vld [tilespmem:s29+$0xC500];
	v6 =	vadd.f32 v13, v6;
	(erf) = vpow2.f32 v9  }
0x12d: {  	v7 =	vadd.f32 v7, v8;
	v8 =	vld [tilespmem:s29+$0xC550];
	v9 =	vmul.f32 $1.442695020e+00, v12;
	(erf) = vpow2.f32 v17  }
0x12e: {  	v4 =	vadd.f32 v4, v5;
	v5 =	vld [tilespmem:s29+$0xC540];
	v3 =	vadd.f32 v6, v3;
	v6 =	vmul.f32 $1.442695020e+00, v11  }
0x12f: {  	v11 =	vld [tilespmem:s29+$0xC530];
	v12 =	vmul.f32 $1.442695020e+00, v16;
	v13 =	vpop (erf);
	(erf) = vpow2.f32 v9;
	_ =	sdelay $0x1  }
0x130: {  	v10 =	vsub.f32 $1.000000000e+00, v10;
	v13 =	vadd.f32 $1.000000000e+00, v13;
	(erf) = vpow2.f32 v6  }
0x131: {  	v4 =	vadd.f32 v7, v4;
	v7 =	vld [tilespmem:s29+$0xC570];
	v8 =	vsub.f32 $1.000000000e+00, v8;
	(erf) = vpow2.f32 v12  }
0x132: {  	v9 =	vld [tilespmem:s29+$0xC520];
	v6 =	vsub.f32 $1.000000000e+00, v15;
	v12 =	vpop (erf);
	(erf) = vrcp.f32 v13  }
0x133: {  	v10 =	vmul.f32 v10, v10;
	v5 =	vsub.f32 $1.000000000e+00, v5;
	v14 =	vsub.f32 $1.000000000e+00, v11;
	v13 =	vld [tilespmem:s29+$0xC560];
	v15 =	vpop (erf)  }
0x134: {  	v3 =	vadd.f32 v4, v3;
	v16 =	vmul.f32 v6, v6;
	v6 =	vadd.f32 $1.000000000e+00, v12;
	v12 =	vpop (erf)  }
0x135: {  	v17 =	vmul.f32 v5, v5;
	v11 =	vmul.f32 v8, v8;
	v5 =	vadd.f32 $1.000000000e+00, v12;
	v8 =	vpop (erf)  }
0x136: {  	v7 =	vsub.f32 $1.000000000e+00, v7;
	(erf) = vrcp.f32 v6;
	v6 =	vadd.f32 $1.000000000e+00, v8  }
0x137: {  	v12 =	vmul.f32 v14, v14;
	v14 =	vpop (erf);
	(erf) = vrcp.f32 v5;
	v5 =	vadd.f32 $1.000000000e+00, v15  }
0x138: {  	v9 =	vsub.f32 $1.000000000e+00, v9;
	v24 =	vmul.f32 v16, v16;
	v8 =	vsub.f32 $1.000000000e+00, v13  }
0x139: {  	v13 =	vmul.f32 v7, v7;
	v7 =	vmul.f32 v10, v10;
	v10 =	vadd.f32 $1.000000000e+00, v14;
	v14 =	vpop (erf)  }
0x13a: {  	v4 =	vimm.f32 $0.0e+00;
	v9 =	vmul.f32 v9, v9;
	(erf) = vrcp.f32 v6;
	v6 =	vpop (erf)  }
0x13b: {  	v8 =	vmul.f32 v8, v8;
	v14 =	vadd.f32 $1.000000000e+00, v14;
	(erf) = vrcp.f32 v5;
	v5 =	vpop (erf)  }
0x13c: {  	v15 =	vadd.f32 $1.000000000e+00, v6;
	v6 =	vmul.f32 v9, v9;
	v5 =	vmax.f32 v5, $9.999999740e-05  }
0x13d: {  	(erf) = vrcp.f32 v10;
	v9 =	vmin.f32 v5, $9.998999830e-01;
	v5 =	vmul.f32 v8, v8  }
0x13e: {  	v10 =	vsub.f32 $1.000000000e+00, v9;
	v8 =	vshra.s32 v9, $0x17;
	v9 =	vand.u32 $0x7FFFFF, v9  }
0x13f: {  	(erf) = vrcp.f32 v15;
	v8 =	vadd.s32 $0xFFFFFF81, v8;
	v9 =	vor.u32 $0x3F800000, v9  }
0x140: {  	(erf) = vrcp.f32 v14;
	v14 =	vpop (erf);
	v15 =	vcvt.s32.f32 v8;
	v21 =	vadd.f32 $-1.000000000e+00, v9  }
0x141: {  	v8 =	vmul.f32 v13, v13;
	v13 =	vmax.f32 v14, $9.999999740e-05;
	v9 =	vmul.f32 v12, v12;
	v12 =	vpop (erf)  }
0x142: {  	v14 =	vmul.f32 v10, v10;
	v10 =	vmul.f32 v17, v17;
	v12 =	vmax.f32 v12, $9.999999740e-05  }
0x143: {  	v13 =	vmin.f32 v13, $9.998999830e-01;
	v29 =	vmul.f32 $6.931471820e-01, v15;
	v16 =	vmul.f32 $5.643762650e-02, v21  }
0x144: {  	v12 =	vmin.f32 v12, $9.998999830e-01;
	v26 =	vand.u32 $0x7FFFFF, v13;
	v50 =	vshra.s32 v13, $0x17  }
0x145: {  	v20 =	vshra.s32 v12, $0x17;
	v17 =	vand.u32 $0x7FFFFF, v12;
	v26 =	vor.u32 $0x3F800000, v26  }
0x146: {  	v35 =	vadd.s32 $0xFFFFFF81, v50;
	v15 =	vpop (erf);
	v27 =	vor.u32 $0x3F800000, v17;
	v46 =	vsub.f32 $2.223311070e-01, v16  }
0x147: {  	v48 =	vadd.f32 $-1.000000000e+00, v26;
	v35 =	vcvt.s32.f32 v35;
	v54 =	vadd.s32 $0xFFFFFF81, v20;
	v18 =	vpop (erf)  }
0x148: {  	v15 =	vmax.f32 v15, $9.999999740e-05;
	v27 =	vadd.f32 $-1.000000000e+00, v27;
	v18 =	vmax.f32 v18, $9.999999740e-05  }
0x149: {  	v28 =	vmin.f32 v15, $9.998999830e-01;
	v51 =	vmul.f32 $5.643762650e-02, v48;
	v34 =	vmul.f32 v46, v21  }
0x14a: {  	v17 =	vmin.f32 v18, $9.998999830e-01;
	v18 =	vshra.s32 v28, $0x17;
	v19 =	vand.u32 $0x7FFFFF, v28  }
0x14b: {  	v28 =	vsub.f32 $1.000000000e+00, v28;
	v57 =	vmul.f32 $5.643762650e-02, v27;
	v23 =	vand.u32 $0x7FFFFF, v17  }
0x14c: {  	v15 =	vpop (erf);
	v19 =	vor.u32 $0x3F800000, v19;
	v25 =	vshra.s32 v17, $0x17;
	v18 =	vadd.s32 $0xFFFFFF81, v18  }
0x14d: {  	v17 =	vsub.f32 $1.000000000e+00, v17;
	v39 =	vsub.f32 $2.223311070e-01, v51;
	v15 =	vmax.f32 v15, $9.999999740e-05  }
0x14e: {  	v30 =	vadd.f32 $-1.000000000e+00, v19;
	v31 =	vor.u32 $0x3F800000, v23;
	v42 =	vcvt.s32.f32 v18  }
0x14f: {  	v22 =	vpop (erf);
	v25 =	vadd.s32 $0xFFFFFF81, v25;
	v58 =	vmul.f32 v28, v28;
	v28 =	vcvt.s32.f32 v54  }
0x150: {  	v19 =	vmax.f32 v22, $9.999999740e-05;
	v15 =	vmin.f32 v15, $9.998999830e-01;
	v22 =	vpop (erf);
	v25 =	vcvt.s32.f32 v25  }
0x151: {  	v17 =	vmul.f32 v17, v17;
	v39 =	vmul.f32 v39, v48;
	v22 =	vmax.f32 v22, $9.999999740e-05  }
0x152: {  	v37 =	vmin.f32 v19, $9.998999830e-01;
	v63 =	vmin.f32 v22, $9.998999830e-01;
	v22 =	vmul.f32 $5.643762650e-02, v30  }
0x153: {  	v47 =	vand.u32 $0x7FFFFF, v15;
	v56 =	vmul.f32 $6.931471820e-01, v42;
	v19 =	vand.u32 $0x7FFFFF, v37  }
0x154: {  	v26 =	vor.u32 $0x3F800000, v47;
	v18 =	vmul.f32 $6.931471820e-01, v25;
	v22 =	vsub.f32 $2.223311070e-01, v22  }
0x155: {  	v55 =	vadd.f32 $-4.702288210e-01, v39;
	v23 =	vand.u32 $0x7FFFFF, v63;
	v45 =	vshra.s32 v63, $0x17  }
0x156: {  	v40 =	vadd.f32 $-1.000000000e+00, v26;
	v23 =	vor.u32 $0x3F800000, v23;
	v22 =	vmul.f32 v22, v30  }
0x157: {  	v19 =	vor.u32 $0x3F800000, v19;
	v32 =	vsub.f32 $1.000000000e+00, v63;
	v23 =	vadd.f32 $-1.000000000e+00, v23  }
0x158: {  	v26 =	vshra.s32 v37, $0x17;
	v16 =	vadd.f32 $-1.000000000e+00, v19;
	v41 =	vadd.f32 $-4.702288210e-01, v22  }
0x159: {  	v33 =	vadd.s32 $0xFFFFFF81, v45;
	v52 =	vmul.f32 $5.643762650e-02, v40;
	v43 =	vmul.f32 $5.643762650e-02, v23  }
0x15a: {  	v37 =	vsub.f32 $1.000000000e+00, v37;
	v33 =	vcvt.s32.f32 v33;
	v25 =	vmul.f32 v41, v30  }
0x15b: {  	v49 =	vmul.f32 $5.643762650e-02, v16;
	v22 =	vadd.f32 $-1.000000000e+00, v31;
	v31 =	vsub.f32 $2.223311070e-01, v43  }
0x15c: {  	v20 =	vmul.f32 $6.931471820e-01, v33;
	v41 =	vsub.f32 $2.223311070e-01, v52;
	v53 =	vadd.f32 $9.974678150e-01, v25  }
0x15d: {  	v33 =	vmul.f32 v55, v48;
	v25 =	vsub.f32 $1.000000000e+00, v13;
	v13 =	vadd.f32 $-4.702288210e-01, v34  }
0x15e: {  	v19 =	vsub.f32 $1.000000000e+00, v15;
	v31 =	vmul.f32 v31, v23;
	v30 =	vmul.f32 v53, v30  }
0x15f: {  	v38 =	vsub.f32 $2.223311070e-01, v49;
	v41 =	vmul.f32 v41, v40;
	v13 =	vmul.f32 v13, v21  }
0x160: {  	v59 =	vmul.f32 $5.643762650e-02, v22;
	v31 =	vadd.f32 $-4.702288210e-01, v31;
	v30 =	vadd.f32 $8.395525580e-06, v30  }
0x161: {  	v36 =	vmul.f32 v38, v16;
	v41 =	vadd.f32 $-4.702288210e-01, v41;
	v13 =	vadd.f32 $9.974678150e-01, v13  }
0x162: {  	v34 =	vsub.f32 $2.223311070e-01, v59;
	v60 =	vmul.f32 v31, v23;
	v30 =	vadd.f32 v30, v56  }
0x163: {  	v41 =	vmul.f32 v41, v40;
	v13 =	vmul.f32 v13, v21;
	v21 =	vsub.f32 $2.223311070e-01, v57  }
0x164: {  	v33 =	vadd.f32 $9.974678150e-01, v33;
	v61 =	vmul.f32 v34, v22;
	v30 =	vmul.f32 v30, v58  }
0x165: {  	v34 =	vadd.f32 $9.974678150e-01, v60;
	v62 =	vadd.f32 $9.974678150e-01, v41;
	v63 =	vmul.f32 v21, v27  }
0x166: {  	v13 =	vadd.f32 $8.395525580e-06, v13;
	v21 =	vmul.f32 v11, v11;
	v31 =	vmul.f32 v30, v24  }
0x167: {  	v11 =	vimm.f32 $0.0e+00;
	v24 =	vmul.f32 v32, v32;
	v32 =	vmul.f32 $6.931471820e-01, v35  }
0x168: {  	v30 =	vsub.f32 $1.000000000e+00, v12;
	v12 =	vmul.f32 v33, v48;
	v35 =	vadd.f32 $-4.702288210e-01, v61  }
0x169: {  	v38 =	vadd.f32 v13, v29;
	v29 =	vmul.f32 v62, v40;
	v39 =	vadd.f32 $-4.702288210e-01, v63  }
0x16a: {  	s29 =	simm.s32 $0x200;
	v13 =	vimm.f32 $0.0e+00;
	v33 =	vadd.f32 $8.395525580e-06, v12;
	v12 =	vimm.f32 $0.0e+00  }
.LBB2_5:
0x16b: {  	s31 =	sshra.s32 s29, $0x2;
	p1 =	sne.s32 s29, $0xFE00;
	s29 =	sadd.s32 $0x200, s29;
	v35 =	vmul.f32 v35, v22;
	v36 =	vadd.f32 $-4.702288210e-01, v36;
	v14 =	vmul.f32 v38, v14  }
0x16c: {  	v26 =	vadd.s32 $0xFFFFFF81, v26;
	v38 =	vld [tilespmem:s31+$0xC510];
	v37 =	vmul.f32 v37, v37;
	v39 =	vmul.f32 v39, v27  }
0x16d: {  	v26 =	vcvt.s32.f32 v26;
	v40 =	vld [tilespmem:s31+$0xC500];
	v35 =	vadd.f32 $9.974678150e-01, v35;
	v36 =	vmul.f32 v36, v16  }
0x16e: {  	v23 =	vmul.f32 v34, v23;
	v15 =	vshra.s32 v15, $0x17;
	v41 =	vld [tilespmem:s31+$0x4550];
	v34 =	vadd.f32 $9.974678150e-01, v39  }
0x16f: {  	v19 =	vmul.f32 v19, v19;
	v30 =	vmul.f32 v30, v30;
	v39 =	vld [tilespmem:s31+$0x4570];
	v36 =	vadd.f32 $9.974678150e-01, v36  }
0x170: {  	v4 =	vadd.f32 v31, v4;
	v31 =	vadd.f32 v33, v32;
	v14 =	vmul.f32 v14, v21;
	v42 =	vld [tilespmem:s31+$0x4530]  }
0x171: {  	v15 =	vadd.s32 $0xFFFFFF81, v15;
	v26 =	vmul.f32 $6.931471820e-01, v26;
	v27 =	vmul.f32 v34, v27;
	v21 =	vld [tilespmem:s31+$0x4500]  }
0x172: {  	v25 =	vmul.f32 v25, v25;
	v22 =	vmul.f32 v35, v22;
	v4 =	vadd.f32 v14, v4;
	v32 =	vld [tilespmem:s31+$0x4560]  }
0x173: {  	v16 =	vmul.f32 v36, v16;
	v27 =	vadd.f32 $8.395525580e-06, v27;
	v14 =	vld [tilespmem:s31+$0x4510];
	v33 =	vmul.f32 $1.442695020e+00, v41  }
0x174: {  	v28 =	vmul.f32 $6.931471820e-01, v28;
	v25 =	vmul.f32 v31, v25;
	v34 =	vsub.f32 $1.000000000e+00, v38;
	v35 =	vld [tilespmem:s31+$0x4520]  }
0x175: {  	v15 =	vcvt.s32.f32 v15;
	v16 =	vadd.f32 $8.395525580e-06, v16;
	v31 =	vmul.f32 $1.442695020e+00, v42  }
0x176: {  	v36 =	vsub.f32 $1.000000000e+00, v40;
	v21 =	vmul.f32 $1.442695020e+00, v21;
	(erf) = vpow2.f32 v33  }
0x177: {  	v22 =	vadd.f32 $8.395525580e-06, v22;
	v38 =	vmul.f32 $1.442695020e+00, v39;
	v16 =	vadd.f32 v16, v26;
	v33 =	vld [tilespmem:s31+$0xC550]  }
0x178: {  	v15 =	vmul.f32 $6.931471820e-01, v15;
	v26 =	vadd.f32 $8.395525580e-06, v29;
	v14 =	vmul.f32 $1.442695020e+00, v14  }
0x179: {  	v18 =	vadd.f32 v22, v18;
	v22 =	vadd.f32 $8.395525580e-06, v23;
	v29 =	vmul.f32 $1.442695020e+00, v35;
	v35 =	vld [tilespmem:s31+$0xC540]  }
0x17a: {  	v16 =	vmul.f32 v16, v37;
	v15 =	vadd.f32 v26, v15;
	v23 =	vld [tilespmem:s31+$0x4540];
	(erf) = vpow2.f32 v31  }
0x17b: {  	v17 =	vmul.f32 v18, v17;
	v18 =	vadd.f32 v22, v20;
	v31 =	vmul.f32 $1.442695020e+00, v32;
	v26 =	vld [tilespmem:s31+$0xC530]  }
0x17c: {  	v10 =	vmul.f32 v16, v10;
	v16 =	vadd.f32 v27, v28;
	(erf) = vpow2.f32 v21  }
0x17d: {  	v7 =	vmul.f32 v17, v7;
	v20 =	vsub.f32 $1.000000000e+00, v33;
	(erf) = vpow2.f32 v38  }
0x17e: {  	v17 =	vmul.f32 v36, v36;
	v22 =	vsub.f32 $1.000000000e+00, v35;
	v21 =	vld [tilespmem:s31+$0xC570];
	(erf) = vpow2.f32 v14  }
0x17f: {  	v9 =	vmul.f32 v25, v9;
	v7 =	vadd.f32 v7, v13;
	v14 =	vmul.f32 $1.442695020e+00, v23;
	v23 =	vpop (erf)  }
0x180: {  	v13 =	vmul.f32 v16, v30;
	v25 =	vsub.f32 $1.000000000e+00, v26;
	(erf) = vpow2.f32 v31  }
0x181: {  	v18 =	vmul.f32 v18, v24;
	v23 =	vadd.f32 $1.000000000e+00, v23;
	v16 =	vld [tilespmem:s31+$0xC520];
	(erf) = vpow2.f32 v29  }
0x182: {  	v24 =	vadd.f32 v9, v11;
	v8 =	vmul.f32 v13, v8;
	(erf) = vpow2.f32 v14  }
0x183: {  	v6 =	vmul.f32 v18, v6;
	v14 =	vsub.f32 $1.000000000e+00, v21;
	v21 =	vpop (erf);
	(erf) = vrcp.f32 v23  }
0x184: {  	v13 =	vadd.f32 v10, v7;
	v7 =	vmul.f32 v15, v19;
	v11 =	vadd.f32 v8, v24;
	v18 =	vld [tilespmem:s31+$0xC560]  }
0x185: {  	v6 =	vadd.f32 v6, v12;
	v15 =	vmul.f32 v34, v34;
	v8 =	vadd.f32 $1.000000000e+00, v21;
	v9 =	vpop (erf)  }
0x186: {  	v5 =	vmul.f32 v7, v5;
	v21 =	vmul.f32 v20, v20;
	v10 =	vsub.f32 $1.000000000e+00, v16;
	v12 =	vpop (erf)  }
0x187: {  	v16 =	vmul.f32 v22, v22;
	v7 =	vadd.f32 $1.000000000e+00, v12;
	v12 =	vpop (erf);
	(erf) = vrcp.f32 v8  }
0x188: {  	v19 =	vmul.f32 v25, v25;
	v20 =	vadd.f32 $1.000000000e+00, v12;
	v12 =	vadd.f32 v5, v6  }
0x189: {  	v14 =	vmul.f32 v14, v14;
	v5 =	vsub.f32 $1.000000000e+00, v18;
	v6 =	vpop (erf);
	(erf) = vrcp.f32 v7  }
0x18a: {  	v22 =	vadd.f32 $1.000000000e+00, v9;
	v7 =	vmul.f32 v17, v17;
	v17 =	vadd.f32 $1.000000000e+00, v6;
	v6 =	vpop (erf)  }
0x18b: {  	v18 =	vadd.f32 $1.000000000e+00, v6;
	v6 =	vmul.f32 v10, v10;
	(erf) = vrcp.f32 v20;
	v8 =	vpop (erf)  }
0x18c: {  	v5 =	vmul.f32 v5, v5;
	v8 =	vadd.f32 $1.000000000e+00, v8;
	(erf) = vrcp.f32 v22;
	v9 =	vpop (erf)  }
0x18d: {  	v6 =	vmul.f32 v6, v6;
	v9 =	vmax.f32 v9, $9.999999740e-05;
	(erf) = vrcp.f32 v17  }
0x18e: {  	v5 =	vmul.f32 v5, v5;
	v9 =	vmin.f32 v9, $9.998999830e-01;
	(erf) = vrcp.f32 v8  }
0x18f: {  	v10 =	vsub.f32 $1.000000000e+00, v9;
	v8 =	vshra.s32 v9, $0x17;
	v9 =	vand.u32 $0x7FFFFF, v9  }
0x190: {  	v8 =	vadd.s32 $0xFFFFFF81, v8;
	v9 =	vor.u32 $0x3F800000, v9;
	(erf) = vrcp.f32 v18;
	v17 =	vpop (erf)  }
0x191: {  	v18 =	vcvt.s32.f32 v8;
	v31 =	vadd.f32 $-1.000000000e+00, v9;
	v8 =	vmul.f32 v14, v14  }
0x192: {  	v17 =	vmax.f32 v17, $9.999999740e-05;
	v9 =	vmul.f32 v19, v19;
	v14 =	vmul.f32 v10, v10;
	v19 =	vpop (erf)  }
0x193: {  	v10 =	vmul.f32 v16, v16;
	v29 =	vmul.f32 $6.931471820e-01, v18;
	v16 =	vmax.f32 v19, $9.999999740e-05  }
0x194: {  	v24 =	vmul.f32 v15, v15;
	v18 =	vmul.f32 $5.643762650e-02, v31;
	v30 =	vmin.f32 v16, $9.998999830e-01;
	v15 =	vpop (erf)  }
0x195: {  	v22 =	vmax.f32 v15, $9.999999740e-05;
	v20 =	vshra.s32 v30, $0x17;
	v16 =	vand.u32 $0x7FFFFF, v30;
	v19 =	vpop (erf)  }
0x196: {  	v25 =	vmax.f32 v19, $9.999999740e-05;
	v28 =	vmin.f32 v22, $9.998999830e-01;
	v27 =	vor.u32 $0x3F800000, v16;
	v15 =	vpop (erf)  }
0x197: {  	v22 =	vmin.f32 v25, $9.998999830e-01;
	v23 =	vshra.s32 v28, $0x17;
	v16 =	vand.u32 $0x7FFFFF, v28;
	v19 =	vpop (erf)  }
0x198: {  	v15 =	vmax.f32 v15, $9.999999740e-05;
	v25 =	vand.u32 $0x7FFFFF, v22;
	v16 =	vor.u32 $0x3F800000, v16  }
0x199: {  	v15 =	vmin.f32 v15, $9.998999830e-01;
	v32 =	vadd.f32 $-1.000000000e+00, v16;
	v16 =	vmax.f32 v19, $9.999999740e-05;
	v19 =	vpop (erf)  }
0x19a: {  	v33 =	vmin.f32 v17, $9.998999830e-01;
	v26 =	vshra.s32 v22, $0x17;
	v19 =	vmax.f32 v19, $9.999999740e-05  }
0x19b: {  	v17 =	vor.u32 $0x3F800000, v25;
	v37 =	vmin.f32 v16, $9.998999830e-01;
	v34 =	vmin.f32 v19, $9.998999830e-01  }
0x19c: {  	v25 =	vmul.f32 $5.643762650e-02, v32;
	v16 =	vand.u32 $0x7FFFFF, v37;
	v35 =	vand.u32 $0x7FFFFF, v34  }
0x19d: {  	v38 =	vsub.f32 $2.223311070e-01, v18;
	v36 =	vshra.s32 v34, $0x17;
	v16 =	vor.u32 $0x3F800000, v16  }
0x19e: {  	v18 =	vand.u32 $0x7FFFFF, v33;
	v19 =	vsub.f32 $1.000000000e+00, v15;
	v16 =	vadd.f32 $-1.000000000e+00, v16  }
0x19f: {  	v18 =	vor.u32 $0x3F800000, v18;
	v39 =	vand.u32 $0x7FFFFF, v15;
	v25 =	vsub.f32 $2.223311070e-01, v25  }
0x1a0: {  	v41 =	vadd.f32 $-1.000000000e+00, v18;
	v40 =	vadd.s32 $0xFFFFFF81, v23;
	v26 =	vadd.s32 $0xFFFFFF81, v26  }
0x1a1: {  	v39 =	vor.u32 $0x3F800000, v39;
	v18 =	vor.u32 $0x3F800000, v35;
	v35 =	vmul.f32 $5.643762650e-02, v16  }
0x1a2: {  	v23 =	vadd.f32 $-1.000000000e+00, v18;
	v18 =	vshra.s32 v33, $0x17;
	v25 =	vmul.f32 v25, v32  }
0x1a3: {  	v42 =	vsub.f32 $1.000000000e+00, v22;
	v43 =	vmul.f32 $5.643762650e-02, v41;
	v39 =	vadd.f32 $-1.000000000e+00, v39  }
0x1a4: {  	v44 =	vcvt.s32.f32 v26;
	v45 =	vadd.s32 $0xFFFFFF81, v18;
	v25 =	vadd.f32 $-4.702288210e-01, v25  }
0x1a5: {  	v40 =	vcvt.s32.f32 v40;
	v26 =	vshra.s32 v37, $0x17;
	v46 =	vmul.f32 $5.643762650e-02, v23  }
0x1a6: {  	v22 =	vadd.f32 $-1.000000000e+00, v17;
	v17 =	vmul.f32 v42, v42;
	v18 =	vmul.f32 $6.931471820e-01, v44  }
0x1a7: {  	v44 =	vmul.f32 $5.643762650e-02, v39;
	v42 =	vsub.f32 $2.223311070e-01, v46;
	v25 =	vmul.f32 v25, v32  }
0x1a8: {  	v43 =	vsub.f32 $2.223311070e-01, v43;
	v36 =	vadd.s32 $0xFFFFFF81, v36;
	v45 =	vcvt.s32.f32 v45  }
0x1a9: {  	v38 =	vmul.f32 v38, v31;
	v44 =	vsub.f32 $2.223311070e-01, v44;
	v42 =	vmul.f32 v42, v23  }
0x1aa: {  	v43 =	vmul.f32 v43, v41;
	v36 =	vcvt.s32.f32 v36;
	v46 =	vadd.f32 $9.974678150e-01, v25  }
0x1ab: {  	v25 =	vsub.f32 $1.000000000e+00, v33;
	v33 =	vadd.f32 $-4.702288210e-01, v38;
	v38 =	vadd.s32 $0xFFFFFF81, v20  }
0x1ac: {  	v27 =	vadd.f32 $-1.000000000e+00, v27;
	v20 =	vmul.f32 $6.931471820e-01, v36;
	v32 =	vmul.f32 v46, v32  }
0x1ad: {  	v28 =	vsub.f32 $1.000000000e+00, v28;
	v36 =	vadd.f32 $-4.702288210e-01, v43;
	v33 =	vmul.f32 v33, v31  }
0x1ae: {  	v40 =	vmul.f32 $6.931471820e-01, v40;
	v42 =	vadd.f32 $-4.702288210e-01, v42;
	v32 =	vadd.f32 $8.395525580e-06, v32  }
0x1af: {  	v43 =	vmul.f32 v44, v39;
	v44 =	vmul.f32 $5.643762650e-02, v27;
	v33 =	vadd.f32 $9.974678150e-01, v33  }
0x1b0: {  	v32 =	vadd.f32 v32, v40;
	v40 =	vmul.f32 v28, v28;
	v28 =	vcvt.s32.f32 v38  }
0x1b1: {  	v36 =	vmul.f32 v36, v41;
	v31 =	vmul.f32 v33, v31;
	v33 =	vsub.f32 $2.223311070e-01, v44  }
0x1b2: {  	v34 =	vsub.f32 $1.000000000e+00, v34;
	v38 =	vmul.f32 $5.643762650e-02, v22;
	v32 =	vmul.f32 v32, v40  }
0x1b3: {  	v43 =	vadd.f32 $-4.702288210e-01, v43;
	v40 =	vmul.f32 v42, v23;
	v42 =	vadd.f32 $8.395525580e-06, v31  }
0x1b4: {  	v36 =	vadd.f32 $9.974678150e-01, v36;
	v38 =	vsub.f32 $2.223311070e-01, v38;
	v31 =	vmul.f32 v32, v24  }
0x1b5: {  	v44 =	vsub.f32 $2.223311070e-01, v35;
	v35 =	vmul.f32 v43, v39;
	v24 =	vmul.f32 v34, v34  }
.Ltmp3:
0x1b6: {  	v30 =	vsub.f32 $1.000000000e+00, v30;
	v38 =	vmul.f32 v38, v22;
	v32 =	vmul.f32 $6.931471820e-01, v45;
	(pc) =	sbr.rel @p1 .LBB2_5-.Ltmp3, $4  }
0x1b7: {  	v34 =	vadd.f32 $9.974678150e-01, v40;
	v40 =	vmul.f32 v36, v41;
	v41 =	vadd.f32 $9.974678150e-01, v35  }
0x1b8: {  	v43 =	vmul.f32 v33, v27;
	v36 =	vmul.f32 v44, v16;
	v35 =	vadd.f32 $-4.702288210e-01, v38  }
0x1b9: {  	v33 =	vadd.f32 $8.395525580e-06, v40;
	v38 =	vadd.f32 v42, v29;
	v29 =	vmul.f32 v41, v39  }
0x1ba: {  	v21 =	vmul.f32 v21, v21;
	v37 =	vsub.f32 $1.000000000e+00, v37;
	v39 =	vadd.f32 $-4.702288210e-01, v43  }
0x1bb: {  	v36 =	vadd.f32 $-4.702288210e-01, v36;
	v35 =	vmul.f32 v35, v22;
	v14 =	vmul.f32 v38, v14  }
0x1bc: {  	v26 =	vadd.s32 $0xFFFFFF81, v26;
	v23 =	vmul.f32 v34, v23;
	v15 =	vshra.s32 v15, $0x17  }
0x1bd: {  	v19 =	vmul.f32 v19, v19;
	v30 =	vmul.f32 v30, v30;
	v32 =	vadd.f32 v33, v32  }
0x1be: {  	v54 =	vmul.f32 v25, v25;
	v36 =	vmul.f32 v36, v16;
	v35 =	vadd.f32 $9.974678150e-01, v35  }
0x1bf: {  	v57 =	vmul.f32 $6.931471820e-01, v28;
	v58 =	vadd.f32 $8.395525580e-06, v29;
	v37 =	vmul.f32 v37, v37  }
0x1c0: {  	v48 =	vmul.f32 v39, v27;
	v36 =	vadd.f32 $9.974678150e-01, v36;
	v51 =	vmul.f32 v35, v22  }
0x1c1: {  	v26 =	vcvt.s32.f32 v26;
	v15 =	vadd.s32 $0xFFFFFF81, v15;
	v14 =	vmul.f32 v14, v21  }
0x1c2: {  	v49 =	vadd.f32 $9.974678150e-01, v48;
	v50 =	vmul.f32 v36, v16;
	v53 =	vadd.f32 $8.395525580e-06, v51  }
0x1c3: {  	v15 =	vcvt.s32.f32 v15;
	v56 =	vadd.f32 $8.395525580e-06, v23;
	v26 =	vmul.f32 $6.931471820e-01, v26  }
0x1c4: {  	v52 =	vmul.f32 v49, v27;
	v16 =	vadd.f32 $8.395525580e-06, v50;
	v18 =	vadd.f32 v53, v18  }
0x1c5: {  	v60 =	vmul.f32 v32, v54;
	v15 =	vmul.f32 $6.931471820e-01, v15;
	v59 =	vadd.f32 v56, v20  }
0x1c6: {  	v55 =	vadd.f32 $8.395525580e-06, v52;
	v16 =	vadd.f32 v16, v26;
	v17 =	vmul.f32 v18, v17  }
0x1c7: {  	v9 =	vmul.f32 v60, v9;
	v15 =	vadd.f32 v58, v15;
	v62 =	vmul.f32 v59, v24  }
0x1c8: {  	v61 =	vadd.f32 v55, v57;
	v16 =	vmul.f32 v16, v37;
	v7 =	vmul.f32 v17, v7  }
0x1c9: {  	v4 =	vadd.f32 v31, v4;
	v6 =	vmul.f32 v62, v6;
	v63 =	vmul.f32 v15, v19  }
0x1ca: {  	v10 =	vmul.f32 v16, v10;
	v16 =	vmul.f32 v61, v30;
	v7 =	vadd.f32 v7, v13  }
0x1cb: {  	v4 =	vadd.f32 v14, v4;
	v6 =	vadd.f32 v6, v12;
	v5 =	vmul.f32 v63, v5  }
0x1cc: {  	v9 =	vadd.f32 v9, v11;
	v8 =	vmul.f32 v16, v8;
	v7 =	vadd.f32 v10, v7  }
0x1cd: {  	v5 =	vadd.f32 v5, v6  }
0x1ce: {  	v8 =	vadd.f32 v8, v9;
	v4 =	vadd.f32 v4, v7  }
.Ltmp4:
0x1cf: {  	_ = 	snop;
	(pc) =	sbr.rel @p0 .LBB2_8-.Ltmp4, $2  }
0x1d0: {  	v3 =	vadd.f32 v4, v3;
	v4 =	vadd.f32 v8, v5;
	_ =	sdelay $0x1  }
0x1d1: {  	v3 =	vadd.f32 v4, v3;
	_ =	sdelay $0x1  }
0x1d2: {  	s3 =	sadd.s32 s24, s15  }
.Ltmp5:
0x1d3: {  	s3 =	sshrl.u32 s3, $0x3;
	(pc) =	sbr.rel .LBB2_2-.Ltmp5, $4  }
0x1d4: {  	s16 =	sadd.s32 s0, s3  }
0x1d5: {  	[tilespmem:s25], [sflag:$0x7] =	stream.linear.gather [hbm4b:s16+s6], $0x4000, $0x38;
	[tilespmem:$0x10580] =	vst v63  }
0x1d6: {  	s23 =	sadd.s32 $0x1, s23;
	s3 =	sadd.s32 s2, s3  }
0x1d7: {  	[tilespmem:s26], [sflag:$0x9] =	stream.linear.gather [hbm4b:s3+s6], $0x4000, $0x38;
	[tilespmem:$0x10580] =	vst v63  }
.LBB2_9:
0x1d8: {  	_ =	sfence.sel $0x180000  }
0x1d9: {  	[bflag:$0x0] =	sbarrier.arrive $0xFFFF  }
0x1da: {  	_ =	strace $0x90000047  }
0x1db: {  	s0 =	stileid.u32;
	[bflag:$0x2] =	sbarrier.arrive $0xFFFF  }
0x1dc: {  	p0 =	sne.s32 s0, $0x0;
	s0 =	rddreg [dreg:$0x7]  }
0x1dd: {  	s0 =	sadd.s32 @!p0 $0x100000, s0  }
0x1de: {  	[sflag:s0] =	ssyncadd.tile.s32 @!p0 $0x1;
	_ =	shalt  }
.Lfunc_end2:
_tile_overlayer_lowered:
.L_overlay_start_2:
0x1df: {  	(tag) =	ssettag $0x2  }
0x1e0: {  	s0 =	rddreg [dreg:$0x0];
	s2 =	stileid.u32  }
0x1e1: {  	s1 =	rddreg [dreg:$0x1];
	p0 =	sne.s32 s2, $0x0  }
0x1e2: {  	s3 =	rddreg [dreg:$0x2];
	[bflag:$0x3] =	sbarrier.arrive $0xFFFF;
	s2 =	simm.s32 @!p0 $0x1C0A  }
0x1e3: {  	[timem:s3], [sflag:s2] =	dma.local @!p0 [hbm:s0], s1  }
0x1e4: {  	s0 =	simm.s32 @!p0 $0xA  }
0x1e5: {  	_ =	swait.ge @!p0 [sflag:s0], s1  }
0x1e6: {  	s1 =	ssub.s32 @!p0 $0x0, s1;
	[sflag:s0] =	ssyncset.done @!p0 $0x0  }
0x1e7: {  	[sflag:s0] =	ssyncadd.s32 @!p0 s1  }
0x1e8: {  	[bflag:$0x3] =	sbarrier.arrive $0xFFFF  }
0x1e9: {  	_ =	shalt  }

</sc_bundles>
